<compile_context>
chip_gen: v7x
topology: tpu7x:2x2x1
jax: 0.10.2.dev20260603
libtpu: 0.0.44.dev20260713+nightly
codegen_flags: <defaults>
</compile_context>

<pallas_src>
import jax
import jax.numpy as jnp
from jax import lax
from jax.experimental import pallas as pl
from jax.experimental.pallas import tpu as pltpu
from jax.experimental.pallas import tpu_sc as plsc

N_NODES = 10000
N_EDGES = 320000
D_MODEL = 128
N_HEADS = 8
D_HEAD = D_MODEL // N_HEADS

NUM_SC = 2
NUM_TILES = 16
CHUNK = 64
NCH = 320
IGRP = 32
NBUF = 4
E_PAD = NUM_TILES * NCH * CHUNK
ACC_ROWS = 10240
ROW_BLK = 1000


def _tc_precompute(x_ref, wq_ref, a1_ref, bq_ref, out_ref):
    q = jnp.dot(x_ref[...], wq_ref[...], preferred_element_type=jnp.float32)
    q = q + bq_ref[...]
    u = jnp.dot(q, a1_ref[...], preferred_element_type=jnp.float32)
    e = jnp.exp(u)
    out_ref[0] = e
    out_ref[1] = q * e


def _tc_finalize(x_ref, s_ref, t_ref, out_ref):
    s = s_ref[...]
    t = t_ref[...]
    agg = jnp.where(s > 0, t / jnp.where(s > 0, s, 1.0), 0.0)
    out_ref[...] = x_ref[...] + jnp.maximum(agg, 0.0)


def _sc_segment_sum(tab, sidx_hbm, ridx_hbm, zeros_hbm, out,
                    acc, sidx, ridx, g0, g1, g2, g3, gs0, gs1, gs2, gs3,
                    ss0, ss1, ss2, ss3):
    cid = lax.axis_index("c")
    sid = lax.axis_index("s")
    rows_per_tile = ACC_ROWS // NUM_TILES
    pltpu.sync_copy(zeros_hbm.at[pl.ds(sid * rows_per_tile, rows_per_tile)],
                    acc.at[pl.ds(sid * rows_per_tile, rows_per_tile)])
    plsc.subcore_barrier()

    gbufs = (g0, g1, g2, g3)
    gsems = (gs0, gs1, gs2, gs3)
    ssems = (ss0, ss1, ss2, ss3)

    def group(g, carry):
        base = sid * NCH + g * IGRP
        d_s = pltpu.async_copy(sidx_hbm.at[cid, pl.ds(base, IGRP)], sidx, gs0)
        d_r = pltpu.async_copy(ridx_hbm.at[pl.ds(base, IGRP)], ridx, gs1)

        gather_d = [None] * NBUF
        scatter_d = [None] * NBUF

        def gather(j):
            return pltpu.async_copy(
                tab.at[sidx.at[j]], gbufs[j % NBUF], gsems[j % NBUF])

        d_s.wait()
        gather_d[0] = gather(0)
        gather_d[1] = gather(1)
        d_r.wait()
        for j in range(IGRP):
            b = j % NBUF
            gather_d[b].wait()
            scatter_d[b] = pltpu.async_copy(
                gbufs[b], acc.at[ridx.at[j]], ssems[b], add=True)
            if j + 2 < IGRP:
                nb = (j + 2) % NBUF
                if j >= 2:
                    scatter_d[nb].wait()
                gather_d[nb] = gather(j + 2)
        for t in range(IGRP - NBUF, IGRP):
            scatter_d[t % NBUF].wait()
        return carry

    lax.fori_loop(0, NCH // IGRP, group, 0)
    plsc.subcore_barrier()
    pltpu.sync_copy(acc.at[pl.ds(sid * rows_per_tile, rows_per_tile)],
                    out.at[cid, pl.ds(sid * rows_per_tile, rows_per_tile)])


def kernel(nodes, edge_index, Wq, bq, Wa, ba):
    del ba
    Wq_all = jnp.transpose(Wq, (1, 0, 2)).reshape(D_MODEL, D_MODEL)
    bq_flat = bq.reshape(1, D_MODEL)
    A1bd = jax.scipy.linalg.block_diag(
        *[Wa[i, :D_HEAD] for i in range(N_HEADS)])

    grid = N_NODES // ROW_BLK
    ep = pl.pallas_call(
        _tc_precompute,
        grid=(grid,),
        in_specs=[
            pl.BlockSpec((ROW_BLK, D_MODEL), lambda i: (i, 0)),
            pl.BlockSpec((D_MODEL, D_MODEL), lambda i: (0, 0)),
            pl.BlockSpec((D_MODEL, D_MODEL), lambda i: (0, 0)),
            pl.BlockSpec((1, D_MODEL), lambda i: (0, 0)),
        ],
        out_specs=pl.BlockSpec((2, ROW_BLK, D_MODEL), lambda i: (0, i, 0)),
        out_shape=jax.ShapeDtypeStruct((2, N_NODES, D_MODEL), jnp.float32),
    )(nodes, Wq_all, A1bd, bq_flat)
    tab = ep.reshape(2 * N_NODES, D_MODEL)

    senders = edge_index[0]
    receivers = edge_index[1]
    pad = E_PAD - N_EDGES
    s_pad = jnp.concatenate(
        [senders, jnp.zeros((pad,), jnp.int32)]).reshape(NUM_TILES * NCH, CHUNK)
    sidx2 = jnp.stack([s_pad, s_pad + N_NODES])
    r_pad = jnp.concatenate(
        [receivers, jnp.full((pad,), N_NODES, jnp.int32)]
    ).reshape(NUM_TILES * NCH, CHUNK)
    zeros = jnp.zeros((ACC_ROWS, D_MODEL), jnp.float32)

    mesh = plsc.VectorSubcoreMesh(core_axis_name="c", subcore_axis_name="s")
    st = pl.kernel(
        _sc_segment_sum,
        out_type=jax.ShapeDtypeStruct((2, ACC_ROWS, D_MODEL), jnp.float32),
        mesh=mesh,
        scratch_types=[
            pltpu.VMEM_SHARED((ACC_ROWS, D_MODEL), jnp.float32),
            pltpu.VMEM((IGRP, CHUNK), jnp.int32),
            pltpu.VMEM((IGRP, CHUNK), jnp.int32),
            pltpu.VMEM((CHUNK, D_MODEL), jnp.float32),
            pltpu.VMEM((CHUNK, D_MODEL), jnp.float32),
            pltpu.VMEM((CHUNK, D_MODEL), jnp.float32),
            pltpu.VMEM((CHUNK, D_MODEL), jnp.float32),
        ] + [pltpu.SemaphoreType.DMA] * 8,
    )(tab, sidx2, r_pad, zeros)
    s_sum = st[0]
    t_sum = st[1]

    out = pl.pallas_call(
        _tc_finalize,
        grid=(grid,),
        in_specs=[pl.BlockSpec((ROW_BLK, D_MODEL), lambda i: (i, 0))] * 3,
        out_specs=pl.BlockSpec((ROW_BLK, D_MODEL), lambda i: (i, 0)),
        out_shape=jax.ShapeDtypeStruct((N_NODES, D_MODEL), jnp.float32),
    )(nodes, s_sum, t_sum)
    return out

# --- scband reference (transcript-rebuilt; emitter-appended) ---
"""Pipeline reference for scband-multi-head-gat-88811333747472 (READ-ONLY COPY).

The authoritative reference and input builder live on the scoring server;
editing this copy changes nothing except your own understanding.
"""

import jax, jax.numpy as jnp
import numpy as np

N_NODES = 10000
N_EDGES = 320000
D_MODEL = 128
N_HEADS = 8
D_HEAD = D_MODEL // N_HEADS


def setup_inputs(seed: int = 0) -> dict:
    key = jax.random.key(seed)
    ks = jax.random.split(key, 6)
    nodes = jax.random.normal(ks[0], (N_NODES, D_MODEL), dtype=jnp.float32)
    edge_index = jax.random.randint(ks[1], (2, N_EDGES), 0, N_NODES, dtype=jnp.int32)
    # Learned params: per head i, a query Dense(D_HEAD) and an attention-logit Dense(D_HEAD)
    Wq = jax.random.normal(ks[2], (N_HEADS, D_MODEL, D_HEAD), dtype=jnp.float32) / np.sqrt(D_MODEL)
    bq = jnp.zeros((N_HEADS, D_HEAD), dtype=jnp.float32)
    Wa = jax.random.normal(ks[3], (N_HEADS, 2 * D_HEAD, D_HEAD), dtype=jnp.float32) / np.sqrt(2 * D_HEAD)
    ba = jnp.zeros((N_HEADS, D_HEAD), dtype=jnp.float32)
    return {"nodes": nodes, "edge_index": edge_index, "Wq": Wq, "bq": bq, "Wa": Wa, "ba": ba}


def reference(nodes, edge_index, Wq, bq, Wa, ba):
    # Faithful jraph.GAT per head, outputs concatenated, residual added (module's __call__)
    senders = edge_index[0]
    receivers = edge_index[1]
    N = nodes.shape[0]
    outs = []
    for i in range(N_HEADS):
        # attention_query_fn: Dense(D_HEAD, use_bias=True)
        q = nodes @ Wq[i] + bq[i]
        sent = q[senders]
        recv = q[receivers]
        # attention_logit_fn: Dense(D_HEAD) on concat(sent, recv); edges deleted
        logits = jnp.concatenate((sent, recv), axis=1) @ Wa[i] + ba[i]
        # jraph.segment_softmax over receivers
        maxs = jax.ops.segment_max(logits, receivers, num_segments=N)
        e = jnp.exp(logits - maxs[receivers])
        sums = jax.ops.segment_sum(e, receivers, num_segments=N)
        w = e / sums[receivers]
        # weighted messages aggregated to receiver nodes
        msg = sent * w
        agg = jax.ops.segment_sum(msg, receivers, num_segments=N)
        # node_update_fn=None -> jraph default relu
        outs.append(jax.nn.relu(agg))
    upd = jnp.concatenate(outs, axis=-1)
    return nodes + upd

if __name__ == "__main__":
    import jax
    _d = setup_inputs()
    print(jax.jit(kernel)(*tuple(_d.values())))

</pallas_src>

<mosaic_0001>
#map = affine_map<(d0, d1) -> (0, 0)>
#map1 = affine_map<(d0, d1) -> (0, 0, 0)>
module attributes {stable_mosaic.version = 14 : i64} {
  func.func @_sc_segment_sum(%arg0: i32, %arg1: i32, %arg2: memref<20000x128xf32, #tpu.memory_space<hbm>>, %arg3: memref<2x5120x64xi32, #tpu.memory_space<hbm>>, %arg4: memref<5120x64xi32, #tpu.memory_space<hbm>>, %arg5: memref<10240x128xf32, #tpu.memory_space<hbm>>, %arg6: memref<2x10240x128xf32, #tpu.memory_space<hbm>>, %arg7: memref<10240x128xf32, #tpu.memory_space<vmem_shared>>, %arg8: memref<32x64xi32, #tpu.memory_space<vmem>>, %arg9: memref<32x64xi32, #tpu.memory_space<vmem>>, %arg10: memref<64x128xf32, #tpu.memory_space<vmem>>, %arg11: memref<64x128xf32, #tpu.memory_space<vmem>>, %arg12: memref<64x128xf32, #tpu.memory_space<vmem>>, %arg13: memref<64x128xf32, #tpu.memory_space<vmem>>, %arg14: memref<!tpu.dma_semaphore, #tpu.memory_space<semaphore_mem>>, %arg15: memref<!tpu.dma_semaphore, #tpu.memory_space<semaphore_mem>>, %arg16: memref<!tpu.dma_semaphore, #tpu.memory_space<semaphore_mem>>, %arg17: memref<!tpu.dma_semaphore, #tpu.memory_space<semaphore_mem>>, %arg18: memref<!tpu.dma_semaphore, #tpu.memory_space<semaphore_mem>>, %arg19: memref<!tpu.dma_semaphore, #tpu.memory_space<semaphore_mem>>, %arg20: memref<!tpu.dma_semaphore, #tpu.memory_space<semaphore_mem>>, %arg21: memref<!tpu.dma_semaphore, #tpu.memory_space<semaphore_mem>>) attributes {dimension_semantics = [#tpu.dimension_semantics<core_parallel>, #tpu.dimension_semantics<subcore_parallel>], iteration_bounds = array<i64: 2, 16>, scalar_prefetch = 0 : i64, scratch_operands = 15 : i64, tpu.core_type = #tpu.core_type<sc_vector_subcore>, window_params = [{transform_indices = #map}, {transform_indices = #map1}, {transform_indices = #map}, {transform_indices = #map}, {transform_indices = #map1}]} {
    %mul3A = arith.constant 640 : i32
    %mul3A_0 = arith.muli %arg1, %mul3A : i32
    %mul3A_1 = arith.constant 640 : i32
    %mul3A_2 = arith.muli %arg1, %mul3A_1 : i32
    "tpu.region"() ({
      %run_scoped3A = tpu.sem_alloc : memref<!tpu.dma_semaphore, #tpu.memory_space<semaphore_mem>>
      %dma_start3A = arith.constant 0 : i32
      %dma_start3A_13 = tpu.memref_slice %arg7[%mul3A_2, %dma_start3A] : memref<10240x128xf32, #tpu.memory_space<vmem_shared>> -> memref<640x128xf32, #tpu.memory_space<vmem_shared>>
      %dma_start3A_14 = arith.constant 0 : i32
      %dma_start3A_15 = tpu.memref_slice %arg5[%mul3A_0, %dma_start3A_14] : memref<10240x128xf32, #tpu.memory_space<hbm>> -> memref<640x128xf32, #tpu.memory_space<hbm>>
      tpu.enqueue_dma source(%dma_start3A_15 : memref<640x128xf32, #tpu.memory_space<hbm>>) target(%dma_start3A_13 : memref<640x128xf32, #tpu.memory_space<vmem_shared>>) target_semaphore(%run_scoped3A : memref<!tpu.dma_semaphore, #tpu.memory_space<semaphore_mem>>)
      %dma_wait3A = arith.constant 0 : i32
      %dma_wait3A_16 = tpu.memref_slice %arg7[%mul3A_2, %dma_wait3A] : memref<10240x128xf32, #tpu.memory_space<vmem_shared>> -> memref<640x128xf32, #tpu.memory_space<vmem_shared>>
      %dma_wait3A_17 = arith.constant 0 : i32
      %dma_wait3A_18 = tpu.memref_slice %arg5[%mul3A_0, %dma_wait3A_17] : memref<10240x128xf32, #tpu.memory_space<hbm>> -> memref<640x128xf32, #tpu.memory_space<hbm>>
      tpu.wait_dma2 semaphore(%run_scoped3A : memref<!tpu.dma_semaphore, #tpu.memory_space<semaphore_mem>>) src(%dma_wait3A_18 : memref<640x128xf32, #tpu.memory_space<hbm>>) dst(%dma_wait3A_16 : memref<640x128xf32, #tpu.memory_space<vmem_shared>>)
      tpu.yield
    }) : () -> ()
    %barrier3A = arith.constant 0 : index
    tpu.barrier barrier_id(%barrier3A)
    %scan3A = arith.constant 0 : i32
    %scan3A_3 = arith.constant 0 : i32
    %scan3A_4 = arith.constant 10 : i32
    %scan3A_5 = arith.addi %scan3A_3, %scan3A_4 : i32
    %scan3A_6 = arith.constant 1 : i32
    scf.for %scan3A_13 = %scan3A_3 to %scan3A_5 step %scan3A_6  : i32 {
      %mul3A_14 = arith.constant 320 : i32
      %mul3A_15 = arith.muli %arg1, %mul3A_14 : i32
      %mul3A_16 = arith.constant 32 : i32
      %mul3A_17 = arith.muli %scan3A_13, %mul3A_16 : i32
      %add3A = arith.addi %mul3A_15, %mul3A_17 : i32
      %dma_start3A = arith.constant 0 : i32
      %dma_start3A_18 = tpu.memref_slice %arg3[%arg0, %add3A, %dma_start3A] : memref<2x5120x64xi32, #tpu.memory_space<hbm>> -> memref<1x32x64xi32, #tpu.memory_space<hbm>>
      %dma_start3A_19 = tpu.memref_squeeze %dma_start3A_18 : memref<1x32x64xi32, #tpu.memory_space<hbm>> -> memref<32x64xi32, #tpu.memory_space<hbm>>
      %dma_start3A_20 = arith.constant 0 : i32
      %dma_start3A_21 = tpu.memref_slice %arg3[%arg0, %add3A, %dma_start3A_20] : memref<2x5120x64xi32, #tpu.memory_space<hbm>> -> memref<1x32x64xi32, #tpu.memory_space<hbm>>
      %dma_start3A_22 = tpu.memref_squeeze %dma_start3A_21 : memref<1x32x64xi32, #tpu.memory_space<hbm>> -> memref<32x64xi32, #tpu.memory_space<hbm>>
      tpu.enqueue_dma source(%dma_start3A_22 : memref<32x64xi32, #tpu.memory_space<hbm>>) target(%arg8 : memref<32x64xi32, #tpu.memory_space<vmem>>) target_semaphore(%arg14 : memref<!tpu.dma_semaphore, #tpu.memory_space<semaphore_mem>>)
      %dma_start3A_23 = arith.constant 0 : i32
      %dma_start3A_24 = tpu.memref_slice %arg4[%add3A, %dma_start3A_23] : memref<5120x64xi32, #tpu.memory_space<hbm>> -> memref<32x64xi32, #tpu.memory_space<hbm>>
      %dma_start3A_25 = arith.constant 0 : i32
      %dma_start3A_26 = tpu.memref_slice %arg4[%add3A, %dma_start3A_25] : memref<5120x64xi32, #tpu.memory_space<hbm>> -> memref<32x64xi32, #tpu.memory_space<hbm>>
      tpu.enqueue_dma source(%dma_start3A_26 : memref<32x64xi32, #tpu.memory_space<hbm>>) target(%arg9 : memref<32x64xi32, #tpu.memory_space<vmem>>) target_semaphore(%arg15 : memref<!tpu.dma_semaphore, #tpu.memory_space<semaphore_mem>>)
      %dma_wait3A = arith.constant 0 : i32
      %dma_wait3A_27 = tpu.memref_slice %arg3[%arg0, %add3A, %dma_wait3A] : memref<2x5120x64xi32, #tpu.memory_space<hbm>> -> memref<1x32x64xi32, #tpu.memory_space<hbm>>
      %dma_wait3A_28 = tpu.memref_squeeze %dma_wait3A_27 : memref<1x32x64xi32, #tpu.memory_space<hbm>> -> memref<32x64xi32, #tpu.memory_space<hbm>>
      %dma_wait3A_29 = arith.constant 0 : i32
      %dma_wait3A_30 = tpu.memref_slice %arg3[%arg0, %add3A, %dma_wait3A_29] : memref<2x5120x64xi32, #tpu.memory_space<hbm>> -> memref<1x32x64xi32, #tpu.memory_space<hbm>>
      %dma_wait3A_31 = tpu.memref_squeeze %dma_wait3A_30 : memref<1x32x64xi32, #tpu.memory_space<hbm>> -> memref<32x64xi32, #tpu.memory_space<hbm>>
      tpu.wait_dma2 semaphore(%arg14 : memref<!tpu.dma_semaphore, #tpu.memory_space<semaphore_mem>>) src(%dma_wait3A_31 : memref<32x64xi32, #tpu.memory_space<hbm>>) dst(%arg8 : memref<32x64xi32, #tpu.memory_space<vmem>>)
      %dma_start3A_32 = arith.constant 0 : i32
      %dma_start3A_33 = arith.constant 0 : i32
      %dma_start3A_34 = tpu.memref_slice %arg8[%dma_start3A_32, %dma_start3A_33] : memref<32x64xi32, #tpu.memory_space<vmem>> -> memref<1x64xi32, #tpu.memory_space<vmem>>
      %dma_start3A_35 = tpu.memref_squeeze %dma_start3A_34 : memref<1x64xi32, #tpu.memory_space<vmem>> -> memref<64xi32, #tpu.memory_space<vmem>>
      %dma_start3A_36 = arith.constant 0 : i32
      %dma_start3A_37 = arith.constant 0 : i32
      %dma_start3A_38 = tpu.memref_slice %arg2[%dma_start3A_36, %dma_start3A_37] : memref<20000x128xf32, #tpu.memory_space<hbm>> -> memref<20000x128xf32, #tpu.memory_space<hbm>>
      tpu.enqueue_indirect_dma source(%dma_start3A_38 : memref<20000x128xf32, #tpu.memory_space<hbm>>) target(%arg10 : memref<64x128xf32, #tpu.memory_space<vmem>>) offsets(%dma_start3A_35 : memref<64xi32, #tpu.memory_space<vmem>>) semaphore(%arg14 : memref<!tpu.dma_semaphore, #tpu.memory_space<semaphore_mem>>)
      %dma_start3A_39 = arith.constant 1 : i32
      %dma_start3A_40 = arith.constant 0 : i32
      %dma_start3A_41 = tpu.memref_slice %arg8[%dma_start3A_39, %dma_start3A_40] : memref<32x64xi32, #tpu.memory_space<vmem>> -> memref<1x64xi32, #tpu.memory_space<vmem>>
      %dma_start3A_42 = tpu.memref_squeeze %dma_start3A_41 : memref<1x64xi32, #tpu.memory_space<vmem>> -> memref<64xi32, #tpu.memory_space<vmem>>
      %dma_start3A_43 = arith.constant 0 : i32
      %dma_start3A_44 = arith.constant 0 : i32
      %dma_start3A_45 = tpu.memref_slice %arg2[%dma_start3A_43, %dma_start3A_44] : memref<20000x128xf32, #tpu.memory_space<hbm>> -> memref<20000x128xf32, #tpu.memory_space<hbm>>
      tpu.enqueue_indirect_dma source(%dma_start3A_45 : memref<20000x128xf32, #tpu.memory_space<hbm>>) target(%arg11 : memref<64x128xf32, #tpu.memory_space<vmem>>) offsets(%dma_start3A_42 : memref<64xi32, #tpu.memory_space<vmem>>) semaphore(%arg15 : memref<!tpu.dma_semaphore, #tpu.memory_space<semaphore_mem>>)
      %dma_wait3A_46 = arith.constant 0 : i32
      %dma_wait3A_47 = tpu.memref_slice %arg4[%add3A, %dma_wait3A_46] : memref<5120x64xi32, #tpu.memory_space<hbm>> -> memref<32x64xi32, #tpu.memory_space<hbm>>
      %dma_wait3A_48 = arith.constant 0 : i32
      %dma_wait3A_49 = tpu.memref_slice %arg4[%add3A, %dma_wait3A_48] : memref<5120x64xi32, #tpu.memory_space<hbm>> -> memref<32x64xi32, #tpu.memory_space<hbm>>
      tpu.wait_dma2 semaphore(%arg15 : memref<!tpu.dma_semaphore, #tpu.memory_space<semaphore_mem>>) src(%dma_wait3A_49 : memref<32x64xi32, #tpu.memory_space<hbm>>) dst(%arg9 : memref<32x64xi32, #tpu.memory_space<vmem>>)
      %dma_wait3A_50 = arith.constant 0 : i32
      %dma_wait3A_51 = arith.constant 0 : i32
      %dma_wait3A_52 = tpu.memref_slice %arg8[%dma_wait3A_50, %dma_wait3A_51] : memref<32x64xi32, #tpu.memory_space<vmem>> -> memref<1x64xi32, #tpu.memory_space<vmem>>
      %dma_wait3A_53 = tpu.memref_squeeze %dma_wait3A_52 : memref<1x64xi32, #tpu.memory_space<vmem>> -> memref<64xi32, #tpu.memory_space<vmem>>
      %dma_wait3A_54 = arith.constant 0 : i32
      %dma_wait3A_55 = arith.constant 0 : i32
      %dma_wait3A_56 = tpu.memref_slice %arg2[%dma_wait3A_54, %dma_wait3A_55] : memref<20000x128xf32, #tpu.memory_space<hbm>> -> memref<20000x128xf32, #tpu.memory_space<hbm>>
      tpu.wait_indirect_dma semaphore(%arg14 : memref<!tpu.dma_semaphore, #tpu.memory_space<semaphore_mem>>) src(%dma_wait3A_56 : memref<20000x128xf32, #tpu.memory_space<hbm>>) dst(%arg10 : memref<64x128xf32, #tpu.memory_space<vmem>>)
      %dma_start3A_57 = arith.constant 0 : i32
      %dma_start3A_58 = arith.constant 0 : i32
      %dma_start3A_59 = tpu.memref_slice %arg9[%dma_start3A_57, %dma_start3A_58] : memref<32x64xi32, #tpu.memory_space<vmem>> -> memref<1x64xi32, #tpu.memory_space<vmem>>
      %dma_start3A_60 = tpu.memref_squeeze %dma_start3A_59 : memref<1x64xi32, #tpu.memory_space<vmem>> -> memref<64xi32, #tpu.memory_space<vmem>>
      %dma_start3A_61 = arith.constant 0 : i32
      %dma_start3A_62 = arith.constant 0 : i32
      %dma_start3A_63 = tpu.memref_slice %arg7[%dma_start3A_61, %dma_start3A_62] : memref<10240x128xf32, #tpu.memory_space<vmem_shared>> -> memref<10240x128xf32, #tpu.memory_space<vmem_shared>>
      tpu.enqueue_indirect_dma source(%arg10 : memref<64x128xf32, #tpu.memory_space<vmem>>) target(%dma_start3A_63 : memref<10240x128xf32, #tpu.memory_space<vmem_shared>>) offsets(%dma_start3A_60 : memref<64xi32, #tpu.memory_space<vmem>>) semaphore(%arg18 : memref<!tpu.dma_semaphore, #tpu.memory_space<semaphore_mem>>) {add = true}
      %dma_start3A_64 = arith.constant 2 : i32
      %dma_start3A_65 = arith.constant 0 : i32
      %dma_start3A_66 = tpu.memref_slice %arg8[%dma_start3A_64, %dma_start3A_65] : memref<32x64xi32, #tpu.memory_space<vmem>> -> memref<1x64xi32, #tpu.memory_space<vmem>>
      %dma_start3A_67 = tpu.memref_squeeze %dma_start3A_66 : memref<1x64xi32, #tpu.memory_space<vmem>> -> memref<64xi32, #tpu.memory_space<vmem>>
      %dma_start3A_68 = arith.constant 0 : i32
      %dma_start3A_69 = arith.constant 0 : i32
      %dma_start3A_70 = tpu.memref_slice %arg2[%dma_start3A_68, %dma_start3A_69] : memref<20000x128xf32, #tpu.memory_space<hbm>> -> memref<20000x128xf32, #tpu.memory_space<hbm>>
      tpu.enqueue_indirect_dma source(%dma_start3A_70 : memref<20000x128xf32, #tpu.memory_space<hbm>>) target(%arg12 : memref<64x128xf32, #tpu.memory_space<vmem>>) offsets(%dma_start3A_67 : memref<64xi32, #tpu.memory_space<vmem>>) semaphore(%arg16 : memref<!tpu.dma_semaphore, #tpu.memory_space<semaphore_mem>>)
      %dma_wait3A_71 = arith.constant 1 : i32
      %dma_wait3A_72 = arith.constant 0 : i32
      %dma_wait3A_73 = tpu.memref_slice %arg8[%dma_wait3A_71, %dma_wait3A_72] : memref<32x64xi32, #tpu.memory_space<vmem>> -> memref<1x64xi32, #tpu.memory_space<vmem>>
      %dma_wait3A_74 = tpu.memref_squeeze %dma_wait3A_73 : memref<1x64xi32, #tpu.memory_space<vmem>> -> memref<64xi32, #tpu.memory_space<vmem>>
      %dma_wait3A_75 = arith.constant 0 : i32
      %dma_wait3A_76 = arith.constant 0 : i32
      %dma_wait3A_77 = tpu.memref_slice %arg2[%dma_wait3A_75, %dma_wait3A_76] : memref<20000x128xf32, #tpu.memory_space<hbm>> -> memref<20000x128xf32, #tpu.memory_space<hbm>>
      tpu.wait_indirect_dma semaphore(%arg15 : memref<!tpu.dma_semaphore, #tpu.memory_space<semaphore_mem>>) src(%dma_wait3A_77 : memref<20000x128xf32, #tpu.memory_space<hbm>>) dst(%arg11 : memref<64x128xf32, #tpu.memory_space<vmem>>)
      %dma_start3A_78 = arith.constant 1 : i32
      %dma_start3A_79 = arith.constant 0 : i32
      %dma_start3A_80 = tpu.memref_slice %arg9[%dma_start3A_78, %dma_start3A_79] : memref<32x64xi32, #tpu.memory_space<vmem>> -> memref<1x64xi32, #tpu.memory_space<vmem>>
      %dma_start3A_81 = tpu.memref_squeeze %dma_start3A_80 : memref<1x64xi32, #tpu.memory_space<vmem>> -> memref<64xi32, #tpu.memory_space<vmem>>
      %dma_start3A_82 = arith.constant 0 : i32
      %dma_start3A_83 = arith.constant 0 : i32
      %dma_start3A_84 = tpu.memref_slice %arg7[%dma_start3A_82, %dma_start3A_83] : memref<10240x128xf32, #tpu.memory_space<vmem_shared>> -> memref<10240x128xf32, #tpu.memory_space<vmem_shared>>
      tpu.enqueue_indirect_dma source(%arg11 : memref<64x128xf32, #tpu.memory_space<vmem>>) target(%dma_start3A_84 : memref<10240x128xf32, #tpu.memory_space<vmem_shared>>) offsets(%dma_start3A_81 : memref<64xi32, #tpu.memory_space<vmem>>) semaphore(%arg19 : memref<!tpu.dma_semaphore, #tpu.memory_space<semaphore_mem>>) {add = true}
      %dma_start3A_85 = arith.constant 3 : i32
      %dma_start3A_86 = arith.constant 0 : i32
      %dma_start3A_87 = tpu.memref_slice %arg8[%dma_start3A_85, %dma_start3A_86] : memref<32x64xi32, #tpu.memory_space<vmem>> -> memref<1x64xi32, #tpu.memory_space<vmem>>
      %dma_start3A_88 = tpu.memref_squeeze %dma_start3A_87 : memref<1x64xi32, #tpu.memory_space<vmem>> -> memref<64xi32, #tpu.memory_space<vmem>>
      %dma_start3A_89 = arith.constant 0 : i32
      %dma_start3A_90 = arith.constant 0 : i32
      %dma_start3A_91 = tpu.memref_slice %arg2[%dma_start3A_89, %dma_start3A_90] : memref<20000x128xf32, #tpu.memory_space<hbm>> -> memref<20000x128xf32, #tpu.memory_space<hbm>>
      tpu.enqueue_indirect_dma source(%dma_start3A_91 : memref<20000x128xf32, #tpu.memory_space<hbm>>) target(%arg13 : memref<64x128xf32, #tpu.memory_space<vmem>>) offsets(%dma_start3A_88 : memref<64xi32, #tpu.memory_space<vmem>>) semaphore(%arg17 : memref<!tpu.dma_semaphore, #tpu.memory_space<semaphore_mem>>)
      %dma_wait3A_92 = arith.constant 2 : i32
      %dma_wait3A_93 = arith.constant 0 : i32
      %dma_wait3A_94 = tpu.memref_slice %arg8[%dma_wait3A_92, %dma_wait3A_93] : memref<32x64xi32, #tpu.memory_space<vmem>> -> memref<1x64xi32, #tpu.memory_space<vmem>>
      %dma_wait3A_95 = tpu.memref_squeeze %dma_wait3A_94 : memref<1x64xi32, #tpu.memory_space<vmem>> -> memref<64xi32, #tpu.memory_space<vmem>>
      %dma_wait3A_96 = arith.constant 0 : i32
      %dma_wait3A_97 = arith.constant 0 : i32
      %dma_wait3A_98 = tpu.memref_slice %arg2[%dma_wait3A_96, %dma_wait3A_97] : memref<20000x128xf32, #tpu.memory_space<hbm>> -> memref<20000x128xf32, #tpu.memory_space<hbm>>
      tpu.wait_indirect_dma semaphore(%arg16 : memref<!tpu.dma_semaphore, #tpu.memory_space<semaphore_mem>>) src(%dma_wait3A_98 : memref<20000x128xf32, #tpu.memory_space<hbm>>) dst(%arg12 : memref<64x128xf32, #tpu.memory_space<vmem>>)
      %dma_start3A_99 = arith.constant 2 : i32
      %dma_start3A_100 = arith.constant 0 : i32
      %dma_start3A_101 = tpu.memref_slice %arg9[%dma_start3A_99, %dma_start3A_100] : memref<32x64xi32, #tpu.memory_space<vmem>> -> memref<1x64xi32, #tpu.memory_space<vmem>>
      %dma_start3A_102 = tpu.memref_squeeze %dma_start3A_101 : memref<1x64xi32, #tpu.memory_space<vmem>> -> memref<64xi32, #tpu.memory_space<vmem>>
      %dma_start3A_103 = arith.constant 0 : i32
      %dma_start3A_104 = arith.constant 0 : i32
      %dma_start3A_105 = tpu.memref_slice %arg7[%dma_start3A_103, %dma_start3A_104] : memref<10240x128xf32, #tpu.memory_space<vmem_shared>> -> memref<10240x128xf32, #tpu.memory_space<vmem_shared>>
      tpu.enqueue_indirect_dma source(%arg12 : memref<64x128xf32, #tpu.memory_space<vmem>>) target(%dma_start3A_105 : memref<10240x128xf32, #tpu.memory_space<vmem_shared>>) offsets(%dma_start3A_102 : memref<64xi32, #tpu.memory_space<vmem>>) semaphore(%arg20 : memref<!tpu.dma_semaphore, #tpu.memory_space<semaphore_mem>>) {add = true}
      %dma_wait3A_106 = arith.constant 0 : i32
      %dma_wait3A_107 = arith.constant 0 : i32
      %dma_wait3A_108 = tpu.memref_slice %arg9[%dma_wait3A_106, %dma_wait3A_107] : memref<32x64xi32, #tpu.memory_space<vmem>> -> memref<1x64xi32, #tpu.memory_space<vmem>>
      %dma_wait3A_109 = tpu.memref_squeeze %dma_wait3A_108 : memref<1x64xi32, #tpu.memory_space<vmem>> -> memref<64xi32, #tpu.memory_space<vmem>>
      %dma_wait3A_110 = arith.constant 0 : i32
      %dma_wait3A_111 = arith.constant 0 : i32
      %dma_wait3A_112 = tpu.memref_slice %arg7[%dma_wait3A_110, %dma_wait3A_111] : memref<10240x128xf32, #tpu.memory_space<vmem_shared>> -> memref<10240x128xf32, #tpu.memory_space<vmem_shared>>
      tpu.wait_indirect_dma semaphore(%arg18 : memref<!tpu.dma_semaphore, #tpu.memory_space<semaphore_mem>>) src(%arg10 : memref<64x128xf32, #tpu.memory_space<vmem>>) dst(%dma_wait3A_112 : memref<10240x128xf32, #tpu.memory_space<vmem_shared>>)
      %dma_start3A_113 = arith.constant 4 : i32
      %dma_start3A_114 = arith.constant 0 : i32
      %dma_start3A_115 = tpu.memref_slice %arg8[%dma_start3A_113, %dma_start3A_114] : memref<32x64xi32, #tpu.memory_space<vmem>> -> memref<1x64xi32, #tpu.memory_space<vmem>>
      %dma_start3A_116 = tpu.memref_squeeze %dma_start3A_115 : memref<1x64xi32, #tpu.memory_space<vmem>> -> memref<64xi32, #tpu.memory_space<vmem>>
      %dma_start3A_117 = arith.constant 0 : i32
      %dma_start3A_118 = arith.constant 0 : i32
      %dma_start3A_119 = tpu.memref_slice %arg2[%dma_start3A_117, %dma_start3A_118] : memref<20000x128xf32, #tpu.memory_space<hbm>> -> memref<20000x128xf32, #tpu.memory_space<hbm>>
      tpu.enqueue_indirect_dma source(%dma_start3A_119 : memref<20000x128xf32, #tpu.memory_space<hbm>>) target(%arg10 : memref<64x128xf32, #tpu.memory_space<vmem>>) offsets(%dma_start3A_116 : memref<64xi32, #tpu.memory_space<vmem>>) semaphore(%arg14 : memref<!tpu.dma_semaphore, #tpu.memory_space<semaphore_mem>>)
      %dma_wait3A_120 = arith.constant 3 : i32
      %dma_wait3A_121 = arith.constant 0 : i32
      %dma_wait3A_122 = tpu.memref_slice %arg8[%dma_wait3A_120, %dma_wait3A_121] : memref<32x64xi32, #tpu.memory_space<vmem>> -> memref<1x64xi32, #tpu.memory_space<vmem>>
      %dma_wait3A_123 = tpu.memref_squeeze %dma_wait3A_122 : memref<1x64xi32, #tpu.memory_space<vmem>> -> memref<64xi32, #tpu.memory_space<vmem>>
      %dma_wait3A_124 = arith.constant 0 : i32
      %dma_wait3A_125 = arith.constant 0 : i32
      %dma_wait3A_126 = tpu.memref_slice %arg2[%dma_wait3A_124, %dma_wait3A_125] : memref<20000x128xf32, #tpu.memory_space<hbm>> -> memref<20000x128xf32, #tpu.memory_space<hbm>>
      tpu.wait_indirect_dma semaphore(%arg17 : memref<!tpu.dma_semaphore, #tpu.memory_space<semaphore_mem>>) src(%dma_wait3A_126 : memref<20000x128xf32, #tpu.memory_space<hbm>>) dst(%arg13 : memref<64x128xf32, #tpu.memory_space<vmem>>)
      %dma_start3A_127 = arith.constant 3 : i32
      %dma_start3A_128 = arith.constant 0 : i32
      %dma_start3A_129 = tpu.memref_slice %arg9[%dma_start3A_127, %dma_start3A_128] : memref<32x64xi32, #tpu.memory_space<vmem>> -> memref<1x64xi32, #tpu.memory_space<vmem>>
      %dma_start3A_130 = tpu.memref_squeeze %dma_start3A_129 : memref<1x64xi32, #tpu.memory_space<vmem>> -> memref<64xi32, #tpu.memory_space<vmem>>
      %dma_start3A_131 = arith.constant 0 : i32
      %dma_start3A_132 = arith.constant 0 : i32
      %dma_start3A_133 = tpu.memref_slice %arg7[%dma_start3A_131, %dma_start3A_132] : memref<10240x128xf32, #tpu.memory_space<vmem_shared>> -> memref<10240x128xf32, #tpu.memory_space<vmem_shared>>
      tpu.enqueue_indirect_dma source(%arg13 : memref<64x128xf32, #tpu.memory_space<vmem>>) target(%dma_start3A_133 : memref<10240x128xf32, #tpu.memory_space<vmem_shared>>) offsets(%dma_start3A_130 : memref<64xi32, #tpu.memory_space<vmem>>) semaphore(%arg21 : memref<!tpu.dma_semaphore, #tpu.memory_space<semaphore_mem>>) {add = true}
      %dma_wait3A_134 = arith.constant 1 : i32
      %dma_wait3A_135 = arith.constant 0 : i32
      %dma_wait3A_136 = tpu.memref_slice %arg9[%dma_wait3A_134, %dma_wait3A_135] : memref<32x64xi32, #tpu.memory_space<vmem>> -> memref<1x64xi32, #tpu.memory_space<vmem>>
      %dma_wait3A_137 = tpu.memref_squeeze %dma_wait3A_136 : memref<1x64xi32, #tpu.memory_space<vmem>> -> memref<64xi32, #tpu.memory_space<vmem>>
      %dma_wait3A_138 = arith.constant 0 : i32
      %dma_wait3A_139 = arith.constant 0 : i32
      %dma_wait3A_140 = tpu.memref_slice %arg7[%dma_wait3A_138, %dma_wait3A_139] : memref<10240x128xf32, #tpu.memory_space<vmem_shared>> -> memref<10240x128xf32, #tpu.memory_space<vmem_shared>>
      tpu.wait_indirect_dma semaphore(%arg19 : memref<!tpu.dma_semaphore, #tpu.memory_space<semaphore_mem>>) src(%arg11 : memref<64x128xf32, #tpu.memory_space<vmem>>) dst(%dma_wait3A_140 : memref<10240x128xf32, #tpu.memory_space<vmem_shared>>)
      %dma_start3A_141 = arith.constant 5 : i32
      %dma_start3A_142 = arith.constant 0 : i32
      %dma_start3A_143 = tpu.memref_slice %arg8[%dma_start3A_141, %dma_start3A_142] : memref<32x64xi32, #tpu.memory_space<vmem>> -> memref<1x64xi32, #tpu.memory_space<vmem>>
      %dma_start3A_144 = tpu.memref_squeeze %dma_start3A_143 : memref<1x64xi32, #tpu.memory_space<vmem>> -> memref<64xi32, #tpu.memory_space<vmem>>
      %dma_start3A_145 = arith.constant 0 : i32
      %dma_start3A_146 = arith.constant 0 : i32
      %dma_start3A_147 = tpu.memref_slice %arg2[%dma_start3A_145, %dma_start3A_146] : memref<20000x128xf32, #tpu.memory_space<hbm>> -> memref<20000x128xf32, #tpu.memory_space<hbm>>
      tpu.enqueue_indirect_dma source(%dma_start3A_147 : memref<20000x128xf32, #tpu.memory_space<hbm>>) target(%arg11 : memref<64x128xf32, #tpu.memory_space<vmem>>) offsets(%dma_start3A_144 : memref<64xi32, #tpu.memory_space<vmem>>) semaphore(%arg15 : memref<!tpu.dma_semaphore, #tpu.memory_space<semaphore_mem>>)
      %dma_wait3A_148 = arith.constant 4 : i32
      %dma_wait3A_149 = arith.constant 0 : i32
      %dma_wait3A_150 = tpu.memref_slice %arg8[%dma_wait3A_148, %dma_wait3A_149] : memref<32x64xi32, #tpu.memory_space<vmem>> -> memref<1x64xi32, #tpu.memory_space<vmem>>
      %dma_wait3A_151 = tpu.memref_squeeze %dma_wait3A_150 : memref<1x64xi32, #tpu.memory_space<vmem>> -> memref<64xi32, #tpu.memory_space<vmem>>
      %dma_wait3A_152 = arith.constant 0 : i32
      %dma_wait3A_153 = arith.constant 0 : i32
      %dma_wait3A_154 = tpu.memref_slice %arg2[%dma_wait3A_152, %dma_wait3A_153] : memref<20000x128xf32, #tpu.memory_space<hbm>> -> memref<20000x128xf32, #tpu.memory_space<hbm>>
      tpu.wait_indirect_dma semaphore(%arg14 : memref<!tpu.dma_semaphore, #tpu.memory_space<semaphore_mem>>) src(%dma_wait3A_154 : memref<20000x128xf32, #tpu.memory_space<hbm>>) dst(%arg10 : memref<64x128xf32, #tpu.memory_space<vmem>>)
      %dma_start3A_155 = arith.constant 4 : i32
      %dma_start3A_156 = arith.constant 0 : i32
      %dma_start3A_157 = tpu.memref_slice %arg9[%dma_start3A_155, %dma_start3A_156] : memref<32x64xi32, #tpu.memory_space<vmem>> -> memref<1x64xi32, #tpu.memory_space<vmem>>
      %dma_start3A_158 = tpu.memref_squeeze %dma_start3A_157 : memref<1x64xi32, #tpu.memory_space<vmem>> -> memref<64xi32, #tpu.memory_space<vmem>>
      %dma_start3A_159 = arith.constant 0 : i32
      %dma_start3A_160 = arith.constant 0 : i32
      %dma_start3A_161 = tpu.memref_slice %arg7[%dma_start3A_159, %dma_start3A_160] : memref<10240x128xf32, #tpu.memory_space<vmem_shared>> -> memref<10240x128xf32, #tpu.memory_space<vmem_shared>>
      tpu.enqueue_indirect_dma source(%arg10 : memref<64x128xf32, #tpu.memory_space<vmem>>) target(%dma_start3A_161 : memref<10240x128xf32, #tpu.memory_space<vmem_shared>>) offsets(%dma_start3A_158 : memref<64xi32, #tpu.memory_space<vmem>>) semaphore(%arg18 : memref<!tpu.dma_semaphore, #tpu.memory_space<semaphore_mem>>) {add = true}
      %dma_wait3A_162 = arith.constant 2 : i32
      %dma_wait3A_163 = arith.constant 0 : i32
      %dma_wait3A_164 = tpu.memref_slice %arg9[%dma_wait3A_162, %dma_wait3A_163] : memref<32x64xi32, #tpu.memory_space<vmem>> -> memref<1x64xi32, #tpu.memory_space<vmem>>
      %dma_wait3A_165 = tpu.memref_squeeze %dma_wait3A_164 : memref<1x64xi32, #tpu.memory_space<vmem>> -> memref<64xi32, #tpu.memory_space<vmem>>
      %dma_wait3A_166 = arith.constant 0 : i32
      %dma_wait3A_167 = arith.constant 0 : i32
      %dma_wait3A_168 = tpu.memref_slice %arg7[%dma_wait3A_166, %dma_wait3A_167] : memref<10240x128xf32, #tpu.memory_space<vmem_shared>> -> memref<10240x128xf32, #tpu.memory_space<vmem_shared>>
      tpu.wait_indirect_dma semaphore(%arg20 : memref<!tpu.dma_semaphore, #tpu.memory_space<semaphore_mem>>) src(%arg12 : memref<64x128xf32, #tpu.memory_space<vmem>>) dst(%dma_wait3A_168 : memref<10240x128xf32, #tpu.memory_space<vmem_shared>>)
      %dma_start3A_169 = arith.constant 6 : i32
      %dma_start3A_170 = arith.constant 0 : i32
      %dma_start3A_171 = tpu.memref_slice %arg8[%dma_start3A_169, %dma_start3A_170] : memref<32x64xi32, #tpu.memory_space<vmem>> -> memref<1x64xi32, #tpu.memory_space<vmem>>
      %dma_start3A_172 = tpu.memref_squeeze %dma_start3A_171 : memref<1x64xi32, #tpu.memory_space<vmem>> -> memref<64xi32, #tpu.memory_space<vmem>>
      %dma_start3A_173 = arith.constant 0 : i32
      %dma_start3A_174 = arith.constant 0 : i32
      %dma_start3A_175 = tpu.memref_slice %arg2[%dma_start3A_173, %dma_start3A_174] : memref<20000x128xf32, #tpu.memory_space<hbm>> -> memref<20000x128xf32, #tpu.memory_space<hbm>>
      tpu.enqueue_indirect_dma source(%dma_start3A_175 : memref<20000x128xf32, #tpu.memory_space<hbm>>) target(%arg12 : memref<64x128xf32, #tpu.memory_space<vmem>>) offsets(%dma_start3A_172 : memref<64xi32, #tpu.memory_space<vmem>>) semaphore(%arg16 : memref<!tpu.dma_semaphore, #tpu.memory_space<semaphore_mem>>)
      %dma_wait3A_176 = arith.constant 5 : i32
      %dma_wait3A_177 = arith.constant 0 : i32
      %dma_wait3A_178 = tpu.memref_slice %arg8[%dma_wait3A_176, %dma_wait3A_177] : memref<32x64xi32, #tpu.memory_space<vmem>> -> memref<1x64xi32, #tpu.memory_space<vmem>>
      %dma_wait3A_179 = tpu.memref_squeeze %dma_wait3A_178 : memref<1x64xi32, #tpu.memory_space<vmem>> -> memref<64xi32, #tpu.memory_space<vmem>>
      %dma_wait3A_180 = arith.constant 0 : i32
      %dma_wait3A_181 = arith.constant 0 : i32
      %dma_wait3A_182 = tpu.memref_slice %arg2[%dma_wait3A_180, %dma_wait3A_181] : memref<20000x128xf32, #tpu.memory_space<hbm>> -> memref<20000x128xf32, #tpu.memory_space<hbm>>
      tpu.wait_indirect_dma semaphore(%arg15 : memref<!tpu.dma_semaphore, #tpu.memory_space<semaphore_mem>>) src(%dma_wait3A_182 : memref<20000x128xf32, #tpu.memory_space<hbm>>) dst(%arg11 : memref<64x128xf32, #tpu.memory_space<vmem>>)
      %dma_start3A_183 = arith.constant 5 : i32
      %dma_start3A_184 = arith.constant 0 : i32
      %dma_start3A_185 = tpu.memref_slice %arg9[%dma_start3A_183, %dma_start3A_184] : memref<32x64xi32, #tpu.memory_space<vmem>> -> memref<1x64xi32, #tpu.memory_space<vmem>>
      %dma_start3A_186 = tpu.memref_squeeze %dma_start3A_185 : memref<1x64xi32, #tpu.memory_space<vmem>> -> memref<64xi32, #tpu.memory_space<vmem>>
      %dma_start3A_187 = arith.constant 0 : i32
      %dma_start3A_188 = arith.constant 0 : i32
      %dma_start3A_189 = tpu.memref_slice %arg7[%dma_start3A_187, %dma_start3A_188] : memref<10240x128xf32, #tpu.memory_space<vmem_shared>> -> memref<10240x128xf32, #tpu.memory_space<vmem_shared>>
      tpu.enqueue_indirect_dma source(%arg11 : memref<64x128xf32, #tpu.memory_space<vmem>>) target(%dma_start3A_189 : memref<10240x128xf32, #tpu.memory_space<vmem_shared>>) offsets(%dma_start3A_186 : memref<64xi32, #tpu.memory_space<vmem>>) semaphore(%arg19 : memref<!tpu.dma_semaphore, #tpu.memory_space<semaphore_mem>>) {add = true}
      %dma_wait3A_190 = arith.constant 3 : i32
      %dma_wait3A_191 = arith.constant 0 : i32
      %dma_wait3A_192 = tpu.memref_slice %arg9[%dma_wait3A_190, %dma_wait3A_191] : memref<32x64xi32, #tpu.memory_space<vmem>> -> memref<1x64xi32, #tpu.memory_space<vmem>>
      %dma_wait3A_193 = tpu.memref_squeeze %dma_wait3A_192 : memref<1x64xi32, #tpu.memory_space<vmem>> -> memref<64xi32, #tpu.memory_space<vmem>>
      %dma_wait3A_194 = arith.constant 0 : i32
      %dma_wait3A_195 = arith.constant 0 : i32
      %dma_wait3A_196 = tpu.memref_slice %arg7[%dma_wait3A_194, %dma_wait3A_195] : memref<10240x128xf32, #tpu.memory_space<vmem_shared>> -> memref<10240x128xf32, #tpu.memory_space<vmem_shared>>
      tpu.wait_indirect_dma semaphore(%arg21 : memref<!tpu.dma_semaphore, #tpu.memory_space<semaphore_mem>>) src(%arg13 : memref<64x128xf32, #tpu.memory_space<vmem>>) dst(%dma_wait3A_196 : memref<10240x128xf32, #tpu.memory_space<vmem_shared>>)
      %dma_start3A_197 = arith.constant 7 : i32
      %dma_start3A_198 = arith.constant 0 : i32
      %dma_start3A_199 = tpu.memref_slice %arg8[%dma_start3A_197, %dma_start3A_198] : memref<32x64xi32, #tpu.memory_space<vmem>> -> memref<1x64xi32, #tpu.memory_space<vmem>>
      %dma_start3A_200 = tpu.memref_squeeze %dma_start3A_199 : memref<1x64xi32, #tpu.memory_space<vmem>> -> memref<64xi32, #tpu.memory_space<vmem>>
      %dma_start3A_201 = arith.constant 0 : i32
      %dma_start3A_202 = arith.constant 0 : i32
      %dma_start3A_203 = tpu.memref_slice %arg2[%dma_start3A_201, %dma_start3A_202] : memref<20000x128xf32, #tpu.memory_space<hbm>> -> memref<20000x128xf32, #tpu.memory_space<hbm>>
      tpu.enqueue_indirect_dma source(%dma_start3A_203 : memref<20000x128xf32, #tpu.memory_space<hbm>>) target(%arg13 : memref<64x128xf32, #tpu.memory_space<vmem>>) offsets(%dma_start3A_200 : memref<64xi32, #tpu.memory_space<vmem>>) semaphore(%arg17 : memref<!tpu.dma_semaphore, #tpu.memory_space<semaphore_mem>>)
      %dma_wait3A_204 = arith.constant 6 : i32
      %dma_wait3A_205 = arith.constant 0 : i32
      %dma_wait3A_206 = tpu.memref_slice %arg8[%dma_wait3A_204, %dma_wait3A_205] : memref<32x64xi32, #tpu.memory_space<vmem>> -> memref<1x64xi32, #tpu.memory_space<vmem>>
      %dma_wait3A_207 = tpu.memref_squeeze %dma_wait3A_206 : memref<1x64xi32, #tpu.memory_space<vmem>> -> memref<64xi32, #tpu.memory_space<vmem>>
      %dma_wait3A_208 = arith.constant 0 : i32
      %dma_wait3A_209 = arith.constant 0 : i32
      %dma_wait3A_210 = tpu.memref_slice %arg2[%dma_wait3A_208, %dma_wait3A_209] : memref<20000x128xf32, #tpu.memory_space<hbm>> -> memref<20000x128xf32, #tpu.memory_space<hbm>>
      tpu.wait_indirect_dma semaphore(%arg16 : memref<!tpu.dma_semaphore, #tpu.memory_space<semaphore_mem>>) src(%dma_wait3A_210 : memref<20000x128xf32, #tpu.memory_space<hbm>>) dst(%arg12 : memref<64x128xf32, #tpu.memory_space<vmem>>)
      %dma_start3A_211 = arith.constant 6 : i32
      %dma_start3A_212 = arith.constant 0 : i32
      %dma_start3A_213 = tpu.memref_slice %arg9[%dma_start3A_211, %dma_start3A_212] : memref<32x64xi32, #tpu.memory_space<vmem>> -> memref<1x64xi32, #tpu.memory_space<vmem>>
      %dma_start3A_214 = tpu.memref_squeeze %dma_start3A_213 : memref<1x64xi32, #tpu.memory_space<vmem>> -> memref<64xi32, #tpu.memory_space<vmem>>
      %dma_start3A_215 = arith.constant 0 : i32
      %dma_start3A_216 = arith.constant 0 : i32
      %dma_start3A_217 = tpu.memref_slice %arg7[%dma_start3A_215, %dma_start3A_216] : memref<10240x128xf32, #tpu.memory_space<vmem_shared>> -> memref<10240x128xf32, #tpu.memory_space<vmem_shared>>
      tpu.enqueue_indirect_dma source(%arg12 : memref<64x128xf32, #tpu.memory_space<vmem>>) target(%dma_start3A_217 : memref<10240x128xf32, #tpu.memory_space<vmem_shared>>) offsets(%dma_start3A_214 : memref<64xi32, #tpu.memory_space<vmem>>) semaphore(%arg20 : memref<!tpu.dma_semaphore, #tpu.memory_space<semaphore_mem>>) {add = true}
      %dma_wait3A_218 = arith.constant 4 : i32
      %dma_wait3A_219 = arith.constant 0 : i32
      %dma_wait3A_220 = tpu.memref_slice %arg9[%dma_wait3A_218, %dma_wait3A_219] : memref<32x64xi32, #tpu.memory_space<vmem>> -> memref<1x64xi32, #tpu.memory_space<vmem>>
      %dma_wait3A_221 = tpu.memref_squeeze %dma_wait3A_220 : memref<1x64xi32, #tpu.memory_space<vmem>> -> memref<64xi32, #tpu.memory_space<vmem>>
      %dma_wait3A_222 = arith.constant 0 : i32
      %dma_wait3A_223 = arith.constant 0 : i32
      %dma_wait3A_224 = tpu.memref_slice %arg7[%dma_wait3A_222, %dma_wait3A_223] : memref<10240x128xf32, #tpu.memory_space<vmem_shared>> -> memref<10240x128xf32, #tpu.memory_space<vmem_shared>>
      tpu.wait_indirect_dma semaphore(%arg18 : memref<!tpu.dma_semaphore, #tpu.memory_space<semaphore_mem>>) src(%arg10 : memref<64x128xf32, #tpu.memory_space<vmem>>) dst(%dma_wait3A_224 : memref<10240x128xf32, #tpu.memory_space<vmem_shared>>)
      %dma_start3A_225 = arith.constant 8 : i32
      %dma_start3A_226 = arith.constant 0 : i32
      %dma_start3A_227 = tpu.memref_slice %arg8[%dma_start3A_225, %dma_start3A_226] : memref<32x64xi32, #tpu.memory_space<vmem>> -> memref<1x64xi32, #tpu.memory_space<vmem>>
      %dma_start3A_228 = tpu.memref_squeeze %dma_start3A_227 : memref<1x64xi32, #tpu.memory_space<vmem>> -> memref<64xi32, #tpu.memory_space<vmem>>
      %dma_start3A_229 = arith.constant 0 : i32
      %dma_start3A_230 = arith.constant 0 : i32
      %dma_start3A_231 = tpu.memref_slice %arg2[%dma_start3A_229, %dma_start3A_230] : memref<20000x128xf32, #tpu.memory_space<hbm>> -> memref<20000x128xf32, #tpu.memory_space<hbm>>
      tpu.enqueue_indirect_dma source(%dma_start3A_231 : memref<20000x128xf32, #tpu.memory_space<hbm>>) target(%arg10 : memref<64x128xf32, #tpu.memory_space<vmem>>) offsets(%dma_start3A_228 : memref<64xi32, #tpu.memory_space<vmem>>) semaphore(%arg14 : memref<!tpu.dma_semaphore, #tpu.memory_space<semaphore_mem>>)
      %dma_wait3A_232 = arith.constant 7 : i32
      %dma_wait3A_233 = arith.constant 0 : i32
      %dma_wait3A_234 = tpu.memref_slice %arg8[%dma_wait3A_232, %dma_wait3A_233] : memref<32x64xi32, #tpu.memory_space<vmem>> -> memref<1x64xi32, #tpu.memory_space<vmem>>
      %dma_wait3A_235 = tpu.memref_squeeze %dma_wait3A_234 : memref<1x64xi32, #tpu.memory_space<vmem>> -> memref<64xi32, #tpu.memory_space<vmem>>
      %dma_wait3A_236 = arith.constant 0 : i32
      %dma_wait3A_237 = arith.constant 0 : i32
      %dma_wait3A_238 = tpu.memref_slice %arg2[%dma_wait3A_236, %dma_wait3A_237] : memref<20000x128xf32, #tpu.memory_space<hbm>> -> memref<20000x128xf32, #tpu.memory_space<hbm>>
      tpu.wait_indirect_dma semaphore(%arg17 : memref<!tpu.dma_semaphore, #tpu.memory_space<semaphore_mem>>) src(%dma_wait3A_238 : memref<20000x128xf32, #tpu.memory_space<hbm>>) dst(%arg13 : memref<64x128xf32, #tpu.memory_space<vmem>>)
      %dma_start3A_239 = arith.constant 7 : i32
      %dma_start3A_240 = arith.constant 0 : i32
      %dma_start3A_241 = tpu.memref_slice %arg9[%dma_start3A_239, %dma_start3A_240] : memref<32x64xi32, #tpu.memory_space<vmem>> -> memref<1x64xi32, #tpu.memory_space<vmem>>
      %dma_start3A_242 = tpu.memref_squeeze %dma_start3A_241 : memref<1x64xi32, #tpu.memory_space<vmem>> -> memref<64xi32, #tpu.memory_space<vmem>>
      %dma_start3A_243 = arith.constant 0 : i32
      %dma_start3A_244 = arith.constant 0 : i32
      %dma_start3A_245 = tpu.memref_slice %arg7[%dma_start3A_243, %dma_start3A_244] : memref<10240x128xf32, #tpu.memory_space<vmem_shared>> -> memref<10240x128xf32, #tpu.memory_space<vmem_shared>>
      tpu.enqueue_indirect_dma source(%arg13 : memref<64x128xf32, #tpu.memory_space<vmem>>) target(%dma_start3A_245 : memref<10240x128xf32, #tpu.memory_space<vmem_shared>>) offsets(%dma_start3A_242 : memref<64xi32, #tpu.memory_space<vmem>>) semaphore(%arg21 : memref<!tpu.dma_semaphore, #tpu.memory_space<semaphore_mem>>) {add = true}
      %dma_wait3A_246 = arith.constant 5 : i32
      %dma_wait3A_247 = arith.constant 0 : i32
      %dma_wait3A_248 = tpu.memref_slice %arg9[%dma_wait3A_246, %dma_wait3A_247] : memref<32x64xi32, #tpu.memory_space<vmem>> -> memref<1x64xi32, #tpu.memory_space<vmem>>
      %dma_wait3A_249 = tpu.memref_squeeze %dma_wait3A_248 : memref<1x64xi32, #tpu.memory_space<vmem>> -> memref<64xi32, #tpu.memory_space<vmem>>
      %dma_wait3A_250 = arith.constant 0 : i32
      %dma_wait3A_251 = arith.constant 0 : i32
      %dma_wait3A_252 = tpu.memref_slice %arg7[%dma_wait3A_250, %dma_wait3A_251] : memref<10240x128xf32, #tpu.memory_space<vmem_shared>> -> memref<10240x128xf32, #tpu.memory_space<vmem_shared>>
      tpu.wait_indirect_dma semaphore(%arg19 : memref<!tpu.dma_semaphore, #tpu.memory_space<semaphore_mem>>) src(%arg11 : memref<64x128xf32, #tpu.memory_space<vmem>>) dst(%dma_wait3A_252 : memref<10240x128xf32, #tpu.memory_space<vmem_shared>>)
      %dma_start3A_253 = arith.constant 9 : i32
      %dma_start3A_254 = arith.constant 0 : i32
      %dma_start3A_255 = tpu.memref_slice %arg8[%dma_start3A_253, %dma_start3A_254] : memref<32x64xi32, #tpu.memory_space<vmem>> -> memref<1x64xi32, #tpu.memory_space<vmem>>
      %dma_start3A_256 = tpu.memref_squeeze %dma_start3A_255 : memref<1x64xi32, #tpu.memory_space<vmem>> -> memref<64xi32, #tpu.memory_space<vmem>>
      %dma_start3A_257 = arith.constant 0 : i32
      %dma_start3A_258 = arith.constant 0 : i32
      %dma_start3A_259 = tpu.memref_slice %arg2[%dma_start3A_257, %dma_start3A_258] : memref<20000x128xf32, #tpu.memory_space<hbm>> -> memref<20000x128xf32, #tpu.memory_space<hbm>>
      tpu.enqueue_indirect_dma source(%dma_start3A_259 : memref<20000x128xf32, #tpu.memory_space<hbm>>) target(%arg11 : memref<64x128xf32, #tpu.memory_space<vmem>>) offsets(%dma_start3A_256 : memref<64xi32, #tpu.memory_space<vmem>>) semaphore(%arg15 : memref<!tpu.dma_semaphore, #tpu.memory_space<semaphore_mem>>)
      %dma_wait3A_260 = arith.constant 8 : i32
      %dma_wait3A_261 = arith.constant 0 : i32
      %dma_wait3A_262 = tpu.memref_slice %arg8[%dma_wait3A_260, %dma_wait3A_261] : memref<32x64xi32, #tpu.memory_space<vmem>> -> memref<1x64xi32, #tpu.memory_space<vmem>>
      %dma_wait3A_263 = tpu.memref_squeeze %dma_wait3A_262 : memref<1x64xi32, #tpu.memory_space<vmem>> -> memref<64xi32, #tpu.memory_space<vmem>>
      %dma_wait3A_264 = arith.constant 0 : i32
      %dma_wait3A_265 = arith.constant 0 : i32
      %dma_wait3A_266 = tpu.memref_slice %arg2[%dma_wait3A_264, %dma_wait3A_265] : memref<20000x128xf32, #tpu.memory_space<hbm>> -> memref<20000x128xf32, #tpu.memory_space<hbm>>
      tpu.wait_indirect_dma semaphore(%arg14 : memref<!tpu.dma_semaphore, #tpu.memory_space<semaphore_mem>>) src(%dma_wait3A_266 : memref<20000x128xf32, #tpu.memory_space<hbm>>) dst(%arg10 : memref<64x128xf32, #tpu.memory_space<vmem>>)
      %dma_start3A_267 = arith.constant 8 : i32
      %dma_start3A_268 = arith.constant 0 : i32
      %dma_start3A_269 = tpu.memref_slice %arg9[%dma_start3A_267, %dma_start3A_268] : memref<32x64xi32, #tpu.memory_space<vmem>> -> memref<1x64xi32, #tpu.memory_space<vmem>>
      %dma_start3A_270 = tpu.memref_squeeze %dma_start3A_269 : memref<1x64xi32, #tpu.memory_space<vmem>> -> memref<64xi32, #tpu.memory_space<vmem>>
      %dma_start3A_271 = arith.constant 0 : i32
      %dma_start3A_272 = arith.constant 0 : i32
      %dma_start3A_273 = tpu.memref_slice %arg7[%dma_start3A_271, %dma_start3A_272] : memref<10240x128xf32, #tpu.memory_space<vmem_shared>> -> memref<10240x128xf32, #tpu.memory_space<vmem_shared>>
      tpu.enqueue_indirect_dma source(%arg10 : memref<64x128xf32, #tpu.memory_space<vmem>>) target(%dma_start3A_273 : memref<10240x128xf32, #tpu.memory_space<vmem_shared>>) offsets(%dma_start3A_270 : memref<64xi32, #tpu.memory_space<vmem>>) semaphore(%arg18 : memref<!tpu.dma_semaphore, #tpu.memory_space<semaphore_mem>>) {add = true}
      %dma_wait3A_274 = arith.constant 6 : i32
      %dma_wait3A_275 = arith.constant 0 : i32
      %dma_wait3A_276 = tpu.memref_slice %arg9[%dma_wait3A_274, %dma_wait3A_275] : memref<32x64xi32, #tpu.memory_space<vmem>> -> memref<1x64xi32, #tpu.memory_space<vmem>>
      %dma_wait3A_277 = tpu.memref_squeeze %dma_wait3A_276 : memref<1x64xi32, #tpu.memory_space<vmem>> -> memref<64xi32, #tpu.memory_space<vmem>>
      %dma_wait3A_278 = arith.constant 0 : i32
      %dma_wait3A_279 = arith.constant 0 : i32
      %dma_wait3A_280 = tpu.memref_slice %arg7[%dma_wait3A_278, %dma_wait3A_279] : memref<10240x128xf32, #tpu.memory_space<vmem_shared>> -> memref<10240x128xf32, #tpu.memory_space<vmem_shared>>
      tpu.wait_indirect_dma semaphore(%arg20 : memref<!tpu.dma_semaphore, #tpu.memory_space<semaphore_mem>>) src(%arg12 : memref<64x128xf32, #tpu.memory_space<vmem>>) dst(%dma_wait3A_280 : memref<10240x128xf32, #tpu.memory_space<vmem_shared>>)
      %dma_start3A_281 = arith.constant 10 : i32
      %dma_start3A_282 = arith.constant 0 : i32
      %dma_start3A_283 = tpu.memref_slice %arg8[%dma_start3A_281, %dma_start3A_282] : memref<32x64xi32, #tpu.memory_space<vmem>> -> memref<1x64xi32, #tpu.memory_space<vmem>>
      %dma_start3A_284 = tpu.memref_squeeze %dma_start3A_283 : memref<1x64xi32, #tpu.memory_space<vmem>> -> memref<64xi32, #tpu.memory_space<vmem>>
      %dma_start3A_285 = arith.constant 0 : i32
      %dma_start3A_286 = arith.constant 0 : i32
      %dma_start3A_287 = tpu.memref_slice %arg2[%dma_start3A_285, %dma_start3A_286] : memref<20000x128xf32, #tpu.memory_space<hbm>> -> memref<20000x128xf32, #tpu.memory_space<hbm>>
      tpu.enqueue_indirect_dma source(%dma_start3A_287 : memref<20000x128xf32, #tpu.memory_space<hbm>>) target(%arg12 : memref<64x128xf32, #tpu.memory_space<vmem>>) offsets(%dma_start3A_284 : memref<64xi32, #tpu.memory_space<vmem>>) semaphore(%arg16 : memref<!tpu.dma_semaphore, #tpu.memory_space<semaphore_mem>>)
      %dma_wait3A_288 = arith.constant 9 : i32
      %dma_wait3A_289 = arith.constant 0 : i32
      %dma_wait3A_290 = tpu.memref_slice %arg8[%dma_wait3A_288, %dma_wait3A_289] : memref<32x64xi32, #tpu.memory_space<vmem>> -> memref<1x64xi32, #tpu.memory_space<vmem>>
      %dma_wait3A_291 = tpu.memref_squeeze %dma_wait3A_290 : memref<1x64xi32, #tpu.memory_space<vmem>> -> memref<64xi32, #tpu.memory_space<vmem>>
      %dma_wait3A_292 = arith.constant 0 : i32
      %dma_wait3A_293 = arith.constant 0 : i32
      %dma_wait3A_294 = tpu.memref_slice %arg2[%dma_wait3A_292, %dma_wait3A_293] : memref<20000x128xf32, #tpu.memory_space<hbm>> -> memref<20000x128xf32, #tpu.memory_space<hbm>>
      tpu.wait_indirect_dma semaphore(%arg15 : memref<!tpu.dma_semaphore, #tpu.memory_space<semaphore_mem>>) src(%dma_wait3A_294 : memref<20000x128xf32, #tpu.memory_space<hbm>>) dst(%arg11 : memref<64x128xf32, #tpu.memory_space<vmem>>)
      %dma_start3A_295 = arith.constant 9 : i32
      %dma_start3A_296 = arith.constant 0 : i32
      %dma_start3A_297 = tpu.memref_slice %arg9[%dma_start3A_295, %dma_start3A_296] : memref<32x64xi32, #tpu.memory_space<vmem>> -> memref<1x64xi32, #tpu.memory_space<vmem>>
      %dma_start3A_298 = tpu.memref_squeeze %dma_start3A_297 : memref<1x64xi32, #tpu.memory_space<vmem>> -> memref<64xi32, #tpu.memory_space<vmem>>
      %dma_start3A_299 = arith.constant 0 : i32
      %dma_start3A_300 = arith.constant 0 : i32
      %dma_start3A_301 = tpu.memref_slice %arg7[%dma_start3A_299, %dma_start3A_300] : memref<10240x128xf32, #tpu.memory_space<vmem_shared>> -> memref<10240x128xf32, #tpu.memory_space<vmem_shared>>
      tpu.enqueue_indirect_dma source(%arg11 : memref<64x128xf32, #tpu.memory_space<vmem>>) target(%dma_start3A_301 : memref<10240x128xf32, #tpu.memory_space<vmem_shared>>) offsets(%dma_start3A_298 : memref<64xi32, #tpu.memory_space<vmem>>) semaphore(%arg19 : memref<!tpu.dma_semaphore, #tpu.memory_space<semaphore_mem>>) {add = true}
      %dma_wait3A_302 = arith.constant 7 : i32
      %dma_wait3A_303 = arith.constant 0 : i32
      %dma_wait3A_304 = tpu.memref_slice %arg9[%dma_wait3A_302, %dma_wait3A_303] : memref<32x64xi32, #tpu.memory_space<vmem>> -> memref<1x64xi32, #tpu.memory_space<vmem>>
      %dma_wait3A_305 = tpu.memref_squeeze %dma_wait3A_304 : memref<1x64xi32, #tpu.memory_space<vmem>> -> memref<64xi32, #tpu.memory_space<vmem>>
      %dma_wait3A_306 = arith.constant 0 : i32
      %dma_wait3A_307 = arith.constant 0 : i32
      %dma_wait3A_308 = tpu.memref_slice %arg7[%dma_wait3A_306, %dma_wait3A_307] : memref<10240x128xf32, #tpu.memory_space<vmem_shared>> -> memref<10240x128xf32, #tpu.memory_space<vmem_shared>>
      tpu.wait_indirect_dma semaphore(%arg21 : memref<!tpu.dma_semaphore, #tpu.memory_space<semaphore_mem>>) src(%arg13 : memref<64x128xf32, #tpu.memory_space<vmem>>) dst(%dma_wait3A_308 : memref<10240x128xf32, #tpu.memory_space<vmem_shared>>)
      %dma_start3A_309 = arith.constant 11 : i32
      %dma_start3A_310 = arith.constant 0 : i32
      %dma_start3A_311 = tpu.memref_slice %arg8[%dma_start3A_309, %dma_start3A_310] : memref<32x64xi32, #tpu.memory_space<vmem>> -> memref<1x64xi32, #tpu.memory_space<vmem>>
      %dma_start3A_312 = tpu.memref_squeeze %dma_start3A_311 : memref<1x64xi32, #tpu.memory_space<vmem>> -> memref<64xi32, #tpu.memory_space<vmem>>
      %dma_start3A_313 = arith.constant 0 : i32
      %dma_start3A_314 = arith.constant 0 : i32
      %dma_start3A_315 = tpu.memref_slice %arg2[%dma_start3A_313, %dma_start3A_314] : memref<20000x128xf32, #tpu.memory_space<hbm>> -> memref<20000x128xf32, #tpu.memory_space<hbm>>
      tpu.enqueue_indirect_dma source(%dma_start3A_315 : memref<20000x128xf32, #tpu.memory_space<hbm>>) target(%arg13 : memref<64x128xf32, #tpu.memory_space<vmem>>) offsets(%dma_start3A_312 : memref<64xi32, #tpu.memory_space<vmem>>) semaphore(%arg17 : memref<!tpu.dma_semaphore, #tpu.memory_space<semaphore_mem>>)
      %dma_wait3A_316 = arith.constant 10 : i32
      %dma_wait3A_317 = arith.constant 0 : i32
      %dma_wait3A_318 = tpu.memref_slice %arg8[%dma_wait3A_316, %dma_wait3A_317] : memref<32x64xi32, #tpu.memory_space<vmem>> -> memref<1x64xi32, #tpu.memory_space<vmem>>
      %dma_wait3A_319 = tpu.memref_squeeze %dma_wait3A_318 : memref<1x64xi32, #tpu.memory_space<vmem>> -> memref<64xi32, #tpu.memory_space<vmem>>
      %dma_wait3A_320 = arith.constant 0 : i32
      %dma_wait3A_321 = arith.constant 0 : i32
      %dma_wait3A_322 = tpu.memref_slice %arg2[%dma_wait3A_320, %dma_wait3A_321] : memref<20000x128xf32, #tpu.memory_space<hbm>> -> memref<20000x128xf32, #tpu.memory_space<hbm>>
      tpu.wait_indirect_dma semaphore(%arg16 : memref<!tpu.dma_semaphore, #tpu.memory_space<semaphore_mem>>) src(%dma_wait3A_322 : memref<20000x128xf32, #tpu.memory_space<hbm>>) dst(%arg12 : memref<64x128xf32, #tpu.memory_space<vmem>>)
      %dma_start3A_323 = arith.constant 10 : i32
      %dma_start3A_324 = arith.constant 0 : i32
      %dma_start3A_325 = tpu.memref_slice %arg9[%dma_start3A_323, %dma_start3A_324] : memref<32x64xi32, #tpu.memory_space<vmem>> -> memref<1x64xi32, #tpu.memory_space<vmem>>
      %dma_start3A_326 = tpu.memref_squeeze %dma_start3A_325 : memref<1x64xi32, #tpu.memory_space<vmem>> -> memref<64xi32, #tpu.memory_space<vmem>>
      %dma_start3A_327 = arith.constant 0 : i32
      %dma_start3A_328 = arith.constant 0 : i32
      %dma_start3A_329 = tpu.memref_slice %arg7[%dma_start3A_327, %dma_start3A_328] : memref<10240x128xf32, #tpu.memory_space<vmem_shared>> -> memref<10240x128xf32, #tpu.memory_space<vmem_shared>>
      tpu.enqueue_indirect_dma source(%arg12 : memref<64x128xf32, #tpu.memory_space<vmem>>) target(%dma_start3A_329 : memref<10240x128xf32, #tpu.memory_space<vmem_shared>>) offsets(%dma_start3A_326 : memref<64xi32, #tpu.memory_space<vmem>>) semaphore(%arg20 : memref<!tpu.dma_semaphore, #tpu.memory_space<semaphore_mem>>) {add = true}
      %dma_wait3A_330 = arith.constant 8 : i32
      %dma_wait3A_331 = arith.constant 0 : i32
      %dma_wait3A_332 = tpu.memref_slice %arg9[%dma_wait3A_330, %dma_wait3A_331] : memref<32x64xi32, #tpu.memory_space<vmem>> -> memref<1x64xi32, #tpu.memory_space<vmem>>
      %dma_wait3A_333 = tpu.memref_squeeze %dma_wait3A_332 : memref<1x64xi32, #tpu.memory_space<vmem>> -> memref<64xi32, #tpu.memory_space<vmem>>
      %dma_wait3A_334 = arith.constant 0 : i32
      %dma_wait3A_335 = arith.constant 0 : i32
      %dma_wait3A_336 = tpu.memref_slice %arg7[%dma_wait3A_334, %dma_wait3A_335] : memref<10240x128xf32, #tpu.memory_space<vmem_shared>> -> memref<10240x128xf32, #tpu.memory_space<vmem_shared>>
      tpu.wait_indirect_dma semaphore(%arg18 : memref<!tpu.dma_semaphore, #tpu.memory_space<semaphore_mem>>) src(%arg10 : memref<64x128xf32, #tpu.memory_space<vmem>>) dst(%dma_wait3A_336 : memref<10240x128xf32, #tpu.memory_space<vmem_shared>>)
      %dma_start3A_337 = arith.constant 12 : i32
      %dma_start3A_338 = arith.constant 0 : i32
      %dma_start3A_339 = tpu.memref_slice %arg8[%dma_start3A_337, %dma_start3A_338] : memref<32x64xi32, #tpu.memory_space<vmem>> -> memref<1x64xi32, #tpu.memory_space<vmem>>
      %dma_start3A_340 = tpu.memref_squeeze %dma_start3A_339 : memref<1x64xi32, #tpu.memory_space<vmem>> -> memref<64xi32, #tpu.memory_space<vmem>>
      %dma_start3A_341 = arith.constant 0 : i32
      %dma_start3A_342 = arith.constant 0 : i32
      %dma_start3A_343 = tpu.memref_slice %arg2[%dma_start3A_341, %dma_start3A_342] : memref<20000x128xf32, #tpu.memory_space<hbm>> -> memref<20000x128xf32, #tpu.memory_space<hbm>>
      tpu.enqueue_indirect_dma source(%dma_start3A_343 : memref<20000x128xf32, #tpu.memory_space<hbm>>) target(%arg10 : memref<64x128xf32, #tpu.memory_space<vmem>>) offsets(%dma_start3A_340 : memref<64xi32, #tpu.memory_space<vmem>>) semaphore(%arg14 : memref<!tpu.dma_semaphore, #tpu.memory_space<semaphore_mem>>)
      %dma_wait3A_344 = arith.constant 11 : i32
      %dma_wait3A_345 = arith.constant 0 : i32
      %dma_wait3A_346 = tpu.memref_slice %arg8[%dma_wait3A_344, %dma_wait3A_345] : memref<32x64xi32, #tpu.memory_space<vmem>> -> memref<1x64xi32, #tpu.memory_space<vmem>>
      %dma_wait3A_347 = tpu.memref_squeeze %dma_wait3A_346 : memref<1x64xi32, #tpu.memory_space<vmem>> -> memref<64xi32, #tpu.memory_space<vmem>>
      %dma_wait3A_348 = arith.constant 0 : i32
      %dma_wait3A_349 = arith.constant 0 : i32
      %dma_wait3A_350 = tpu.memref_slice %arg2[%dma_wait3A_348, %dma_wait3A_349] : memref<20000x128xf32, #tpu.memory_space<hbm>> -> memref<20000x128xf32, #tpu.memory_space<hbm>>
      tpu.wait_indirect_dma semaphore(%arg17 : memref<!tpu.dma_semaphore, #tpu.memory_space<semaphore_mem>>) src(%dma_wait3A_350 : memref<20000x128xf32, #tpu.memory_space<hbm>>) dst(%arg13 : memref<64x128xf32, #tpu.memory_space<vmem>>)
      %dma_start3A_351 = arith.constant 11 : i32
      %dma_start3A_352 = arith.constant 0 : i32
      %dma_start3A_353 = tpu.memref_slice %arg9[%dma_start3A_351, %dma_start3A_352] : memref<32x64xi32, #tpu.memory_space<vmem>> -> memref<1x64xi32, #tpu.memory_space<vmem>>
      %dma_start3A_354 = tpu.memref_squeeze %dma_start3A_353 : memref<1x64xi32, #tpu.memory_space<vmem>> -> memref<64xi32, #tpu.memory_space<vmem>>
      %dma_start3A_355 = arith.constant 0 : i32
      %dma_start3A_356 = arith.constant 0 : i32
      %dma_start3A_357 = tpu.memref_slice %arg7[%dma_start3A_355, %dma_start3A_356] : memref<10240x128xf32, #tpu.memory_space<vmem_shared>> -> memref<10240x128xf32, #tpu.memory_space<vmem_shared>>
      tpu.enqueue_indirect_dma source(%arg13 : memref<64x128xf32, #tpu.memory_space<vmem>>) target(%dma_start3A_357 : memref<10240x128xf32, #tpu.memory_space<vmem_shared>>) offsets(%dma_start3A_354 : memref<64xi32, #tpu.memory_space<vmem>>) semaphore(%arg21 : memref<!tpu.dma_semaphore, #tpu.memory_space<semaphore_mem>>) {add = true}
      %dma_wait3A_358 = arith.constant 9 : i32
      %dma_wait3A_359 = arith.constant 0 : i32
      %dma_wait3A_360 = tpu.memref_slice %arg9[%dma_wait3A_358, %dma_wait3A_359] : memref<32x64xi32, #tpu.memory_space<vmem>> -> memref<1x64xi32, #tpu.memory_space<vmem>>
      %dma_wait3A_361 = tpu.memref_squeeze %dma_wait3A_360 : memref<1x64xi32, #tpu.memory_space<vmem>> -> memref<64xi32, #tpu.memory_space<vmem>>
      %dma_wait3A_362 = arith.constant 0 : i32
      %dma_wait3A_363 = arith.constant 0 : i32
      %dma_wait3A_364 = tpu.memref_slice %arg7[%dma_wait3A_362, %dma_wait3A_363] : memref<10240x128xf32, #tpu.memory_space<vmem_shared>> -> memref<10240x128xf32, #tpu.memory_space<vmem_shared>>
      tpu.wait_indirect_dma semaphore(%arg19 : memref<!tpu.dma_semaphore, #tpu.memory_space<semaphore_mem>>) src(%arg11 : memref<64x128xf32, #tpu.memory_space<vmem>>) dst(%dma_wait3A_364 : memref<10240x128xf32, #tpu.memory_space<vmem_shared>>)
      %dma_start3A_365 = arith.constant 13 : i32
      %dma_start3A_366 = arith.constant 0 : i32
      %dma_start3A_367 = tpu.memref_slice %arg8[%dma_start3A_365, %dma_start3A_366] : memref<32x64xi32, #tpu.memory_space<vmem>> -> memref<1x64xi32, #tpu.memory_space<vmem>>
      %dma_start3A_368 = tpu.memref_squeeze %dma_start3A_367 : memref<1x64xi32, #tpu.memory_space<vmem>> -> memref<64xi32, #tpu.memory_space<vmem>>
      %dma_start3A_369 = arith.constant 0 : i32
      %dma_start3A_370 = arith.constant 0 : i32
      %dma_start3A_371 = tpu.memref_slice %arg2[%dma_start3A_369, %dma_start3A_370] : memref<20000x128xf32, #tpu.memory_space<hbm>> -> memref<20000x128xf32, #tpu.memory_space<hbm>>
      tpu.enqueue_indirect_dma source(%dma_start3A_371 : memref<20000x128xf32, #tpu.memory_space<hbm>>) target(%arg11 : memref<64x128xf32, #tpu.memory_space<vmem>>) offsets(%dma_start3A_368 : memref<64xi32, #tpu.memory_space<vmem>>) semaphore(%arg15 : memref<!tpu.dma_semaphore, #tpu.memory_space<semaphore_mem>>)
      %dma_wait3A_372 = arith.constant 12 : i32
      %dma_wait3A_373 = arith.constant 0 : i32
      %dma_wait3A_374 = tpu.memref_slice %arg8[%dma_wait3A_372, %dma_wait3A_373] : memref<32x64xi32, #tpu.memory_space<vmem>> -> memref<1x64xi32, #tpu.memory_space<vmem>>
      %dma_wait3A_375 = tpu.memref_squeeze %dma_wait3A_374 : memref<1x64xi32, #tpu.memory_space<vmem>> -> memref<64xi32, #tpu.memory_space<vmem>>
      %dma_wait3A_376 = arith.constant 0 : i32
      %dma_wait3A_377 = arith.constant 0 : i32
      %dma_wait3A_378 = tpu.memref_slice %arg2[%dma_wait3A_376, %dma_wait3A_377] : memref<20000x128xf32, #tpu.memory_space<hbm>> -> memref<20000x128xf32, #tpu.memory_space<hbm>>
      tpu.wait_indirect_dma semaphore(%arg14 : memref<!tpu.dma_semaphore, #tpu.memory_space<semaphore_mem>>) src(%dma_wait3A_378 : memref<20000x128xf32, #tpu.memory_space<hbm>>) dst(%arg10 : memref<64x128xf32, #tpu.memory_space<vmem>>)
      %dma_start3A_379 = arith.constant 12 : i32
      %dma_start3A_380 = arith.constant 0 : i32
      %dma_start3A_381 = tpu.memref_slice %arg9[%dma_start3A_379, %dma_start3A_380] : memref<32x64xi32, #tpu.memory_space<vmem>> -> memref<1x64xi32, #tpu.memory_space<vmem>>
      %dma_start3A_382 = tpu.memref_squeeze %dma_start3A_381 : memref<1x64xi32, #tpu.memory_space<vmem>> -> memref<64xi32, #tpu.memory_space<vmem>>
      %dma_start3A_383 = arith.constant 0 : i32
      %dma_start3A_384 = arith.constant 0 : i32
      %dma_start3A_385 = tpu.memref_slice %arg7[%dma_start3A_383, %dma_start3A_384] : memref<10240x128xf32, #tpu.memory_space<vmem_shared>> -> memref<10240x128xf32, #tpu.memory_space<vmem_shared>>
      tpu.enqueue_indirect_dma source(%arg10 : memref<64x128xf32, #tpu.memory_space<vmem>>) target(%dma_start3A_385 : memref<10240x128xf32, #tpu.memory_space<vmem_shared>>) offsets(%dma_start3A_382 : memref<64xi32, #tpu.memory_space<vmem>>) semaphore(%arg18 : memref<!tpu.dma_semaphore, #tpu.memory_space<semaphore_mem>>) {add = true}
      %dma_wait3A_386 = arith.constant 10 : i32
      %dma_wait3A_387 = arith.constant 0 : i32
      %dma_wait3A_388 = tpu.memref_slice %arg9[%dma_wait3A_386, %dma_wait3A_387] : memref<32x64xi32, #tpu.memory_space<vmem>> -> memref<1x64xi32, #tpu.memory_space<vmem>>
      %dma_wait3A_389 = tpu.memref_squeeze %dma_wait3A_388 : memref<1x64xi32, #tpu.memory_space<vmem>> -> memref<64xi32, #tpu.memory_space<vmem>>
      %dma_wait3A_390 = arith.constant 0 : i32
      %dma_wait3A_391 = arith.constant 0 : i32
      %dma_wait3A_392 = tpu.memref_slice %arg7[%dma_wait3A_390, %dma_wait3A_391] : memref<10240x128xf32, #tpu.memory_space<vmem_shared>> -> memref<10240x128xf32, #tpu.memory_space<vmem_shared>>
      tpu.wait_indirect_dma semaphore(%arg20 : memref<!tpu.dma_semaphore, #tpu.memory_space<semaphore_mem>>) src(%arg12 : memref<64x128xf32, #tpu.memory_space<vmem>>) dst(%dma_wait3A_392 : memref<10240x128xf32, #tpu.memory_space<vmem_shared>>)
      %dma_start3A_393 = arith.constant 14 : i32
      %dma_start3A_394 = arith.constant 0 : i32
      %dma_start3A_395 = tpu.memref_slice %arg8[%dma_start3A_393, %dma_start3A_394] : memref<32x64xi32, #tpu.memory_space<vmem>> -> memref<1x64xi32, #tpu.memory_space<vmem>>
      %dma_start3A_396 = tpu.memref_squeeze %dma_start3A_395 : memref<1x64xi32, #tpu.memory_space<vmem>> -> memref<64xi32, #tpu.memory_space<vmem>>
      %dma_start3A_397 = arith.constant 0 : i32
      %dma_start3A_398 = arith.constant 0 : i32
      %dma_start3A_399 = tpu.memref_slice %arg2[%dma_start3A_397, %dma_start3A_398] : memref<20000x128xf32, #tpu.memory_space<hbm>> -> memref<20000x128xf32, #tpu.memory_space<hbm>>
      tpu.enqueue_indirect_dma source(%dma_start3A_399 : memref<20000x128xf32, #tpu.memory_space<hbm>>) target(%arg12 : memref<64x128xf32, #tpu.memory_space<vmem>>) offsets(%dma_start3A_396 : memref<64xi32, #tpu.memory_space<vmem>>) semaphore(%arg16 : memref<!tpu.dma_semaphore, #tpu.memory_space<semaphore_mem>>)
      %dma_wait3A_400 = arith.constant 13 : i32
      %dma_wait3A_401 = arith.constant 0 : i32
      %dma_wait3A_402 = tpu.memref_slice %arg8[%dma_wait3A_400, %dma_wait3A_401] : memref<32x64xi32, #tpu.memory_space<vmem>> -> memref<1x64xi32, #tpu.memory_space<vmem>>
      %dma_wait3A_403 = tpu.memref_squeeze %dma_wait3A_402 : memref<1x64xi32, #tpu.memory_space<vmem>> -> memref<64xi32, #tpu.memory_space<vmem>>
      %dma_wait3A_404 = arith.constant 0 : i32
      %dma_wait3A_405 = arith.constant 0 : i32
      %dma_wait3A_406 = tpu.memref_slice %arg2[%dma_wait3A_404, %dma_wait3A_405] : memref<20000x128xf32, #tpu.memory_space<hbm>> -> memref<20000x128xf32, #tpu.memory_space<hbm>>
      tpu.wait_indirect_dma semaphore(%arg15 : memref<!tpu.dma_semaphore, #tpu.memory_space<semaphore_mem>>) src(%dma_wait3A_406 : memref<20000x128xf32, #tpu.memory_space<hbm>>) dst(%arg11 : memref<64x128xf32, #tpu.memory_space<vmem>>)
      %dma_start3A_407 = arith.constant 13 : i32
      %dma_start3A_408 = arith.constant 0 : i32
      %dma_start3A_409 = tpu.memref_slice %arg9[%dma_start3A_407, %dma_start3A_408] : memref<32x64xi32, #tpu.memory_space<vmem>> -> memref<1x64xi32, #tpu.memory_space<vmem>>
      %dma_start3A_410 = tpu.memref_squeeze %dma_start3A_409 : memref<1x64xi32, #tpu.memory_space<vmem>> -> memref<64xi32, #tpu.memory_space<vmem>>
      %dma_start3A_411 = arith.constant 0 : i32
      %dma_start3A_412 = arith.constant 0 : i32
      %dma_start3A_413 = tpu.memref_slice %arg7[%dma_start3A_411, %dma_start3A_412] : memref<10240x128xf32, #tpu.memory_space<vmem_shared>> -> memref<10240x128xf32, #tpu.memory_space<vmem_shared>>
      tpu.enqueue_indirect_dma source(%arg11 : memref<64x128xf32, #tpu.memory_space<vmem>>) target(%dma_start3A_413 : memref<10240x128xf32, #tpu.memory_space<vmem_shared>>) offsets(%dma_start3A_410 : memref<64xi32, #tpu.memory_space<vmem>>) semaphore(%arg19 : memref<!tpu.dma_semaphore, #tpu.memory_space<semaphore_mem>>) {add = true}
      %dma_wait3A_414 = arith.constant 11 : i32
      %dma_wait3A_415 = arith.constant 0 : i32
      %dma_wait3A_416 = tpu.memref_slice %arg9[%dma_wait3A_414, %dma_wait3A_415] : memref<32x64xi32, #tpu.memory_space<vmem>> -> memref<1x64xi32, #tpu.memory_space<vmem>>
      %dma_wait3A_417 = tpu.memref_squeeze %dma_wait3A_416 : memref<1x64xi32, #tpu.memory_space<vmem>> -> memref<64xi32, #tpu.memory_space<vmem>>
      %dma_wait3A_418 = arith.constant 0 : i32
      %dma_wait3A_419 = arith.constant 0 : i32
      %dma_wait3A_420 = tpu.memref_slice %arg7[%dma_wait3A_418, %dma_wait3A_419] : memref<10240x128xf32, #tpu.memory_space<vmem_shared>> -> memref<10240x128xf32, #tpu.memory_space<vmem_shared>>
      tpu.wait_indirect_dma semaphore(%arg21 : memref<!tpu.dma_semaphore, #tpu.memory_space<semaphore_mem>>) src(%arg13 : memref<64x128xf32, #tpu.memory_space<vmem>>) dst(%dma_wait3A_420 : memref<10240x128xf32, #tpu.memory_space<vmem_shared>>)
      %dma_start3A_421 = arith.constant 15 : i32
      %dma_start3A_422 = arith.constant 0 : i32
      %dma_start3A_423 = tpu.memref_slice %arg8[%dma_start3A_421, %dma_start3A_422] : memref<32x64xi32, #tpu.memory_space<vmem>> -> memref<1x64xi32, #tpu.memory_space<vmem>>
      %dma_start3A_424 = tpu.memref_squeeze %dma_start3A_423 : memref<1x64xi32, #tpu.memory_space<vmem>> -> memref<64xi32, #tpu.memory_space<vmem>>
      %dma_start3A_425 = arith.constant 0 : i32
      %dma_start3A_426 = arith.constant 0 : i32
      %dma_start3A_427 = tpu.memref_slice %arg2[%dma_start3A_425, %dma_start3A_426] : memref<20000x128xf32, #tpu.memory_space<hbm>> -> memref<20000x128xf32, #tpu.memory_space<hbm>>
      tpu.enqueue_indirect_dma source(%dma_start3A_427 : memref<20000x128xf32, #tpu.memory_space<hbm>>) target(%arg13 : memref<64x128xf32, #tpu.memory_space<vmem>>) offsets(%dma_start3A_424 : memref<64xi32, #tpu.memory_space<vmem>>) semaphore(%arg17 : memref<!tpu.dma_semaphore, #tpu.memory_space<semaphore_mem>>)
      %dma_wait3A_428 = arith.constant 14 : i32
      %dma_wait3A_429 = arith.constant 0 : i32
      %dma_wait3A_430 = tpu.memref_slice %arg8[%dma_wait3A_428, %dma_wait3A_429] : memref<32x64xi32, #tpu.memory_space<vmem>> -> memref<1x64xi32, #tpu.memory_space<vmem>>
      %dma_wait3A_431 = tpu.memref_squeeze %dma_wait3A_430 : memref<1x64xi32, #tpu.memory_space<vmem>> -> memref<64xi32, #tpu.memory_space<vmem>>
      %dma_wait3A_432 = arith.constant 0 : i32
      %dma_wait3A_433 = arith.constant 0 : i32
      %dma_wait3A_434 = tpu.memref_slice %arg2[%dma_wait3A_432, %dma_wait3A_433] : memref<20000x128xf32, #tpu.memory_space<hbm>> -> memref<20000x128xf32, #tpu.memory_space<hbm>>
      tpu.wait_indirect_dma semaphore(%arg16 : memref<!tpu.dma_semaphore, #tpu.memory_space<semaphore_mem>>) src(%dma_wait3A_434 : memref<20000x128xf32, #tpu.memory_space<hbm>>) dst(%arg12 : memref<64x128xf32, #tpu.memory_space<vmem>>)
      %dma_start3A_435 = arith.constant 14 : i32
      %dma_start3A_436 = arith.constant 0 : i32
      %dma_start3A_437 = tpu.memref_slice %arg9[%dma_start3A_435, %dma_start3A_436] : memref<32x64xi32, #tpu.memory_space<vmem>> -> memref<1x64xi32, #tpu.memory_space<vmem>>
      %dma_start3A_438 = tpu.memref_squeeze %dma_start3A_437 : memref<1x64xi32, #tpu.memory_space<vmem>> -> memref<64xi32, #tpu.memory_space<vmem>>
      %dma_start3A_439 = arith.constant 0 : i32
      %dma_start3A_440 = arith.constant 0 : i32
      %dma_start3A_441 = tpu.memref_slice %arg7[%dma_start3A_439, %dma_start3A_440] : memref<10240x128xf32, #tpu.memory_space<vmem_shared>> -> memref<10240x128xf32, #tpu.memory_space<vmem_shared>>
      tpu.enqueue_indirect_dma source(%arg12 : memref<64x128xf32, #tpu.memory_space<vmem>>) target(%dma_start3A_441 : memref<10240x128xf32, #tpu.memory_space<vmem_shared>>) offsets(%dma_start3A_438 : memref<64xi32, #tpu.memory_space<vmem>>) semaphore(%arg20 : memref<!tpu.dma_semaphore, #tpu.memory_space<semaphore_mem>>) {add = true}
      %dma_wait3A_442 = arith.constant 12 : i32
      %dma_wait3A_443 = arith.constant 0 : i32
      %dma_wait3A_444 = tpu.memref_slice %arg9[%dma_wait3A_442, %dma_wait3A_443] : memref<32x64xi32, #tpu.memory_space<vmem>> -> memref<1x64xi32, #tpu.memory_space<vmem>>
      %dma_wait3A_445 = tpu.memref_squeeze %dma_wait3A_444 : memref<1x64xi32, #tpu.memory_space<vmem>> -> memref<64xi32, #tpu.memory_space<vmem>>
      %dma_wait3A_446 = arith.constant 0 : i32
      %dma_wait3A_447 = arith.constant 0 : i32
      %dma_wait3A_448 = tpu.memref_slice %arg7[%dma_wait3A_446, %dma_wait3A_447] : memref<10240x128xf32, #tpu.memory_space<vmem_shared>> -> memref<10240x128xf32, #tpu.memory_space<vmem_shared>>
      tpu.wait_indirect_dma semaphore(%arg18 : memref<!tpu.dma_semaphore, #tpu.memory_space<semaphore_mem>>) src(%arg10 : memref<64x128xf32, #tpu.memory_space<vmem>>) dst(%dma_wait3A_448 : memref<10240x128xf32, #tpu.memory_space<vmem_shared>>)
      %dma_start3A_449 = arith.constant 16 : i32
      %dma_start3A_450 = arith.constant 0 : i32
      %dma_start3A_451 = tpu.memref_slice %arg8[%dma_start3A_449, %dma_start3A_450] : memref<32x64xi32, #tpu.memory_space<vmem>> -> memref<1x64xi32, #tpu.memory_space<vmem>>
      %dma_start3A_452 = tpu.memref_squeeze %dma_start3A_451 : memref<1x64xi32, #tpu.memory_space<vmem>> -> memref<64xi32, #tpu.memory_space<vmem>>
      %dma_start3A_453 = arith.constant 0 : i32
      %dma_start3A_454 = arith.constant 0 : i32
      %dma_start3A_455 = tpu.memref_slice %arg2[%dma_start3A_453, %dma_start3A_454] : memref<20000x128xf32, #tpu.memory_space<hbm>> -> memref<20000x128xf32, #tpu.memory_space<hbm>>
      tpu.enqueue_indirect_dma source(%dma_start3A_455 : memref<20000x128xf32, #tpu.memory_space<hbm>>) target(%arg10 : memref<64x128xf32, #tpu.memory_space<vmem>>) offsets(%dma_start3A_452 : memref<64xi32, #tpu.memory_space<vmem>>) semaphore(%arg14 : memref<!tpu.dma_semaphore, #tpu.memory_space<semaphore_mem>>)
      %dma_wait3A_456 = arith.constant 15 : i32
      %dma_wait3A_457 = arith.constant 0 : i32
      %dma_wait3A_458 = tpu.memref_slice %arg8[%dma_wait3A_456, %dma_wait3A_457] : memref<32x64xi32, #tpu.memory_space<vmem>> -> memref<1x64xi32, #tpu.memory_space<vmem>>
      %dma_wait3A_459 = tpu.memref_squeeze %dma_wait3A_458 : memref<1x64xi32, #tpu.memory_space<vmem>> -> memref<64xi32, #tpu.memory_space<vmem>>
      %dma_wait3A_460 = arith.constant 0 : i32
      %dma_wait3A_461 = arith.constant 0 : i32
      %dma_wait3A_462 = tpu.memref_slice %arg2[%dma_wait3A_460, %dma_wait3A_461] : memref<20000x128xf32, #tpu.memory_space<hbm>> -> memref<20000x128xf32, #tpu.memory_space<hbm>>
      tpu.wait_indirect_dma semaphore(%arg17 : memref<!tpu.dma_semaphore, #tpu.memory_space<semaphore_mem>>) src(%dma_wait3A_462 : memref<20000x128xf32, #tpu.memory_space<hbm>>) dst(%arg13 : memref<64x128xf32, #tpu.memory_space<vmem>>)
      %dma_start3A_463 = arith.constant 15 : i32
      %dma_start3A_464 = arith.constant 0 : i32
      %dma_start3A_465 = tpu.memref_slice %arg9[%dma_start3A_463, %dma_start3A_464] : memref<32x64xi32, #tpu.memory_space<vmem>> -> memref<1x64xi32, #tpu.memory_space<vmem>>
      %dma_start3A_466 = tpu.memref_squeeze %dma_start3A_465 : memref<1x64xi32, #tpu.memory_space<vmem>> -> memref<64xi32, #tpu.memory_space<vmem>>
      %dma_start3A_467 = arith.constant 0 : i32
      %dma_start3A_468 = arith.constant 0 : i32
      %dma_start3A_469 = tpu.memref_slice %arg7[%dma_start3A_467, %dma_start3A_468] : memref<10240x128xf32, #tpu.memory_space<vmem_shared>> -> memref<10240x128xf32, #tpu.memory_space<vmem_shared>>
      tpu.enqueue_indirect_dma source(%arg13 : memref<64x128xf32, #tpu.memory_space<vmem>>) target(%dma_start3A_469 : memref<10240x128xf32, #tpu.memory_space<vmem_shared>>) offsets(%dma_start3A_466 : memref<64xi32, #tpu.memory_space<vmem>>) semaphore(%arg21 : memref<!tpu.dma_semaphore, #tpu.memory_space<semaphore_mem>>) {add = true}
      %dma_wait3A_470 = arith.constant 13 : i32
      %dma_wait3A_471 = arith.constant 0 : i32
      %dma_wait3A_472 = tpu.memref_slice %arg9[%dma_wait3A_470, %dma_wait3A_471] : memref<32x64xi32, #tpu.memory_space<vmem>> -> memref<1x64xi32, #tpu.memory_space<vmem>>
      %dma_wait3A_473 = tpu.memref_squeeze %dma_wait3A_472 : memref<1x64xi32, #tpu.memory_space<vmem>> -> memref<64xi32, #tpu.memory_space<vmem>>
      %dma_wait3A_474 = arith.constant 0 : i32
      %dma_wait3A_475 = arith.constant 0 : i32
      %dma_wait3A_476 = tpu.memref_slice %arg7[%dma_wait3A_474, %dma_wait3A_475] : memref<10240x128xf32, #tpu.memory_space<vmem_shared>> -> memref<10240x128xf32, #tpu.memory_space<vmem_shared>>
      tpu.wait_indirect_dma semaphore(%arg19 : memref<!tpu.dma_semaphore, #tpu.memory_space<semaphore_mem>>) src(%arg11 : memref<64x128xf32, #tpu.memory_space<vmem>>) dst(%dma_wait3A_476 : memref<10240x128xf32, #tpu.memory_space<vmem_shared>>)
      %dma_start3A_477 = arith.constant 17 : i32
      %dma_start3A_478 = arith.constant 0 : i32
      %dma_start3A_479 = tpu.memref_slice %arg8[%dma_start3A_477, %dma_start3A_478] : memref<32x64xi32, #tpu.memory_space<vmem>> -> memref<1x64xi32, #tpu.memory_space<vmem>>
      %dma_start3A_480 = tpu.memref_squeeze %dma_start3A_479 : memref<1x64xi32, #tpu.memory_space<vmem>> -> memref<64xi32, #tpu.memory_space<vmem>>
      %dma_start3A_481 = arith.constant 0 : i32
      %dma_start3A_482 = arith.constant 0 : i32
      %dma_start3A_483 = tpu.memref_slice %arg2[%dma_start3A_481, %dma_start3A_482] : memref<20000x128xf32, #tpu.memory_space<hbm>> -> memref<20000x128xf32, #tpu.memory_space<hbm>>
      tpu.enqueue_indirect_dma source(%dma_start3A_483 : memref<20000x128xf32, #tpu.memory_space<hbm>>) target(%arg11 : memref<64x128xf32, #tpu.memory_space<vmem>>) offsets(%dma_start3A_480 : memref<64xi32, #tpu.memory_space<vmem>>) semaphore(%arg15 : memref<!tpu.dma_semaphore, #tpu.memory_space<semaphore_mem>>)
      %dma_wait3A_484 = arith.constant 16 : i32
      %dma_wait3A_485 = arith.constant 0 : i32
      %dma_wait3A_486 = tpu.memref_slice %arg8[%dma_wait3A_484, %dma_wait3A_485] : memref<32x64xi32, #tpu.memory_space<vmem>> -> memref<1x64xi32, #tpu.memory_space<vmem>>
      %dma_wait3A_487 = tpu.memref_squeeze %dma_wait3A_486 : memref<1x64xi32, #tpu.memory_space<vmem>> -> memref<64xi32, #tpu.memory_space<vmem>>
      %dma_wait3A_488 = arith.constant 0 : i32
      %dma_wait3A_489 = arith.constant 0 : i32
      %dma_wait3A_490 = tpu.memref_slice %arg2[%dma_wait3A_488, %dma_wait3A_489] : memref<20000x128xf32, #tpu.memory_space<hbm>> -> memref<20000x128xf32, #tpu.memory_space<hbm>>
      tpu.wait_indirect_dma semaphore(%arg14 : memref<!tpu.dma_semaphore, #tpu.memory_space<semaphore_mem>>) src(%dma_wait3A_490 : memref<20000x128xf32, #tpu.memory_space<hbm>>) dst(%arg10 : memref<64x128xf32, #tpu.memory_space<vmem>>)
      %dma_start3A_491 = arith.constant 16 : i32
      %dma_start3A_492 = arith.constant 0 : i32
      %dma_start3A_493 = tpu.memref_slice %arg9[%dma_start3A_491, %dma_start3A_492] : memref<32x64xi32, #tpu.memory_space<vmem>> -> memref<1x64xi32, #tpu.memory_space<vmem>>
      %dma_start3A_494 = tpu.memref_squeeze %dma_start3A_493 : memref<1x64xi32, #tpu.memory_space<vmem>> -> memref<64xi32, #tpu.memory_space<vmem>>
      %dma_start3A_495 = arith.constant 0 : i32
      %dma_start3A_496 = arith.constant 0 : i32
      %dma_start3A_497 = tpu.memref_slice %arg7[%dma_start3A_495, %dma_start3A_496] : memref<10240x128xf32, #tpu.memory_space<vmem_shared>> -> memref<10240x128xf32, #tpu.memory_space<vmem_shared>>
      tpu.enqueue_indirect_dma source(%arg10 : memref<64x128xf32, #tpu.memory_space<vmem>>) target(%dma_start3A_497 : memref<10240x128xf32, #tpu.memory_space<vmem_shared>>) offsets(%dma_start3A_494 : memref<64xi32, #tpu.memory_space<vmem>>) semaphore(%arg18 : memref<!tpu.dma_semaphore, #tpu.memory_space<semaphore_mem>>) {add = true}
      %dma_wait3A_498 = arith.constant 14 : i32
      %dma_wait3A_499 = arith.constant 0 : i32
      %dma_wait3A_500 = tpu.memref_slice %arg9[%dma_wait3A_498, %dma_wait3A_499] : memref<32x64xi32, #tpu.memory_space<vmem>> -> memref<1x64xi32, #tpu.memory_space<vmem>>
      %dma_wait3A_501 = tpu.memref_squeeze %dma_wait3A_500 : memref<1x64xi32, #tpu.memory_space<vmem>> -> memref<64xi32, #tpu.memory_space<vmem>>
      %dma_wait3A_502 = arith.constant 0 : i32
      %dma_wait3A_503 = arith.constant 0 : i32
      %dma_wait3A_504 = tpu.memref_slice %arg7[%dma_wait3A_502, %dma_wait3A_503] : memref<10240x128xf32, #tpu.memory_space<vmem_shared>> -> memref<10240x128xf32, #tpu.memory_space<vmem_shared>>
      tpu.wait_indirect_dma semaphore(%arg20 : memref<!tpu.dma_semaphore, #tpu.memory_space<semaphore_mem>>) src(%arg12 : memref<64x128xf32, #tpu.memory_space<vmem>>) dst(%dma_wait3A_504 : memref<10240x128xf32, #tpu.memory_space<vmem_shared>>)
      %dma_start3A_505 = arith.constant 18 : i32
      %dma_start3A_506 = arith.constant 0 : i32
      %dma_start3A_507 = tpu.memref_slice %arg8[%dma_start3A_505, %dma_start3A_506] : memref<32x64xi32, #tpu.memory_space<vmem>> -> memref<1x64xi32, #tpu.memory_space<vmem>>
      %dma_start3A_508 = tpu.memref_squeeze %dma_start3A_507 : memref<1x64xi32, #tpu.memory_space<vmem>> -> memref<64xi32, #tpu.memory_space<vmem>>
      %dma_start3A_509 = arith.constant 0 : i32
      %dma_start3A_510 = arith.constant 0 : i32
      %dma_start3A_511 = tpu.memref_slice %arg2[%dma_start3A_509, %dma_start3A_510] : memref<20000x128xf32, #tpu.memory_space<hbm>> -> memref<20000x128xf32, #tpu.memory_space<hbm>>
      tpu.enqueue_indirect_dma source(%dma_start3A_511 : memref<20000x128xf32, #tpu.memory_space<hbm>>) target(%arg12 : memref<64x128xf32, #tpu.memory_space<vmem>>) offsets(%dma_start3A_508 : memref<64xi32, #tpu.memory_space<vmem>>) semaphore(%arg16 : memref<!tpu.dma_semaphore, #tpu.memory_space<semaphore_mem>>)
      %dma_wait3A_512 = arith.constant 17 : i32
      %dma_wait3A_513 = arith.constant 0 : i32
      %dma_wait3A_514 = tpu.memref_slice %arg8[%dma_wait3A_512, %dma_wait3A_513] : memref<32x64xi32, #tpu.memory_space<vmem>> -> memref<1x64xi32, #tpu.memory_space<vmem>>
      %dma_wait3A_515 = tpu.memref_squeeze %dma_wait3A_514 : memref<1x64xi32, #tpu.memory_space<vmem>> -> memref<64xi32, #tpu.memory_space<vmem>>
      %dma_wait3A_516 = arith.constant 0 : i32
      %dma_wait3A_517 = arith.constant 0 : i32
      %dma_wait3A_518 = tpu.memref_slice %arg2[%dma_wait3A_516, %dma_wait3A_517] : memref<20000x128xf32, #tpu.memory_space<hbm>> -> memref<20000x128xf32, #tpu.memory_space<hbm>>
      tpu.wait_indirect_dma semaphore(%arg15 : memref<!tpu.dma_semaphore, #tpu.memory_space<semaphore_mem>>) src(%dma_wait3A_518 : memref<20000x128xf32, #tpu.memory_space<hbm>>) dst(%arg11 : memref<64x128xf32, #tpu.memory_space<vmem>>)
      %dma_start3A_519 = arith.constant 17 : i32
      %dma_start3A_520 = arith.constant 0 : i32
      %dma_start3A_521 = tpu.memref_slice %arg9[%dma_start3A_519, %dma_start3A_520] : memref<32x64xi32, #tpu.memory_space<vmem>> -> memref<1x64xi32, #tpu.memory_space<vmem>>
      %dma_start3A_522 = tpu.memref_squeeze %dma_start3A_521 : memref<1x64xi32, #tpu.memory_space<vmem>> -> memref<64xi32, #tpu.memory_space<vmem>>
      %dma_start3A_523 = arith.constant 0 : i32
      %dma_start3A_524 = arith.constant 0 : i32
      %dma_start3A_525 = tpu.memref_slice %arg7[%dma_start3A_523, %dma_start3A_524] : memref<10240x128xf32, #tpu.memory_space<vmem_shared>> -> memref<10240x128xf32, #tpu.memory_space<vmem_shared>>
      tpu.enqueue_indirect_dma source(%arg11 : memref<64x128xf32, #tpu.memory_space<vmem>>) target(%dma_start3A_525 : memref<10240x128xf32, #tpu.memory_space<vmem_shared>>) offsets(%dma_start3A_522 : memref<64xi32, #tpu.memory_space<vmem>>) semaphore(%arg19 : memref<!tpu.dma_semaphore, #tpu.memory_space<semaphore_mem>>) {add = true}
      %dma_wait3A_526 = arith.constant 15 : i32
      %dma_wait3A_527 = arith.constant 0 : i32
      %dma_wait3A_528 = tpu.memref_slice %arg9[%dma_wait3A_526, %dma_wait3A_527] : memref<32x64xi32, #tpu.memory_space<vmem>> -> memref<1x64xi32, #tpu.memory_space<vmem>>
      %dma_wait3A_529 = tpu.memref_squeeze %dma_wait3A_528 : memref<1x64xi32, #tpu.memory_space<vmem>> -> memref<64xi32, #tpu.memory_space<vmem>>
      %dma_wait3A_530 = arith.constant 0 : i32
      %dma_wait3A_531 = arith.constant 0 : i32
      %dma_wait3A_532 = tpu.memref_slice %arg7[%dma_wait3A_530, %dma_wait3A_531] : memref<10240x128xf32, #tpu.memory_space<vmem_shared>> -> memref<10240x128xf32, #tpu.memory_space<vmem_shared>>
      tpu.wait_indirect_dma semaphore(%arg21 : memref<!tpu.dma_semaphore, #tpu.memory_space<semaphore_mem>>) src(%arg13 : memref<64x128xf32, #tpu.memory_space<vmem>>) dst(%dma_wait3A_532 : memref<10240x128xf32, #tpu.memory_space<vmem_shared>>)
      %dma_start3A_533 = arith.constant 19 : i32
      %dma_start3A_534 = arith.constant 0 : i32
      %dma_start3A_535 = tpu.memref_slice %arg8[%dma_start3A_533, %dma_start3A_534] : memref<32x64xi32, #tpu.memory_space<vmem>> -> memref<1x64xi32, #tpu.memory_space<vmem>>
      %dma_start3A_536 = tpu.memref_squeeze %dma_start3A_535 : memref<1x64xi32, #tpu.memory_space<vmem>> -> memref<64xi32, #tpu.memory_space<vmem>>
      %dma_start3A_537 = arith.constant 0 : i32
      %dma_start3A_538 = arith.constant 0 : i32
      %dma_start3A_539 = tpu.memref_slice %arg2[%dma_start3A_537, %dma_start3A_538] : memref<20000x128xf32, #tpu.memory_space<hbm>> -> memref<20000x128xf32, #tpu.memory_space<hbm>>
      tpu.enqueue_indirect_dma source(%dma_start3A_539 : memref<20000x128xf32, #tpu.memory_space<hbm>>) target(%arg13 : memref<64x128xf32, #tpu.memory_space<vmem>>) offsets(%dma_start3A_536 : memref<64xi32, #tpu.memory_space<vmem>>) semaphore(%arg17 : memref<!tpu.dma_semaphore, #tpu.memory_space<semaphore_mem>>)
      %dma_wait3A_540 = arith.constant 18 : i32
      %dma_wait3A_541 = arith.constant 0 : i32
      %dma_wait3A_542 = tpu.memref_slice %arg8[%dma_wait3A_540, %dma_wait3A_541] : memref<32x64xi32, #tpu.memory_space<vmem>> -> memref<1x64xi32, #tpu.memory_space<vmem>>
      %dma_wait3A_543 = tpu.memref_squeeze %dma_wait3A_542 : memref<1x64xi32, #tpu.memory_space<vmem>> -> memref<64xi32, #tpu.memory_space<vmem>>
      %dma_wait3A_544 = arith.constant 0 : i32
      %dma_wait3A_545 = arith.constant 0 : i32
      %dma_wait3A_546 = tpu.memref_slice %arg2[%dma_wait3A_544, %dma_wait3A_545] : memref<20000x128xf32, #tpu.memory_space<hbm>> -> memref<20000x128xf32, #tpu.memory_space<hbm>>
      tpu.wait_indirect_dma semaphore(%arg16 : memref<!tpu.dma_semaphore, #tpu.memory_space<semaphore_mem>>) src(%dma_wait3A_546 : memref<20000x128xf32, #tpu.memory_space<hbm>>) dst(%arg12 : memref<64x128xf32, #tpu.memory_space<vmem>>)
      %dma_start3A_547 = arith.constant 18 : i32
      %dma_start3A_548 = arith.constant 0 : i32
      %dma_start3A_549 = tpu.memref_slice %arg9[%dma_start3A_547, %dma_start3A_548] : memref<32x64xi32, #tpu.memory_space<vmem>> -> memref<1x64xi32, #tpu.memory_space<vmem>>
      %dma_start3A_550 = tpu.memref_squeeze %dma_start3A_549 : memref<1x64xi32, #tpu.memory_space<vmem>> -> memref<64xi32, #tpu.memory_space<vmem>>
      %dma_start3A_551 = arith.constant 0 : i32
      %dma_start3A_552 = arith.constant 0 : i32
      %dma_start3A_553 = tpu.memref_slice %arg7[%dma_start3A_551, %dma_start3A_552] : memref<10240x128xf32, #tpu.memory_space<vmem_shared>> -> memref<10240x128xf32, #tpu.memory_space<vmem_shared>>
      tpu.enqueue_indirect_dma source(%arg12 : memref<64x128xf32, #tpu.memory_space<vmem>>) target(%dma_start3A_553 : memref<10240x128xf32, #tpu.memory_space<vmem_shared>>) offsets(%dma_start3A_550 : memref<64xi32, #tpu.memory_space<vmem>>) semaphore(%arg20 : memref<!tpu.dma_semaphore, #tpu.memory_space<semaphore_mem>>) {add = true}
      %dma_wait3A_554 = arith.constant 16 : i32
      %dma_wait3A_555 = arith.constant 0 : i32
      %dma_wait3A_556 = tpu.memref_slice %arg9[%dma_wait3A_554, %dma_wait3A_555] : memref<32x64xi32, #tpu.memory_space<vmem>> -> memref<1x64xi32, #tpu.memory_space<vmem>>
      %dma_wait3A_557 = tpu.memref_squeeze %dma_wait3A_556 : memref<1x64xi32, #tpu.memory_space<vmem>> -> memref<64xi32, #tpu.memory_space<vmem>>
      %dma_wait3A_558 = arith.constant 0 : i32
      %dma_wait3A_559 = arith.constant 0 : i32
      %dma_wait3A_560 = tpu.memref_slice %arg7[%dma_wait3A_558, %dma_wait3A_559] : memref<10240x128xf32, #tpu.memory_space<vmem_shared>> -> memref<10240x128xf32, #tpu.memory_space<vmem_shared>>
      tpu.wait_indirect_dma semaphore(%arg18 : memref<!tpu.dma_semaphore, #tpu.memory_space<semaphore_mem>>) src(%arg10 : memref<64x128xf32, #tpu.memory_space<vmem>>) dst(%dma_wait3A_560 : memref<10240x128xf32, #tpu.memory_space<vmem_shared>>)
      %dma_start3A_561 = arith.constant 20 : i32
      %dma_start3A_562 = arith.constant 0 : i32
      %dma_start3A_563 = tpu.memref_slice %arg8[%dma_start3A_561, %dma_start3A_562] : memref<32x64xi32, #tpu.memory_space<vmem>> -> memref<1x64xi32, #tpu.memory_space<vmem>>
      %dma_start3A_564 = tpu.memref_squeeze %dma_start3A_563 : memref<1x64xi32, #tpu.memory_space<vmem>> -> memref<64xi32, #tpu.memory_space<vmem>>
      %dma_start3A_565 = arith.constant 0 : i32
      %dma_start3A_566 = arith.constant 0 : i32
      %dma_start3A_567 = tpu.memref_slice %arg2[%dma_start3A_565, %dma_start3A_566] : memref<20000x128xf32, #tpu.memory_space<hbm>> -> memref<20000x128xf32, #tpu.memory_space<hbm>>
      tpu.enqueue_indirect_dma source(%dma_start3A_567 : memref<20000x128xf32, #tpu.memory_space<hbm>>) target(%arg10 : memref<64x128xf32, #tpu.memory_space<vmem>>) offsets(%dma_start3A_564 : memref<64xi32, #tpu.memory_space<vmem>>) semaphore(%arg14 : memref<!tpu.dma_semaphore, #tpu.memory_space<semaphore_mem>>)
      %dma_wait3A_568 = arith.constant 19 : i32
      %dma_wait3A_569 = arith.constant 0 : i32
      %dma_wait3A_570 = tpu.memref_slice %arg8[%dma_wait3A_568, %dma_wait3A_569] : memref<32x64xi32, #tpu.memory_space<vmem>> -> memref<1x64xi32, #tpu.memory_space<vmem>>
      %dma_wait3A_571 = tpu.memref_squeeze %dma_wait3A_570 : memref<1x64xi32, #tpu.memory_space<vmem>> -> memref<64xi32, #tpu.memory_space<vmem>>
      %dma_wait3A_572 = arith.constant 0 : i32
      %dma_wait3A_573 = arith.constant 0 : i32
      %dma_wait3A_574 = tpu.memref_slice %arg2[%dma_wait3A_572, %dma_wait3A_573] : memref<20000x128xf32, #tpu.memory_space<hbm>> -> memref<20000x128xf32, #tpu.memory_space<hbm>>
      tpu.wait_indirect_dma semaphore(%arg17 : memref<!tpu.dma_semaphore, #tpu.memory_space<semaphore_mem>>) src(%dma_wait3A_574 : memref<20000x128xf32, #tpu.memory_space<hbm>>) dst(%arg13 : memref<64x128xf32, #tpu.memory_space<vmem>>)
      %dma_start3A_575 = arith.constant 19 : i32
      %dma_start3A_576 = arith.constant 0 : i32
      %dma_start3A_577 = tpu.memref_slice %arg9[%dma_start3A_575, %dma_start3A_576] : memref<32x64xi32, #tpu.memory_space<vmem>> -> memref<1x64xi32, #tpu.memory_space<vmem>>
      %dma_start3A_578 = tpu.memref_squeeze %dma_start3A_577 : memref<1x64xi32, #tpu.memory_space<vmem>> -> memref<64xi32, #tpu.memory_space<vmem>>
      %dma_start3A_579 = arith.constant 0 : i32
      %dma_start3A_580 = arith.constant 0 : i32
      %dma_start3A_581 = tpu.memref_slice %arg7[%dma_start3A_579, %dma_start3A_580] : memref<10240x128xf32, #tpu.memory_space<vmem_shared>> -> memref<10240x128xf32, #tpu.memory_space<vmem_shared>>
      tpu.enqueue_indirect_dma source(%arg13 : memref<64x128xf32, #tpu.memory_space<vmem>>) target(%dma_start3A_581 : memref<10240x128xf32, #tpu.memory_space<vmem_shared>>) offsets(%dma_start3A_578 : memref<64xi32, #tpu.memory_space<vmem>>) semaphore(%arg21 : memref<!tpu.dma_semaphore, #tpu.memory_space<semaphore_mem>>) {add = true}
      %dma_wait3A_582 = arith.constant 17 : i32
      %dma_wait3A_583 = arith.constant 0 : i32
      %dma_wait3A_584 = tpu.memref_slice %arg9[%dma_wait3A_582, %dma_wait3A_583] : memref<32x64xi32, #tpu.memory_space<vmem>> -> memref<1x64xi32, #tpu.memory_space<vmem>>
      %dma_wait3A_585 = tpu.memref_squeeze %dma_wait3A_584 : memref<1x64xi32, #tpu.memory_space<vmem>> -> memref<64xi32, #tpu.memory_space<vmem>>
      %dma_wait3A_586 = arith.constant 0 : i32
      %dma_wait3A_587 = arith.constant 0 : i32
      %dma_wait3A_588 = tpu.memref_slice %arg7[%dma_wait3A_586, %dma_wait3A_587] : memref<10240x128xf32, #tpu.memory_space<vmem_shared>> -> memref<10240x128xf32, #tpu.memory_space<vmem_shared>>
      tpu.wait_indirect_dma semaphore(%arg19 : memref<!tpu.dma_semaphore, #tpu.memory_space<semaphore_mem>>) src(%arg11 : memref<64x128xf32, #tpu.memory_space<vmem>>) dst(%dma_wait3A_588 : memref<10240x128xf32, #tpu.memory_space<vmem_shared>>)
      %dma_start3A_589 = arith.constant 21 : i32
      %dma_start3A_590 = arith.constant 0 : i32
      %dma_start3A_591 = tpu.memref_slice %arg8[%dma_start3A_589, %dma_start3A_590] : memref<32x64xi32, #tpu.memory_space<vmem>> -> memref<1x64xi32, #tpu.memory_space<vmem>>
      %dma_start3A_592 = tpu.memref_squeeze %dma_start3A_591 : memref<1x64xi32, #tpu.memory_space<vmem>> -> memref<64xi32, #tpu.memory_space<vmem>>
      %dma_start3A_593 = arith.constant 0 : i32
      %dma_start3A_594 = arith.constant 0 : i32
      %dma_start3A_595 = tpu.memref_slice %arg2[%dma_start3A_593, %dma_start3A_594] : memref<20000x128xf32, #tpu.memory_space<hbm>> -> memref<20000x128xf32, #tpu.memory_space<hbm>>
      tpu.enqueue_indirect_dma source(%dma_start3A_595 : memref<20000x128xf32, #tpu.memory_space<hbm>>) target(%arg11 : memref<64x128xf32, #tpu.memory_space<vmem>>) offsets(%dma_start3A_592 : memref<64xi32, #tpu.memory_space<vmem>>) semaphore(%arg15 : memref<!tpu.dma_semaphore, #tpu.memory_space<semaphore_mem>>)
      %dma_wait3A_596 = arith.constant 20 : i32
      %dma_wait3A_597 = arith.constant 0 : i32
      %dma_wait3A_598 = tpu.memref_slice %arg8[%dma_wait3A_596, %dma_wait3A_597] : memref<32x64xi32, #tpu.memory_space<vmem>> -> memref<1x64xi32, #tpu.memory_space<vmem>>
      %dma_wait3A_599 = tpu.memref_squeeze %dma_wait3A_598 : memref<1x64xi32, #tpu.memory_space<vmem>> -> memref<64xi32, #tpu.memory_space<vmem>>
      %dma_wait3A_600 = arith.constant 0 : i32
      %dma_wait3A_601 = arith.constant 0 : i32
      %dma_wait3A_602 = tpu.memref_slice %arg2[%dma_wait3A_600, %dma_wait3A_601] : memref<20000x128xf32, #tpu.memory_space<hbm>> -> memref<20000x128xf32, #tpu.memory_space<hbm>>
      tpu.wait_indirect_dma semaphore(%arg14 : memref<!tpu.dma_semaphore, #tpu.memory_space<semaphore_mem>>) src(%dma_wait3A_602 : memref<20000x128xf32, #tpu.memory_space<hbm>>) dst(%arg10 : memref<64x128xf32, #tpu.memory_space<vmem>>)
      %dma_start3A_603 = arith.constant 20 : i32
      %dma_start3A_604 = arith.constant 0 : i32
      %dma_start3A_605 = tpu.memref_slice %arg9[%dma_start3A_603, %dma_start3A_604] : memref<32x64xi32, #tpu.memory_space<vmem>> -> memref<1x64xi32, #tpu.memory_space<vmem>>
      %dma_start3A_606 = tpu.memref_squeeze %dma_start3A_605 : memref<1x64xi32, #tpu.memory_space<vmem>> -> memref<64xi32, #tpu.memory_space<vmem>>
      %dma_start3A_607 = arith.constant 0 : i32
      %dma_start3A_608 = arith.constant 0 : i32
      %dma_start3A_609 = tpu.memref_slice %arg7[%dma_start3A_607, %dma_start3A_608] : memref<10240x128xf32, #tpu.memory_space<vmem_shared>> -> memref<10240x128xf32, #tpu.memory_space<vmem_shared>>
      tpu.enqueue_indirect_dma source(%arg10 : memref<64x128xf32, #tpu.memory_space<vmem>>) target(%dma_start3A_609 : memref<10240x128xf32, #tpu.memory_space<vmem_shared>>) offsets(%dma_start3A_606 : memref<64xi32, #tpu.memory_space<vmem>>) semaphore(%arg18 : memref<!tpu.dma_semaphore, #tpu.memory_space<semaphore_mem>>) {add = true}
      %dma_wait3A_610 = arith.constant 18 : i32
      %dma_wait3A_611 = arith.constant 0 : i32
      %dma_wait3A_612 = tpu.memref_slice %arg9[%dma_wait3A_610, %dma_wait3A_611] : memref<32x64xi32, #tpu.memory_space<vmem>> -> memref<1x64xi32, #tpu.memory_space<vmem>>
      %dma_wait3A_613 = tpu.memref_squeeze %dma_wait3A_612 : memref<1x64xi32, #tpu.memory_space<vmem>> -> memref<64xi32, #tpu.memory_space<vmem>>
      %dma_wait3A_614 = arith.constant 0 : i32
      %dma_wait3A_615 = arith.constant 0 : i32
      %dma_wait3A_616 = tpu.memref_slice %arg7[%dma_wait3A_614, %dma_wait3A_615] : memref<10240x128xf32, #tpu.memory_space<vmem_shared>> -> memref<10240x128xf32, #tpu.memory_space<vmem_shared>>
      tpu.wait_indirect_dma semaphore(%arg20 : memref<!tpu.dma_semaphore, #tpu.memory_space<semaphore_mem>>) src(%arg12 : memref<64x128xf32, #tpu.memory_space<vmem>>) dst(%dma_wait3A_616 : memref<10240x128xf32, #tpu.memory_space<vmem_shared>>)
      %dma_start3A_617 = arith.constant 22 : i32
      %dma_start3A_618 = arith.constant 0 : i32
      %dma_start3A_619 = tpu.memref_slice %arg8[%dma_start3A_617, %dma_start3A_618] : memref<32x64xi32, #tpu.memory_space<vmem>> -> memref<1x64xi32, #tpu.memory_space<vmem>>
      %dma_start3A_620 = tpu.memref_squeeze %dma_start3A_619 : memref<1x64xi32, #tpu.memory_space<vmem>> -> memref<64xi32, #tpu.memory_space<vmem>>
      %dma_start3A_621 = arith.constant 0 : i32
      %dma_start3A_622 = arith.constant 0 : i32
      %dma_start3A_623 = tpu.memref_slice %arg2[%dma_start3A_621, %dma_start3A_622] : memref<20000x128xf32, #tpu.memory_space<hbm>> -> memref<20000x128xf32, #tpu.memory_space<hbm>>
      tpu.enqueue_indirect_dma source(%dma_start3A_623 : memref<20000x128xf32, #tpu.memory_space<hbm>>) target(%arg12 : memref<64x128xf32, #tpu.memory_space<vmem>>) offsets(%dma_start3A_620 : memref<64xi32, #tpu.memory_space<vmem>>) semaphore(%arg16 : memref<!tpu.dma_semaphore, #tpu.memory_space<semaphore_mem>>)
      %dma_wait3A_624 = arith.constant 21 : i32
      %dma_wait3A_625 = arith.constant 0 : i32
      %dma_wait3A_626 = tpu.memref_slice %arg8[%dma_wait3A_624, %dma_wait3A_625] : memref<32x64xi32, #tpu.memory_space<vmem>> -> memref<1x64xi32, #tpu.memory_space<vmem>>
      %dma_wait3A_627 = tpu.memref_squeeze %dma_wait3A_626 : memref<1x64xi32, #tpu.memory_space<vmem>> -> memref<64xi32, #tpu.memory_space<vmem>>
      %dma_wait3A_628 = arith.constant 0 : i32
      %dma_wait3A_629 = arith.constant 0 : i32
      %dma_wait3A_630 = tpu.memref_slice %arg2[%dma_wait3A_628, %dma_wait3A_629] : memref<20000x128xf32, #tpu.memory_space<hbm>> -> memref<20000x128xf32, #tpu.memory_space<hbm>>
      tpu.wait_indirect_dma semaphore(%arg15 : memref<!tpu.dma_semaphore, #tpu.memory_space<semaphore_mem>>) src(%dma_wait3A_630 : memref<20000x128xf32, #tpu.memory_space<hbm>>) dst(%arg11 : memref<64x128xf32, #tpu.memory_space<vmem>>)
      %dma_start3A_631 = arith.constant 21 : i32
      %dma_start3A_632 = arith.constant 0 : i32
      %dma_start3A_633 = tpu.memref_slice %arg9[%dma_start3A_631, %dma_start3A_632] : memref<32x64xi32, #tpu.memory_space<vmem>> -> memref<1x64xi32, #tpu.memory_space<vmem>>
      %dma_start3A_634 = tpu.memref_squeeze %dma_start3A_633 : memref<1x64xi32, #tpu.memory_space<vmem>> -> memref<64xi32, #tpu.memory_space<vmem>>
      %dma_start3A_635 = arith.constant 0 : i32
      %dma_start3A_636 = arith.constant 0 : i32
      %dma_start3A_637 = tpu.memref_slice %arg7[%dma_start3A_635, %dma_start3A_636] : memref<10240x128xf32, #tpu.memory_space<vmem_shared>> -> memref<10240x128xf32, #tpu.memory_space<vmem_shared>>
      tpu.enqueue_indirect_dma source(%arg11 : memref<64x128xf32, #tpu.memory_space<vmem>>) target(%dma_start3A_637 : memref<10240x128xf32, #tpu.memory_space<vmem_shared>>) offsets(%dma_start3A_634 : memref<64xi32, #tpu.memory_space<vmem>>) semaphore(%arg19 : memref<!tpu.dma_semaphore, #tpu.memory_space<semaphore_mem>>) {add = true}
      %dma_wait3A_638 = arith.constant 19 : i32
      %dma_wait3A_639 = arith.constant 0 : i32
      %dma_wait3A_640 = tpu.memref_slice %arg9[%dma_wait3A_638, %dma_wait3A_639] : memref<32x64xi32, #tpu.memory_space<vmem>> -> memref<1x64xi32, #tpu.memory_space<vmem>>
      %dma_wait3A_641 = tpu.memref_squeeze %dma_wait3A_640 : memref<1x64xi32, #tpu.memory_space<vmem>> -> memref<64xi32, #tpu.memory_space<vmem>>
      %dma_wait3A_642 = arith.constant 0 : i32
      %dma_wait3A_643 = arith.constant 0 : i32
      %dma_wait3A_644 = tpu.memref_slice %arg7[%dma_wait3A_642, %dma_wait3A_643] : memref<10240x128xf32, #tpu.memory_space<vmem_shared>> -> memref<10240x128xf32, #tpu.memory_space<vmem_shared>>
      tpu.wait_indirect_dma semaphore(%arg21 : memref<!tpu.dma_semaphore, #tpu.memory_space<semaphore_mem>>) src(%arg13 : memref<64x128xf32, #tpu.memory_space<vmem>>) dst(%dma_wait3A_644 : memref<10240x128xf32, #tpu.memory_space<vmem_shared>>)
      %dma_start3A_645 = arith.constant 23 : i32
      %dma_start3A_646 = arith.constant 0 : i32
      %dma_start3A_647 = tpu.memref_slice %arg8[%dma_start3A_645, %dma_start3A_646] : memref<32x64xi32, #tpu.memory_space<vmem>> -> memref<1x64xi32, #tpu.memory_space<vmem>>
      %dma_start3A_648 = tpu.memref_squeeze %dma_start3A_647 : memref<1x64xi32, #tpu.memory_space<vmem>> -> memref<64xi32, #tpu.memory_space<vmem>>
      %dma_start3A_649 = arith.constant 0 : i32
      %dma_start3A_650 = arith.constant 0 : i32
      %dma_start3A_651 = tpu.memref_slice %arg2[%dma_start3A_649, %dma_start3A_650] : memref<20000x128xf32, #tpu.memory_space<hbm>> -> memref<20000x128xf32, #tpu.memory_space<hbm>>
      tpu.enqueue_indirect_dma source(%dma_start3A_651 : memref<20000x128xf32, #tpu.memory_space<hbm>>) target(%arg13 : memref<64x128xf32, #tpu.memory_space<vmem>>) offsets(%dma_start3A_648 : memref<64xi32, #tpu.memory_space<vmem>>) semaphore(%arg17 : memref<!tpu.dma_semaphore, #tpu.memory_space<semaphore_mem>>)
      %dma_wait3A_652 = arith.constant 22 : i32
      %dma_wait3A_653 = arith.constant 0 : i32
      %dma_wait3A_654 = tpu.memref_slice %arg8[%dma_wait3A_652, %dma_wait3A_653] : memref<32x64xi32, #tpu.memory_space<vmem>> -> memref<1x64xi32, #tpu.memory_space<vmem>>
      %dma_wait3A_655 = tpu.memref_squeeze %dma_wait3A_654 : memref<1x64xi32, #tpu.memory_space<vmem>> -> memref<64xi32, #tpu.memory_space<vmem>>
      %dma_wait3A_656 = arith.constant 0 : i32
      %dma_wait3A_657 = arith.constant 0 : i32
      %dma_wait3A_658 = tpu.memref_slice %arg2[%dma_wait3A_656, %dma_wait3A_657] : memref<20000x128xf32, #tpu.memory_space<hbm>> -> memref<20000x128xf32, #tpu.memory_space<hbm>>
      tpu.wait_indirect_dma semaphore(%arg16 : memref<!tpu.dma_semaphore, #tpu.memory_space<semaphore_mem>>) src(%dma_wait3A_658 : memref<20000x128xf32, #tpu.memory_space<hbm>>) dst(%arg12 : memref<64x128xf32, #tpu.memory_space<vmem>>)
      %dma_start3A_659 = arith.constant 22 : i32
      %dma_start3A_660 = arith.constant 0 : i32
      %dma_start3A_661 = tpu.memref_slice %arg9[%dma_start3A_659, %dma_start3A_660] : memref<32x64xi32, #tpu.memory_space<vmem>> -> memref<1x64xi32, #tpu.memory_space<vmem>>
      %dma_start3A_662 = tpu.memref_squeeze %dma_start3A_661 : memref<1x64xi32, #tpu.memory_space<vmem>> -> memref<64xi32, #tpu.memory_space<vmem>>
      %dma_start3A_663 = arith.constant 0 : i32
      %dma_start3A_664 = arith.constant 0 : i32
      %dma_start3A_665 = tpu.memref_slice %arg7[%dma_start3A_663, %dma_start3A_664] : memref<10240x128xf32, #tpu.memory_space<vmem_shared>> -> memref<10240x128xf32, #tpu.memory_space<vmem_shared>>
      tpu.enqueue_indirect_dma source(%arg12 : memref<64x128xf32, #tpu.memory_space<vmem>>) target(%dma_start3A_665 : memref<10240x128xf32, #tpu.memory_space<vmem_shared>>) offsets(%dma_start3A_662 : memref<64xi32, #tpu.memory_space<vmem>>) semaphore(%arg20 : memref<!tpu.dma_semaphore, #tpu.memory_space<semaphore_mem>>) {add = true}
      %dma_wait3A_666 = arith.constant 20 : i32
      %dma_wait3A_667 = arith.constant 0 : i32
      %dma_wait3A_668 = tpu.memref_slice %arg9[%dma_wait3A_666, %dma_wait3A_667] : memref<32x64xi32, #tpu.memory_space<vmem>> -> memref<1x64xi32, #tpu.memory_space<vmem>>
      %dma_wait3A_669 = tpu.memref_squeeze %dma_wait3A_668 : memref<1x64xi32, #tpu.memory_space<vmem>> -> memref<64xi32, #tpu.memory_space<vmem>>
      %dma_wait3A_670 = arith.constant 0 : i32
      %dma_wait3A_671 = arith.constant 0 : i32
      %dma_wait3A_672 = tpu.memref_slice %arg7[%dma_wait3A_670, %dma_wait3A_671] : memref<10240x128xf32, #tpu.memory_space<vmem_shared>> -> memref<10240x128xf32, #tpu.memory_space<vmem_shared>>
      tpu.wait_indirect_dma semaphore(%arg18 : memref<!tpu.dma_semaphore, #tpu.memory_space<semaphore_mem>>) src(%arg10 : memref<64x128xf32, #tpu.memory_space<vmem>>) dst(%dma_wait3A_672 : memref<10240x128xf32, #tpu.memory_space<vmem_shared>>)
      %dma_start3A_673 = arith.constant 24 : i32
      %dma_start3A_674 = arith.constant 0 : i32
      %dma_start3A_675 = tpu.memref_slice %arg8[%dma_start3A_673, %dma_start3A_674] : memref<32x64xi32, #tpu.memory_space<vmem>> -> memref<1x64xi32, #tpu.memory_space<vmem>>
      %dma_start3A_676 = tpu.memref_squeeze %dma_start3A_675 : memref<1x64xi32, #tpu.memory_space<vmem>> -> memref<64xi32, #tpu.memory_space<vmem>>
      %dma_start3A_677 = arith.constant 0 : i32
      %dma_start3A_678 = arith.constant 0 : i32
      %dma_start3A_679 = tpu.memref_slice %arg2[%dma_start3A_677, %dma_start3A_678] : memref<20000x128xf32, #tpu.memory_space<hbm>> -> memref<20000x128xf32, #tpu.memory_space<hbm>>
      tpu.enqueue_indirect_dma source(%dma_start3A_679 : memref<20000x128xf32, #tpu.memory_space<hbm>>) target(%arg10 : memref<64x128xf32, #tpu.memory_space<vmem>>) offsets(%dma_start3A_676 : memref<64xi32, #tpu.memory_space<vmem>>) semaphore(%arg14 : memref<!tpu.dma_semaphore, #tpu.memory_space<semaphore_mem>>)
      %dma_wait3A_680 = arith.constant 23 : i32
      %dma_wait3A_681 = arith.constant 0 : i32
      %dma_wait3A_682 = tpu.memref_slice %arg8[%dma_wait3A_680, %dma_wait3A_681] : memref<32x64xi32, #tpu.memory_space<vmem>> -> memref<1x64xi32, #tpu.memory_space<vmem>>
      %dma_wait3A_683 = tpu.memref_squeeze %dma_wait3A_682 : memref<1x64xi32, #tpu.memory_space<vmem>> -> memref<64xi32, #tpu.memory_space<vmem>>
      %dma_wait3A_684 = arith.constant 0 : i32
      %dma_wait3A_685 = arith.constant 0 : i32
      %dma_wait3A_686 = tpu.memref_slice %arg2[%dma_wait3A_684, %dma_wait3A_685] : memref<20000x128xf32, #tpu.memory_space<hbm>> -> memref<20000x128xf32, #tpu.memory_space<hbm>>
      tpu.wait_indirect_dma semaphore(%arg17 : memref<!tpu.dma_semaphore, #tpu.memory_space<semaphore_mem>>) src(%dma_wait3A_686 : memref<20000x128xf32, #tpu.memory_space<hbm>>) dst(%arg13 : memref<64x128xf32, #tpu.memory_space<vmem>>)
      %dma_start3A_687 = arith.constant 23 : i32
      %dma_start3A_688 = arith.constant 0 : i32
      %dma_start3A_689 = tpu.memref_slice %arg9[%dma_start3A_687, %dma_start3A_688] : memref<32x64xi32, #tpu.memory_space<vmem>> -> memref<1x64xi32, #tpu.memory_space<vmem>>
      %dma_start3A_690 = tpu.memref_squeeze %dma_start3A_689 : memref<1x64xi32, #tpu.memory_space<vmem>> -> memref<64xi32, #tpu.memory_space<vmem>>
      %dma_start3A_691 = arith.constant 0 : i32
      %dma_start3A_692 = arith.constant 0 : i32
      %dma_start3A_693 = tpu.memref_slice %arg7[%dma_start3A_691, %dma_start3A_692] : memref<10240x128xf32, #tpu.memory_space<vmem_shared>> -> memref<10240x128xf32, #tpu.memory_space<vmem_shared>>
      tpu.enqueue_indirect_dma source(%arg13 : memref<64x128xf32, #tpu.memory_space<vmem>>) target(%dma_start3A_693 : memref<10240x128xf32, #tpu.memory_space<vmem_shared>>) offsets(%dma_start3A_690 : memref<64xi32, #tpu.memory_space<vmem>>) semaphore(%arg21 : memref<!tpu.dma_semaphore, #tpu.memory_space<semaphore_mem>>) {add = true}
      %dma_wait3A_694 = arith.constant 21 : i32
      %dma_wait3A_695 = arith.constant 0 : i32
      %dma_wait3A_696 = tpu.memref_slice %arg9[%dma_wait3A_694, %dma_wait3A_695] : memref<32x64xi32, #tpu.memory_space<vmem>> -> memref<1x64xi32, #tpu.memory_space<vmem>>
      %dma_wait3A_697 = tpu.memref_squeeze %dma_wait3A_696 : memref<1x64xi32, #tpu.memory_space<vmem>> -> memref<64xi32, #tpu.memory_space<vmem>>
      %dma_wait3A_698 = arith.constant 0 : i32
      %dma_wait3A_699 = arith.constant 0 : i32
      %dma_wait3A_700 = tpu.memref_slice %arg7[%dma_wait3A_698, %dma_wait3A_699] : memref<10240x128xf32, #tpu.memory_space<vmem_shared>> -> memref<10240x128xf32, #tpu.memory_space<vmem_shared>>
      tpu.wait_indirect_dma semaphore(%arg19 : memref<!tpu.dma_semaphore, #tpu.memory_space<semaphore_mem>>) src(%arg11 : memref<64x128xf32, #tpu.memory_space<vmem>>) dst(%dma_wait3A_700 : memref<10240x128xf32, #tpu.memory_space<vmem_shared>>)
      %dma_start3A_701 = arith.constant 25 : i32
      %dma_start3A_702 = arith.constant 0 : i32
      %dma_start3A_703 = tpu.memref_slice %arg8[%dma_start3A_701, %dma_start3A_702] : memref<32x64xi32, #tpu.memory_space<vmem>> -> memref<1x64xi32, #tpu.memory_space<vmem>>
      %dma_start3A_704 = tpu.memref_squeeze %dma_start3A_703 : memref<1x64xi32, #tpu.memory_space<vmem>> -> memref<64xi32, #tpu.memory_space<vmem>>
      %dma_start3A_705 = arith.constant 0 : i32
      %dma_start3A_706 = arith.constant 0 : i32
      %dma_start3A_707 = tpu.memref_slice %arg2[%dma_start3A_705, %dma_start3A_706] : memref<20000x128xf32, #tpu.memory_space<hbm>> -> memref<20000x128xf32, #tpu.memory_space<hbm>>
      tpu.enqueue_indirect_dma source(%dma_start3A_707 : memref<20000x128xf32, #tpu.memory_space<hbm>>) target(%arg11 : memref<64x128xf32, #tpu.memory_space<vmem>>) offsets(%dma_start3A_704 : memref<64xi32, #tpu.memory_space<vmem>>) semaphore(%arg15 : memref<!tpu.dma_semaphore, #tpu.memory_space<semaphore_mem>>)
      %dma_wait3A_708 = arith.constant 24 : i32
      %dma_wait3A_709 = arith.constant 0 : i32
      %dma_wait3A_710 = tpu.memref_slice %arg8[%dma_wait3A_708, %dma_wait3A_709] : memref<32x64xi32, #tpu.memory_space<vmem>> -> memref<1x64xi32, #tpu.memory_space<vmem>>
      %dma_wait3A_711 = tpu.memref_squeeze %dma_wait3A_710 : memref<1x64xi32, #tpu.memory_space<vmem>> -> memref<64xi32, #tpu.memory_space<vmem>>
      %dma_wait3A_712 = arith.constant 0 : i32
      %dma_wait3A_713 = arith.constant 0 : i32
      %dma_wait3A_714 = tpu.memref_slice %arg2[%dma_wait3A_712, %dma_wait3A_713] : memref<20000x128xf32, #tpu.memory_space<hbm>> -> memref<20000x128xf32, #tpu.memory_space<hbm>>
      tpu.wait_indirect_dma semaphore(%arg14 : memref<!tpu.dma_semaphore, #tpu.memory_space<semaphore_mem>>) src(%dma_wait3A_714 : memref<20000x128xf32, #tpu.memory_space<hbm>>) dst(%arg10 : memref<64x128xf32, #tpu.memory_space<vmem>>)
      %dma_start3A_715 = arith.constant 24 : i32
      %dma_start3A_716 = arith.constant 0 : i32
      %dma_start3A_717 = tpu.memref_slice %arg9[%dma_start3A_715, %dma_start3A_716] : memref<32x64xi32, #tpu.memory_space<vmem>> -> memref<1x64xi32, #tpu.memory_space<vmem>>
      %dma_start3A_718 = tpu.memref_squeeze %dma_start3A_717 : memref<1x64xi32, #tpu.memory_space<vmem>> -> memref<64xi32, #tpu.memory_space<vmem>>
      %dma_start3A_719 = arith.constant 0 : i32
      %dma_start3A_720 = arith.constant 0 : i32
      %dma_start3A_721 = tpu.memref_slice %arg7[%dma_start3A_719, %dma_start3A_720] : memref<10240x128xf32, #tpu.memory_space<vmem_shared>> -> memref<10240x128xf32, #tpu.memory_space<vmem_shared>>
      tpu.enqueue_indirect_dma source(%arg10 : memref<64x128xf32, #tpu.memory_space<vmem>>) target(%dma_start3A_721 : memref<10240x128xf32, #tpu.memory_space<vmem_shared>>) offsets(%dma_start3A_718 : memref<64xi32, #tpu.memory_space<vmem>>) semaphore(%arg18 : memref<!tpu.dma_semaphore, #tpu.memory_space<semaphore_mem>>) {add = true}
      %dma_wait3A_722 = arith.constant 22 : i32
      %dma_wait3A_723 = arith.constant 0 : i32
      %dma_wait3A_724 = tpu.memref_slice %arg9[%dma_wait3A_722, %dma_wait3A_723] : memref<32x64xi32, #tpu.memory_space<vmem>> -> memref<1x64xi32, #tpu.memory_space<vmem>>
      %dma_wait3A_725 = tpu.memref_squeeze %dma_wait3A_724 : memref<1x64xi32, #tpu.memory_space<vmem>> -> memref<64xi32, #tpu.memory_space<vmem>>
      %dma_wait3A_726 = arith.constant 0 : i32
      %dma_wait3A_727 = arith.constant 0 : i32
      %dma_wait3A_728 = tpu.memref_slice %arg7[%dma_wait3A_726, %dma_wait3A_727] : memref<10240x128xf32, #tpu.memory_space<vmem_shared>> -> memref<10240x128xf32, #tpu.memory_space<vmem_shared>>
      tpu.wait_indirect_dma semaphore(%arg20 : memref<!tpu.dma_semaphore, #tpu.memory_space<semaphore_mem>>) src(%arg12 : memref<64x128xf32, #tpu.memory_space<vmem>>) dst(%dma_wait3A_728 : memref<10240x128xf32, #tpu.memory_space<vmem_shared>>)
      %dma_start3A_729 = arith.constant 26 : i32
      %dma_start3A_730 = arith.constant 0 : i32
      %dma_start3A_731 = tpu.memref_slice %arg8[%dma_start3A_729, %dma_start3A_730] : memref<32x64xi32, #tpu.memory_space<vmem>> -> memref<1x64xi32, #tpu.memory_space<vmem>>
      %dma_start3A_732 = tpu.memref_squeeze %dma_start3A_731 : memref<1x64xi32, #tpu.memory_space<vmem>> -> memref<64xi32, #tpu.memory_space<vmem>>
      %dma_start3A_733 = arith.constant 0 : i32
      %dma_start3A_734 = arith.constant 0 : i32
      %dma_start3A_735 = tpu.memref_slice %arg2[%dma_start3A_733, %dma_start3A_734] : memref<20000x128xf32, #tpu.memory_space<hbm>> -> memref<20000x128xf32, #tpu.memory_space<hbm>>
      tpu.enqueue_indirect_dma source(%dma_start3A_735 : memref<20000x128xf32, #tpu.memory_space<hbm>>) target(%arg12 : memref<64x128xf32, #tpu.memory_space<vmem>>) offsets(%dma_start3A_732 : memref<64xi32, #tpu.memory_space<vmem>>) semaphore(%arg16 : memref<!tpu.dma_semaphore, #tpu.memory_space<semaphore_mem>>)
      %dma_wait3A_736 = arith.constant 25 : i32
      %dma_wait3A_737 = arith.constant 0 : i32
      %dma_wait3A_738 = tpu.memref_slice %arg8[%dma_wait3A_736, %dma_wait3A_737] : memref<32x64xi32, #tpu.memory_space<vmem>> -> memref<1x64xi32, #tpu.memory_space<vmem>>
      %dma_wait3A_739 = tpu.memref_squeeze %dma_wait3A_738 : memref<1x64xi32, #tpu.memory_space<vmem>> -> memref<64xi32, #tpu.memory_space<vmem>>
      %dma_wait3A_740 = arith.constant 0 : i32
      %dma_wait3A_741 = arith.constant 0 : i32
      %dma_wait3A_742 = tpu.memref_slice %arg2[%dma_wait3A_740, %dma_wait3A_741] : memref<20000x128xf32, #tpu.memory_space<hbm>> -> memref<20000x128xf32, #tpu.memory_space<hbm>>
      tpu.wait_indirect_dma semaphore(%arg15 : memref<!tpu.dma_semaphore, #tpu.memory_space<semaphore_mem>>) src(%dma_wait3A_742 : memref<20000x128xf32, #tpu.memory_space<hbm>>) dst(%arg11 : memref<64x128xf32, #tpu.memory_space<vmem>>)
      %dma_start3A_743 = arith.constant 25 : i32
      %dma_start3A_744 = arith.constant 0 : i32
      %dma_start3A_745 = tpu.memref_slice %arg9[%dma_start3A_743, %dma_start3A_744] : memref<32x64xi32, #tpu.memory_space<vmem>> -> memref<1x64xi32, #tpu.memory_space<vmem>>
      %dma_start3A_746 = tpu.memref_squeeze %dma_start3A_745 : memref<1x64xi32, #tpu.memory_space<vmem>> -> memref<64xi32, #tpu.memory_space<vmem>>
      %dma_start3A_747 = arith.constant 0 : i32
      %dma_start3A_748 = arith.constant 0 : i32
      %dma_start3A_749 = tpu.memref_slice %arg7[%dma_start3A_747, %dma_start3A_748] : memref<10240x128xf32, #tpu.memory_space<vmem_shared>> -> memref<10240x128xf32, #tpu.memory_space<vmem_shared>>
      tpu.enqueue_indirect_dma source(%arg11 : memref<64x128xf32, #tpu.memory_space<vmem>>) target(%dma_start3A_749 : memref<10240x128xf32, #tpu.memory_space<vmem_shared>>) offsets(%dma_start3A_746 : memref<64xi32, #tpu.memory_space<vmem>>) semaphore(%arg19 : memref<!tpu.dma_semaphore, #tpu.memory_space<semaphore_mem>>) {add = true}
      %dma_wait3A_750 = arith.constant 23 : i32
      %dma_wait3A_751 = arith.constant 0 : i32
      %dma_wait3A_752 = tpu.memref_slice %arg9[%dma_wait3A_750, %dma_wait3A_751] : memref<32x64xi32, #tpu.memory_space<vmem>> -> memref<1x64xi32, #tpu.memory_space<vmem>>
      %dma_wait3A_753 = tpu.memref_squeeze %dma_wait3A_752 : memref<1x64xi32, #tpu.memory_space<vmem>> -> memref<64xi32, #tpu.memory_space<vmem>>
      %dma_wait3A_754 = arith.constant 0 : i32
      %dma_wait3A_755 = arith.constant 0 : i32
      %dma_wait3A_756 = tpu.memref_slice %arg7[%dma_wait3A_754, %dma_wait3A_755] : memref<10240x128xf32, #tpu.memory_space<vmem_shared>> -> memref<10240x128xf32, #tpu.memory_space<vmem_shared>>
      tpu.wait_indirect_dma semaphore(%arg21 : memref<!tpu.dma_semaphore, #tpu.memory_space<semaphore_mem>>) src(%arg13 : memref<64x128xf32, #tpu.memory_space<vmem>>) dst(%dma_wait3A_756 : memref<10240x128xf32, #tpu.memory_space<vmem_shared>>)
      %dma_start3A_757 = arith.constant 27 : i32
      %dma_start3A_758 = arith.constant 0 : i32
      %dma_start3A_759 = tpu.memref_slice %arg8[%dma_start3A_757, %dma_start3A_758] : memref<32x64xi32, #tpu.memory_space<vmem>> -> memref<1x64xi32, #tpu.memory_space<vmem>>
      %dma_start3A_760 = tpu.memref_squeeze %dma_start3A_759 : memref<1x64xi32, #tpu.memory_space<vmem>> -> memref<64xi32, #tpu.memory_space<vmem>>
      %dma_start3A_761 = arith.constant 0 : i32
      %dma_start3A_762 = arith.constant 0 : i32
      %dma_start3A_763 = tpu.memref_slice %arg2[%dma_start3A_761, %dma_start3A_762] : memref<20000x128xf32, #tpu.memory_space<hbm>> -> memref<20000x128xf32, #tpu.memory_space<hbm>>
      tpu.enqueue_indirect_dma source(%dma_start3A_763 : memref<20000x128xf32, #tpu.memory_space<hbm>>) target(%arg13 : memref<64x128xf32, #tpu.memory_space<vmem>>) offsets(%dma_start3A_760 : memref<64xi32, #tpu.memory_space<vmem>>) semaphore(%arg17 : memref<!tpu.dma_semaphore, #tpu.memory_space<semaphore_mem>>)
      %dma_wait3A_764 = arith.constant 26 : i32
      %dma_wait3A_765 = arith.constant 0 : i32
      %dma_wait3A_766 = tpu.memref_slice %arg8[%dma_wait3A_764, %dma_wait3A_765] : memref<32x64xi32, #tpu.memory_space<vmem>> -> memref<1x64xi32, #tpu.memory_space<vmem>>
      %dma_wait3A_767 = tpu.memref_squeeze %dma_wait3A_766 : memref<1x64xi32, #tpu.memory_space<vmem>> -> memref<64xi32, #tpu.memory_space<vmem>>
      %dma_wait3A_768 = arith.constant 0 : i32
      %dma_wait3A_769 = arith.constant 0 : i32
      %dma_wait3A_770 = tpu.memref_slice %arg2[%dma_wait3A_768, %dma_wait3A_769] : memref<20000x128xf32, #tpu.memory_space<hbm>> -> memref<20000x128xf32, #tpu.memory_space<hbm>>
      tpu.wait_indirect_dma semaphore(%arg16 : memref<!tpu.dma_semaphore, #tpu.memory_space<semaphore_mem>>) src(%dma_wait3A_770 : memref<20000x128xf32, #tpu.memory_space<hbm>>) dst(%arg12 : memref<64x128xf32, #tpu.memory_space<vmem>>)
      %dma_start3A_771 = arith.constant 26 : i32
      %dma_start3A_772 = arith.constant 0 : i32
      %dma_start3A_773 = tpu.memref_slice %arg9[%dma_start3A_771, %dma_start3A_772] : memref<32x64xi32, #tpu.memory_space<vmem>> -> memref<1x64xi32, #tpu.memory_space<vmem>>
      %dma_start3A_774 = tpu.memref_squeeze %dma_start3A_773 : memref<1x64xi32, #tpu.memory_space<vmem>> -> memref<64xi32, #tpu.memory_space<vmem>>
      %dma_start3A_775 = arith.constant 0 : i32
      %dma_start3A_776 = arith.constant 0 : i32
      %dma_start3A_777 = tpu.memref_slice %arg7[%dma_start3A_775, %dma_start3A_776] : memref<10240x128xf32, #tpu.memory_space<vmem_shared>> -> memref<10240x128xf32, #tpu.memory_space<vmem_shared>>
      tpu.enqueue_indirect_dma source(%arg12 : memref<64x128xf32, #tpu.memory_space<vmem>>) target(%dma_start3A_777 : memref<10240x128xf32, #tpu.memory_space<vmem_shared>>) offsets(%dma_start3A_774 : memref<64xi32, #tpu.memory_space<vmem>>) semaphore(%arg20 : memref<!tpu.dma_semaphore, #tpu.memory_space<semaphore_mem>>) {add = true}
      %dma_wait3A_778 = arith.constant 24 : i32
      %dma_wait3A_779 = arith.constant 0 : i32
      %dma_wait3A_780 = tpu.memref_slice %arg9[%dma_wait3A_778, %dma_wait3A_779] : memref<32x64xi32, #tpu.memory_space<vmem>> -> memref<1x64xi32, #tpu.memory_space<vmem>>
      %dma_wait3A_781 = tpu.memref_squeeze %dma_wait3A_780 : memref<1x64xi32, #tpu.memory_space<vmem>> -> memref<64xi32, #tpu.memory_space<vmem>>
      %dma_wait3A_782 = arith.constant 0 : i32
      %dma_wait3A_783 = arith.constant 0 : i32
      %dma_wait3A_784 = tpu.memref_slice %arg7[%dma_wait3A_782, %dma_wait3A_783] : memref<10240x128xf32, #tpu.memory_space<vmem_shared>> -> memref<10240x128xf32, #tpu.memory_space<vmem_shared>>
      tpu.wait_indirect_dma semaphore(%arg18 : memref<!tpu.dma_semaphore, #tpu.memory_space<semaphore_mem>>) src(%arg10 : memref<64x128xf32, #tpu.memory_space<vmem>>) dst(%dma_wait3A_784 : memref<10240x128xf32, #tpu.memory_space<vmem_shared>>)
      %dma_start3A_785 = arith.constant 28 : i32
      %dma_start3A_786 = arith.constant 0 : i32
      %dma_start3A_787 = tpu.memref_slice %arg8[%dma_start3A_785, %dma_start3A_786] : memref<32x64xi32, #tpu.memory_space<vmem>> -> memref<1x64xi32, #tpu.memory_space<vmem>>
      %dma_start3A_788 = tpu.memref_squeeze %dma_start3A_787 : memref<1x64xi32, #tpu.memory_space<vmem>> -> memref<64xi32, #tpu.memory_space<vmem>>
      %dma_start3A_789 = arith.constant 0 : i32
      %dma_start3A_790 = arith.constant 0 : i32
      %dma_start3A_791 = tpu.memref_slice %arg2[%dma_start3A_789, %dma_start3A_790] : memref<20000x128xf32, #tpu.memory_space<hbm>> -> memref<20000x128xf32, #tpu.memory_space<hbm>>
      tpu.enqueue_indirect_dma source(%dma_start3A_791 : memref<20000x128xf32, #tpu.memory_space<hbm>>) target(%arg10 : memref<64x128xf32, #tpu.memory_space<vmem>>) offsets(%dma_start3A_788 : memref<64xi32, #tpu.memory_space<vmem>>) semaphore(%arg14 : memref<!tpu.dma_semaphore, #tpu.memory_space<semaphore_mem>>)
      %dma_wait3A_792 = arith.constant 27 : i32
      %dma_wait3A_793 = arith.constant 0 : i32
      %dma_wait3A_794 = tpu.memref_slice %arg8[%dma_wait3A_792, %dma_wait3A_793] : memref<32x64xi32, #tpu.memory_space<vmem>> -> memref<1x64xi32, #tpu.memory_space<vmem>>
      %dma_wait3A_795 = tpu.memref_squeeze %dma_wait3A_794 : memref<1x64xi32, #tpu.memory_space<vmem>> -> memref<64xi32, #tpu.memory_space<vmem>>
      %dma_wait3A_796 = arith.constant 0 : i32
      %dma_wait3A_797 = arith.constant 0 : i32
      %dma_wait3A_798 = tpu.memref_slice %arg2[%dma_wait3A_796, %dma_wait3A_797] : memref<20000x128xf32, #tpu.memory_space<hbm>> -> memref<20000x128xf32, #tpu.memory_space<hbm>>
      tpu.wait_indirect_dma semaphore(%arg17 : memref<!tpu.dma_semaphore, #tpu.memory_space<semaphore_mem>>) src(%dma_wait3A_798 : memref<20000x128xf32, #tpu.memory_space<hbm>>) dst(%arg13 : memref<64x128xf32, #tpu.memory_space<vmem>>)
      %dma_start3A_799 = arith.constant 27 : i32
      %dma_start3A_800 = arith.constant 0 : i32
      %dma_start3A_801 = tpu.memref_slice %arg9[%dma_start3A_799, %dma_start3A_800] : memref<32x64xi32, #tpu.memory_space<vmem>> -> memref<1x64xi32, #tpu.memory_space<vmem>>
      %dma_start3A_802 = tpu.memref_squeeze %dma_start3A_801 : memref<1x64xi32, #tpu.memory_space<vmem>> -> memref<64xi32, #tpu.memory_space<vmem>>
      %dma_start3A_803 = arith.constant 0 : i32
      %dma_start3A_804 = arith.constant 0 : i32
      %dma_start3A_805 = tpu.memref_slice %arg7[%dma_start3A_803, %dma_start3A_804] : memref<10240x128xf32, #tpu.memory_space<vmem_shared>> -> memref<10240x128xf32, #tpu.memory_space<vmem_shared>>
      tpu.enqueue_indirect_dma source(%arg13 : memref<64x128xf32, #tpu.memory_space<vmem>>) target(%dma_start3A_805 : memref<10240x128xf32, #tpu.memory_space<vmem_shared>>) offsets(%dma_start3A_802 : memref<64xi32, #tpu.memory_space<vmem>>) semaphore(%arg21 : memref<!tpu.dma_semaphore, #tpu.memory_space<semaphore_mem>>) {add = true}
      %dma_wait3A_806 = arith.constant 25 : i32
      %dma_wait3A_807 = arith.constant 0 : i32
      %dma_wait3A_808 = tpu.memref_slice %arg9[%dma_wait3A_806, %dma_wait3A_807] : memref<32x64xi32, #tpu.memory_space<vmem>> -> memref<1x64xi32, #tpu.memory_space<vmem>>
      %dma_wait3A_809 = tpu.memref_squeeze %dma_wait3A_808 : memref<1x64xi32, #tpu.memory_space<vmem>> -> memref<64xi32, #tpu.memory_space<vmem>>
      %dma_wait3A_810 = arith.constant 0 : i32
      %dma_wait3A_811 = arith.constant 0 : i32
      %dma_wait3A_812 = tpu.memref_slice %arg7[%dma_wait3A_810, %dma_wait3A_811] : memref<10240x128xf32, #tpu.memory_space<vmem_shared>> -> memref<10240x128xf32, #tpu.memory_space<vmem_shared>>
      tpu.wait_indirect_dma semaphore(%arg19 : memref<!tpu.dma_semaphore, #tpu.memory_space<semaphore_mem>>) src(%arg11 : memref<64x128xf32, #tpu.memory_space<vmem>>) dst(%dma_wait3A_812 : memref<10240x128xf32, #tpu.memory_space<vmem_shared>>)
      %dma_start3A_813 = arith.constant 29 : i32
      %dma_start3A_814 = arith.constant 0 : i32
      %dma_start3A_815 = tpu.memref_slice %arg8[%dma_start3A_813, %dma_start3A_814] : memref<32x64xi32, #tpu.memory_space<vmem>> -> memref<1x64xi32, #tpu.memory_space<vmem>>
      %dma_start3A_816 = tpu.memref_squeeze %dma_start3A_815 : memref<1x64xi32, #tpu.memory_space<vmem>> -> memref<64xi32, #tpu.memory_space<vmem>>
      %dma_start3A_817 = arith.constant 0 : i32
      %dma_start3A_818 = arith.constant 0 : i32
      %dma_start3A_819 = tpu.memref_slice %arg2[%dma_start3A_817, %dma_start3A_818] : memref<20000x128xf32, #tpu.memory_space<hbm>> -> memref<20000x128xf32, #tpu.memory_space<hbm>>
      tpu.enqueue_indirect_dma source(%dma_start3A_819 : memref<20000x128xf32, #tpu.memory_space<hbm>>) target(%arg11 : memref<64x128xf32, #tpu.memory_space<vmem>>) offsets(%dma_start3A_816 : memref<64xi32, #tpu.memory_space<vmem>>) semaphore(%arg15 : memref<!tpu.dma_semaphore, #tpu.memory_space<semaphore_mem>>)
      %dma_wait3A_820 = arith.constant 28 : i32
      %dma_wait3A_821 = arith.constant 0 : i32
      %dma_wait3A_822 = tpu.memref_slice %arg8[%dma_wait3A_820, %dma_wait3A_821] : memref<32x64xi32, #tpu.memory_space<vmem>> -> memref<1x64xi32, #tpu.memory_space<vmem>>
      %dma_wait3A_823 = tpu.memref_squeeze %dma_wait3A_822 : memref<1x64xi32, #tpu.memory_space<vmem>> -> memref<64xi32, #tpu.memory_space<vmem>>
      %dma_wait3A_824 = arith.constant 0 : i32
      %dma_wait3A_825 = arith.constant 0 : i32
      %dma_wait3A_826 = tpu.memref_slice %arg2[%dma_wait3A_824, %dma_wait3A_825] : memref<20000x128xf32, #tpu.memory_space<hbm>> -> memref<20000x128xf32, #tpu.memory_space<hbm>>
      tpu.wait_indirect_dma semaphore(%arg14 : memref<!tpu.dma_semaphore, #tpu.memory_space<semaphore_mem>>) src(%dma_wait3A_826 : memref<20000x128xf32, #tpu.memory_space<hbm>>) dst(%arg10 : memref<64x128xf32, #tpu.memory_space<vmem>>)
      %dma_start3A_827 = arith.constant 28 : i32
      %dma_start3A_828 = arith.constant 0 : i32
      %dma_start3A_829 = tpu.memref_slice %arg9[%dma_start3A_827, %dma_start3A_828] : memref<32x64xi32, #tpu.memory_space<vmem>> -> memref<1x64xi32, #tpu.memory_space<vmem>>
      %dma_start3A_830 = tpu.memref_squeeze %dma_start3A_829 : memref<1x64xi32, #tpu.memory_space<vmem>> -> memref<64xi32, #tpu.memory_space<vmem>>
      %dma_start3A_831 = arith.constant 0 : i32
      %dma_start3A_832 = arith.constant 0 : i32
      %dma_start3A_833 = tpu.memref_slice %arg7[%dma_start3A_831, %dma_start3A_832] : memref<10240x128xf32, #tpu.memory_space<vmem_shared>> -> memref<10240x128xf32, #tpu.memory_space<vmem_shared>>
      tpu.enqueue_indirect_dma source(%arg10 : memref<64x128xf32, #tpu.memory_space<vmem>>) target(%dma_start3A_833 : memref<10240x128xf32, #tpu.memory_space<vmem_shared>>) offsets(%dma_start3A_830 : memref<64xi32, #tpu.memory_space<vmem>>) semaphore(%arg18 : memref<!tpu.dma_semaphore, #tpu.memory_space<semaphore_mem>>) {add = true}
      %dma_wait3A_834 = arith.constant 26 : i32
      %dma_wait3A_835 = arith.constant 0 : i32
      %dma_wait3A_836 = tpu.memref_slice %arg9[%dma_wait3A_834, %dma_wait3A_835] : memref<32x64xi32, #tpu.memory_space<vmem>> -> memref<1x64xi32, #tpu.memory_space<vmem>>
      %dma_wait3A_837 = tpu.memref_squeeze %dma_wait3A_836 : memref<1x64xi32, #tpu.memory_space<vmem>> -> memref<64xi32, #tpu.memory_space<vmem>>
      %dma_wait3A_838 = arith.constant 0 : i32
      %dma_wait3A_839 = arith.constant 0 : i32
      %dma_wait3A_840 = tpu.memref_slice %arg7[%dma_wait3A_838, %dma_wait3A_839] : memref<10240x128xf32, #tpu.memory_space<vmem_shared>> -> memref<10240x128xf32, #tpu.memory_space<vmem_shared>>
      tpu.wait_indirect_dma semaphore(%arg20 : memref<!tpu.dma_semaphore, #tpu.memory_space<semaphore_mem>>) src(%arg12 : memref<64x128xf32, #tpu.memory_space<vmem>>) dst(%dma_wait3A_840 : memref<10240x128xf32, #tpu.memory_space<vmem_shared>>)
      %dma_start3A_841 = arith.constant 30 : i32
      %dma_start3A_842 = arith.constant 0 : i32
      %dma_start3A_843 = tpu.memref_slice %arg8[%dma_start3A_841, %dma_start3A_842] : memref<32x64xi32, #tpu.memory_space<vmem>> -> memref<1x64xi32, #tpu.memory_space<vmem>>
      %dma_start3A_844 = tpu.memref_squeeze %dma_start3A_843 : memref<1x64xi32, #tpu.memory_space<vmem>> -> memref<64xi32, #tpu.memory_space<vmem>>
      %dma_start3A_845 = arith.constant 0 : i32
      %dma_start3A_846 = arith.constant 0 : i32
      %dma_start3A_847 = tpu.memref_slice %arg2[%dma_start3A_845, %dma_start3A_846] : memref<20000x128xf32, #tpu.memory_space<hbm>> -> memref<20000x128xf32, #tpu.memory_space<hbm>>
      tpu.enqueue_indirect_dma source(%dma_start3A_847 : memref<20000x128xf32, #tpu.memory_space<hbm>>) target(%arg12 : memref<64x128xf32, #tpu.memory_space<vmem>>) offsets(%dma_start3A_844 : memref<64xi32, #tpu.memory_space<vmem>>) semaphore(%arg16 : memref<!tpu.dma_semaphore, #tpu.memory_space<semaphore_mem>>)
      %dma_wait3A_848 = arith.constant 29 : i32
      %dma_wait3A_849 = arith.constant 0 : i32
      %dma_wait3A_850 = tpu.memref_slice %arg8[%dma_wait3A_848, %dma_wait3A_849] : memref<32x64xi32, #tpu.memory_space<vmem>> -> memref<1x64xi32, #tpu.memory_space<vmem>>
      %dma_wait3A_851 = tpu.memref_squeeze %dma_wait3A_850 : memref<1x64xi32, #tpu.memory_space<vmem>> -> memref<64xi32, #tpu.memory_space<vmem>>
      %dma_wait3A_852 = arith.constant 0 : i32
      %dma_wait3A_853 = arith.constant 0 : i32
      %dma_wait3A_854 = tpu.memref_slice %arg2[%dma_wait3A_852, %dma_wait3A_853] : memref<20000x128xf32, #tpu.memory_space<hbm>> -> memref<20000x128xf32, #tpu.memory_space<hbm>>
      tpu.wait_indirect_dma semaphore(%arg15 : memref<!tpu.dma_semaphore, #tpu.memory_space<semaphore_mem>>) src(%dma_wait3A_854 : memref<20000x128xf32, #tpu.memory_space<hbm>>) dst(%arg11 : memref<64x128xf32, #tpu.memory_space<vmem>>)
      %dma_start3A_855 = arith.constant 29 : i32
      %dma_start3A_856 = arith.constant 0 : i32
      %dma_start3A_857 = tpu.memref_slice %arg9[%dma_start3A_855, %dma_start3A_856] : memref<32x64xi32, #tpu.memory_space<vmem>> -> memref<1x64xi32, #tpu.memory_space<vmem>>
      %dma_start3A_858 = tpu.memref_squeeze %dma_start3A_857 : memref<1x64xi32, #tpu.memory_space<vmem>> -> memref<64xi32, #tpu.memory_space<vmem>>
      %dma_start3A_859 = arith.constant 0 : i32
      %dma_start3A_860 = arith.constant 0 : i32
      %dma_start3A_861 = tpu.memref_slice %arg7[%dma_start3A_859, %dma_start3A_860] : memref<10240x128xf32, #tpu.memory_space<vmem_shared>> -> memref<10240x128xf32, #tpu.memory_space<vmem_shared>>
      tpu.enqueue_indirect_dma source(%arg11 : memref<64x128xf32, #tpu.memory_space<vmem>>) target(%dma_start3A_861 : memref<10240x128xf32, #tpu.memory_space<vmem_shared>>) offsets(%dma_start3A_858 : memref<64xi32, #tpu.memory_space<vmem>>) semaphore(%arg19 : memref<!tpu.dma_semaphore, #tpu.memory_space<semaphore_mem>>) {add = true}
      %dma_wait3A_862 = arith.constant 27 : i32
      %dma_wait3A_863 = arith.constant 0 : i32
      %dma_wait3A_864 = tpu.memref_slice %arg9[%dma_wait3A_862, %dma_wait3A_863] : memref<32x64xi32, #tpu.memory_space<vmem>> -> memref<1x64xi32, #tpu.memory_space<vmem>>
      %dma_wait3A_865 = tpu.memref_squeeze %dma_wait3A_864 : memref<1x64xi32, #tpu.memory_space<vmem>> -> memref<64xi32, #tpu.memory_space<vmem>>
      %dma_wait3A_866 = arith.constant 0 : i32
      %dma_wait3A_867 = arith.constant 0 : i32
      %dma_wait3A_868 = tpu.memref_slice %arg7[%dma_wait3A_866, %dma_wait3A_867] : memref<10240x128xf32, #tpu.memory_space<vmem_shared>> -> memref<10240x128xf32, #tpu.memory_space<vmem_shared>>
      tpu.wait_indirect_dma semaphore(%arg21 : memref<!tpu.dma_semaphore, #tpu.memory_space<semaphore_mem>>) src(%arg13 : memref<64x128xf32, #tpu.memory_space<vmem>>) dst(%dma_wait3A_868 : memref<10240x128xf32, #tpu.memory_space<vmem_shared>>)
      %dma_start3A_869 = arith.constant 31 : i32
      %dma_start3A_870 = arith.constant 0 : i32
      %dma_start3A_871 = tpu.memref_slice %arg8[%dma_start3A_869, %dma_start3A_870] : memref<32x64xi32, #tpu.memory_space<vmem>> -> memref<1x64xi32, #tpu.memory_space<vmem>>
      %dma_start3A_872 = tpu.memref_squeeze %dma_start3A_871 : memref<1x64xi32, #tpu.memory_space<vmem>> -> memref<64xi32, #tpu.memory_space<vmem>>
      %dma_start3A_873 = arith.constant 0 : i32
      %dma_start3A_874 = arith.constant 0 : i32
      %dma_start3A_875 = tpu.memref_slice %arg2[%dma_start3A_873, %dma_start3A_874] : memref<20000x128xf32, #tpu.memory_space<hbm>> -> memref<20000x128xf32, #tpu.memory_space<hbm>>
      tpu.enqueue_indirect_dma source(%dma_start3A_875 : memref<20000x128xf32, #tpu.memory_space<hbm>>) target(%arg13 : memref<64x128xf32, #tpu.memory_space<vmem>>) offsets(%dma_start3A_872 : memref<64xi32, #tpu.memory_space<vmem>>) semaphore(%arg17 : memref<!tpu.dma_semaphore, #tpu.memory_space<semaphore_mem>>)
      %dma_wait3A_876 = arith.constant 30 : i32
      %dma_wait3A_877 = arith.constant 0 : i32
      %dma_wait3A_878 = tpu.memref_slice %arg8[%dma_wait3A_876, %dma_wait3A_877] : memref<32x64xi32, #tpu.memory_space<vmem>> -> memref<1x64xi32, #tpu.memory_space<vmem>>
      %dma_wait3A_879 = tpu.memref_squeeze %dma_wait3A_878 : memref<1x64xi32, #tpu.memory_space<vmem>> -> memref<64xi32, #tpu.memory_space<vmem>>
      %dma_wait3A_880 = arith.constant 0 : i32
      %dma_wait3A_881 = arith.constant 0 : i32
      %dma_wait3A_882 = tpu.memref_slice %arg2[%dma_wait3A_880, %dma_wait3A_881] : memref<20000x128xf32, #tpu.memory_space<hbm>> -> memref<20000x128xf32, #tpu.memory_space<hbm>>
      tpu.wait_indirect_dma semaphore(%arg16 : memref<!tpu.dma_semaphore, #tpu.memory_space<semaphore_mem>>) src(%dma_wait3A_882 : memref<20000x128xf32, #tpu.memory_space<hbm>>) dst(%arg12 : memref<64x128xf32, #tpu.memory_space<vmem>>)
      %dma_start3A_883 = arith.constant 30 : i32
      %dma_start3A_884 = arith.constant 0 : i32
      %dma_start3A_885 = tpu.memref_slice %arg9[%dma_start3A_883, %dma_start3A_884] : memref<32x64xi32, #tpu.memory_space<vmem>> -> memref<1x64xi32, #tpu.memory_space<vmem>>
      %dma_start3A_886 = tpu.memref_squeeze %dma_start3A_885 : memref<1x64xi32, #tpu.memory_space<vmem>> -> memref<64xi32, #tpu.memory_space<vmem>>
      %dma_start3A_887 = arith.constant 0 : i32
      %dma_start3A_888 = arith.constant 0 : i32
      %dma_start3A_889 = tpu.memref_slice %arg7[%dma_start3A_887, %dma_start3A_888] : memref<10240x128xf32, #tpu.memory_space<vmem_shared>> -> memref<10240x128xf32, #tpu.memory_space<vmem_shared>>
      tpu.enqueue_indirect_dma source(%arg12 : memref<64x128xf32, #tpu.memory_space<vmem>>) target(%dma_start3A_889 : memref<10240x128xf32, #tpu.memory_space<vmem_shared>>) offsets(%dma_start3A_886 : memref<64xi32, #tpu.memory_space<vmem>>) semaphore(%arg20 : memref<!tpu.dma_semaphore, #tpu.memory_space<semaphore_mem>>) {add = true}
      %dma_wait3A_890 = arith.constant 31 : i32
      %dma_wait3A_891 = arith.constant 0 : i32
      %dma_wait3A_892 = tpu.memref_slice %arg8[%dma_wait3A_890, %dma_wait3A_891] : memref<32x64xi32, #tpu.memory_space<vmem>> -> memref<1x64xi32, #tpu.memory_space<vmem>>
      %dma_wait3A_893 = tpu.memref_squeeze %dma_wait3A_892 : memref<1x64xi32, #tpu.memory_space<vmem>> -> memref<64xi32, #tpu.memory_space<vmem>>
      %dma_wait3A_894 = arith.constant 0 : i32
      %dma_wait3A_895 = arith.constant 0 : i32
      %dma_wait3A_896 = tpu.memref_slice %arg2[%dma_wait3A_894, %dma_wait3A_895] : memref<20000x128xf32, #tpu.memory_space<hbm>> -> memref<20000x128xf32, #tpu.memory_space<hbm>>
      tpu.wait_indirect_dma semaphore(%arg17 : memref<!tpu.dma_semaphore, #tpu.memory_space<semaphore_mem>>) src(%dma_wait3A_896 : memref<20000x128xf32, #tpu.memory_space<hbm>>) dst(%arg13 : memref<64x128xf32, #tpu.memory_space<vmem>>)
      %dma_start3A_897 = arith.constant 31 : i32
      %dma_start3A_898 = arith.constant 0 : i32
      %dma_start3A_899 = tpu.memref_slice %arg9[%dma_start3A_897, %dma_start3A_898] : memref<32x64xi32, #tpu.memory_space<vmem>> -> memref<1x64xi32, #tpu.memory_space<vmem>>
      %dma_start3A_900 = tpu.memref_squeeze %dma_start3A_899 : memref<1x64xi32, #tpu.memory_space<vmem>> -> memref<64xi32, #tpu.memory_space<vmem>>
      %dma_start3A_901 = arith.constant 0 : i32
      %dma_start3A_902 = arith.constant 0 : i32
      %dma_start3A_903 = tpu.memref_slice %arg7[%dma_start3A_901, %dma_start3A_902] : memref<10240x128xf32, #tpu.memory_space<vmem_shared>> -> memref<10240x128xf32, #tpu.memory_space<vmem_shared>>
      tpu.enqueue_indirect_dma source(%arg13 : memref<64x128xf32, #tpu.memory_space<vmem>>) target(%dma_start3A_903 : memref<10240x128xf32, #tpu.memory_space<vmem_shared>>) offsets(%dma_start3A_900 : memref<64xi32, #tpu.memory_space<vmem>>) semaphore(%arg21 : memref<!tpu.dma_semaphore, #tpu.memory_space<semaphore_mem>>) {add = true}
      %dma_wait3A_904 = arith.constant 28 : i32
      %dma_wait3A_905 = arith.constant 0 : i32
      %dma_wait3A_906 = tpu.memref_slice %arg9[%dma_wait3A_904, %dma_wait3A_905] : memref<32x64xi32, #tpu.memory_space<vmem>> -> memref<1x64xi32, #tpu.memory_space<vmem>>
      %dma_wait3A_907 = tpu.memref_squeeze %dma_wait3A_906 : memref<1x64xi32, #tpu.memory_space<vmem>> -> memref<64xi32, #tpu.memory_space<vmem>>
      %dma_wait3A_908 = arith.constant 0 : i32
      %dma_wait3A_909 = arith.constant 0 : i32
      %dma_wait3A_910 = tpu.memref_slice %arg7[%dma_wait3A_908, %dma_wait3A_909] : memref<10240x128xf32, #tpu.memory_space<vmem_shared>> -> memref<10240x128xf32, #tpu.memory_space<vmem_shared>>
      tpu.wait_indirect_dma semaphore(%arg18 : memref<!tpu.dma_semaphore, #tpu.memory_space<semaphore_mem>>) src(%arg10 : memref<64x128xf32, #tpu.memory_space<vmem>>) dst(%dma_wait3A_910 : memref<10240x128xf32, #tpu.memory_space<vmem_shared>>)
      %dma_wait3A_911 = arith.constant 29 : i32
      %dma_wait3A_912 = arith.constant 0 : i32
      %dma_wait3A_913 = tpu.memref_slice %arg9[%dma_wait3A_911, %dma_wait3A_912] : memref<32x64xi32, #tpu.memory_space<vmem>> -> memref<1x64xi32, #tpu.memory_space<vmem>>
      %dma_wait3A_914 = tpu.memref_squeeze %dma_wait3A_913 : memref<1x64xi32, #tpu.memory_space<vmem>> -> memref<64xi32, #tpu.memory_space<vmem>>
      %dma_wait3A_915 = arith.constant 0 : i32
      %dma_wait3A_916 = arith.constant 0 : i32
      %dma_wait3A_917 = tpu.memref_slice %arg7[%dma_wait3A_915, %dma_wait3A_916] : memref<10240x128xf32, #tpu.memory_space<vmem_shared>> -> memref<10240x128xf32, #tpu.memory_space<vmem_shared>>
      tpu.wait_indirect_dma semaphore(%arg19 : memref<!tpu.dma_semaphore, #tpu.memory_space<semaphore_mem>>) src(%arg11 : memref<64x128xf32, #tpu.memory_space<vmem>>) dst(%dma_wait3A_917 : memref<10240x128xf32, #tpu.memory_space<vmem_shared>>)
      %dma_wait3A_918 = arith.constant 30 : i32
      %dma_wait3A_919 = arith.constant 0 : i32
      %dma_wait3A_920 = tpu.memref_slice %arg9[%dma_wait3A_918, %dma_wait3A_919] : memref<32x64xi32, #tpu.memory_space<vmem>> -> memref<1x64xi32, #tpu.memory_space<vmem>>
      %dma_wait3A_921 = tpu.memref_squeeze %dma_wait3A_920 : memref<1x64xi32, #tpu.memory_space<vmem>> -> memref<64xi32, #tpu.memory_space<vmem>>
      %dma_wait3A_922 = arith.constant 0 : i32
      %dma_wait3A_923 = arith.constant 0 : i32
      %dma_wait3A_924 = tpu.memref_slice %arg7[%dma_wait3A_922, %dma_wait3A_923] : memref<10240x128xf32, #tpu.memory_space<vmem_shared>> -> memref<10240x128xf32, #tpu.memory_space<vmem_shared>>
      tpu.wait_indirect_dma semaphore(%arg20 : memref<!tpu.dma_semaphore, #tpu.memory_space<semaphore_mem>>) src(%arg12 : memref<64x128xf32, #tpu.memory_space<vmem>>) dst(%dma_wait3A_924 : memref<10240x128xf32, #tpu.memory_space<vmem_shared>>)
      %dma_wait3A_925 = arith.constant 31 : i32
      %dma_wait3A_926 = arith.constant 0 : i32
      %dma_wait3A_927 = tpu.memref_slice %arg9[%dma_wait3A_925, %dma_wait3A_926] : memref<32x64xi32, #tpu.memory_space<vmem>> -> memref<1x64xi32, #tpu.memory_space<vmem>>
      %dma_wait3A_928 = tpu.memref_squeeze %dma_wait3A_927 : memref<1x64xi32, #tpu.memory_space<vmem>> -> memref<64xi32, #tpu.memory_space<vmem>>
      %dma_wait3A_929 = arith.constant 0 : i32
      %dma_wait3A_930 = arith.constant 0 : i32
      %dma_wait3A_931 = tpu.memref_slice %arg7[%dma_wait3A_929, %dma_wait3A_930] : memref<10240x128xf32, #tpu.memory_space<vmem_shared>> -> memref<10240x128xf32, #tpu.memory_space<vmem_shared>>
      tpu.wait_indirect_dma semaphore(%arg21 : memref<!tpu.dma_semaphore, #tpu.memory_space<semaphore_mem>>) src(%arg13 : memref<64x128xf32, #tpu.memory_space<vmem>>) dst(%dma_wait3A_931 : memref<10240x128xf32, #tpu.memory_space<vmem_shared>>)
    }
    %scan3A_7 = arith.constant 10 : i32
    %barrier3A_8 = arith.constant 0 : index
    tpu.barrier barrier_id(%barrier3A_8)
    %mul3A_9 = arith.constant 640 : i32
    %mul3A_10 = arith.muli %arg1, %mul3A_9 : i32
    %mul3A_11 = arith.constant 640 : i32
    %mul3A_12 = arith.muli %arg1, %mul3A_11 : i32
    "tpu.region"() ({
      %run_scoped3A = tpu.sem_alloc : memref<!tpu.dma_semaphore, #tpu.memory_space<semaphore_mem>>
      %dma_start3A = arith.constant 0 : i32
      %dma_start3A_13 = tpu.memref_slice %arg6[%arg0, %mul3A_12, %dma_start3A] : memref<2x10240x128xf32, #tpu.memory_space<hbm>> -> memref<1x640x128xf32, #tpu.memory_space<hbm>>
      %dma_start3A_14 = tpu.memref_squeeze %dma_start3A_13 : memref<1x640x128xf32, #tpu.memory_space<hbm>> -> memref<640x128xf32, #tpu.memory_space<hbm>>
      %dma_start3A_15 = arith.constant 0 : i32
      %dma_start3A_16 = tpu.memref_slice %arg7[%mul3A_10, %dma_start3A_15] : memref<10240x128xf32, #tpu.memory_space<vmem_shared>> -> memref<640x128xf32, #tpu.memory_space<vmem_shared>>
      tpu.enqueue_dma source(%dma_start3A_16 : memref<640x128xf32, #tpu.memory_space<vmem_shared>>) target(%dma_start3A_14 : memref<640x128xf32, #tpu.memory_space<hbm>>) target_semaphore(%run_scoped3A : memref<!tpu.dma_semaphore, #tpu.memory_space<semaphore_mem>>)
      %dma_wait3A = arith.constant 0 : i32
      %dma_wait3A_17 = tpu.memref_slice %arg6[%arg0, %mul3A_12, %dma_wait3A] : memref<2x10240x128xf32, #tpu.memory_space<hbm>> -> memref<1x640x128xf32, #tpu.memory_space<hbm>>
      %dma_wait3A_18 = tpu.memref_squeeze %dma_wait3A_17 : memref<1x640x128xf32, #tpu.memory_space<hbm>> -> memref<640x128xf32, #tpu.memory_space<hbm>>
      %dma_wait3A_19 = arith.constant 0 : i32
      %dma_wait3A_20 = tpu.memref_slice %arg7[%mul3A_10, %dma_wait3A_19] : memref<10240x128xf32, #tpu.memory_space<vmem_shared>> -> memref<640x128xf32, #tpu.memory_space<vmem_shared>>
      tpu.wait_dma2 semaphore(%run_scoped3A : memref<!tpu.dma_semaphore, #tpu.memory_space<semaphore_mem>>) src(%dma_wait3A_20 : memref<640x128xf32, #tpu.memory_space<vmem_shared>>) dst(%dma_wait3A_18 : memref<640x128xf32, #tpu.memory_space<hbm>>)
      tpu.yield
    }) : () -> ()
    return
  }
}

module attributes {stable_mosaic.version = 14 : i64} {
  func.func @_tc_precompute(%arg0: i32, %arg1: memref<1000x128xf32, #tpu.memory_space<vmem>>, %arg2: memref<128x128xf32, #tpu.memory_space<vmem>>, %arg3: memref<128x128xf32, #tpu.memory_space<vmem>>, %arg4: memref<1x128xf32, #tpu.memory_space<vmem>>, %arg5: memref<2x1000x128xf32, #tpu.memory_space<vmem>>) attributes {dimension_semantics = [#tpu.dimension_semantics<arbitrary>], iteration_bounds = array<i64: 10>, scalar_prefetch = 0 : i64, scratch_operands = 0 : i64, tpu.core_type = #tpu.core_type<tc>, window_params = [{transform_indices = @transform_0, window_bounds = array<i64: 1000, 128>}, {pipeline_mode = #tpu.pipeline_mode<synchronous>, transform_indices = @transform_1, window_bounds = array<i64: 128, 128>}, {pipeline_mode = #tpu.pipeline_mode<synchronous>, transform_indices = @transform_2, window_bounds = array<i64: 128, 128>}, {pipeline_mode = #tpu.pipeline_mode<synchronous>, transform_indices = @transform_3, window_bounds = array<i64: 1, 128>}, {transform_indices = @transform_4, window_bounds = array<i64: 2, 1000, 128>}]} {
    %get3A = arith.constant 0 : index
    %get3A_0 = arith.constant 0 : index
    %get3A_1 = vector.load %arg1[%get3A, %get3A_0] : memref<1000x128xf32, #tpu.memory_space<vmem>>, vector<1000x128xf32>
    %get3A_2 = arith.constant 0 : index
    %get3A_3 = arith.constant 0 : index
    %get3A_4 = vector.load %arg2[%get3A_2, %get3A_3] : memref<128x128xf32, #tpu.memory_space<vmem>>, vector<128x128xf32>
    %dot_general3A = arith.constant dense<0.000000e+00> : vector<1000x128xf32>
    %dot_general3A_5 = tpu.matmul %get3A_1, %get3A_4, %dot_general3A {dimension_numbers = #tpu.dot_dimension_numbers<[1], [0], [0], [1], [0, 0, 1, 1], [], []>, transpose_lhs_hint = false} : vector<1000x128xf32>, vector<128x128xf32>, vector<1000x128xf32> -> vector<1000x128xf32>
    %get3A_6 = arith.constant 0 : index
    %get3A_7 = arith.constant 0 : index
    %get3A_8 = vector.load %arg4[%get3A_6, %get3A_7] : memref<1x128xf32, #tpu.memory_space<vmem>>, vector<1x128xf32>
    %add3A = vector.broadcast %get3A_8 : vector<1x128xf32> to vector<1000x128xf32>
    %add3A_9 = arith.addf %dot_general3A_5, %add3A : vector<1000x128xf32>
    %get3A_10 = arith.constant 0 : index
    %get3A_11 = arith.constant 0 : index
    %get3A_12 = vector.load %arg3[%get3A_10, %get3A_11] : memref<128x128xf32, #tpu.memory_space<vmem>>, vector<128x128xf32>
    %dot_general3A_13 = arith.constant dense<0.000000e+00> : vector<1000x128xf32>
    %dot_general3A_14 = tpu.matmul %add3A_9, %get3A_12, %dot_general3A_13 {dimension_numbers = #tpu.dot_dimension_numbers<[1], [0], [0], [1], [0, 0, 1, 1], [], []>, transpose_lhs_hint = false} : vector<1000x128xf32>, vector<128x128xf32>, vector<1000x128xf32> -> vector<1000x128xf32>
    %exp3A = math.exp %dot_general3A_14 : vector<1000x128xf32>
    %swap3A = arith.constant 0 : index
    %swap3A_15 = arith.constant 0 : index
    %swap3A_16 = arith.constant 0 : index
    %swap3A_17 = vector.load %arg5[%swap3A, %swap3A_15, %swap3A_16] : memref<2x1000x128xf32, #tpu.memory_space<vmem>>, vector<1x1000x128xf32>
    %swap3A_18 = vector.shape_cast %swap3A_17 : vector<1x1000x128xf32> to vector<1000x128xf32>
    %swap3A_19 = vector.shape_cast %exp3A : vector<1000x128xf32> to vector<1x1000x128xf32>
    tpu.vector_store %arg5[%swap3A, %swap3A_15, %swap3A_16], %swap3A_19 {strides = array<i32>} : memref<2x1000x128xf32, #tpu.memory_space<vmem>>, vector<1x1000x128xf32>,
    %mul3A = arith.mulf %add3A_9, %exp3A : vector<1000x128xf32>
    %swap3A_20 = arith.constant 1 : index
    %swap3A_21 = arith.constant 0 : index
    %swap3A_22 = arith.constant 0 : index
    %swap3A_23 = vector.load %arg5[%swap3A_20, %swap3A_21, %swap3A_22] : memref<2x1000x128xf32, #tpu.memory_space<vmem>>, vector<1x1000x128xf32>
    %swap3A_24 = vector.shape_cast %swap3A_23 : vector<1x1000x128xf32> to vector<1000x128xf32>
    %swap3A_25 = vector.shape_cast %mul3A : vector<1000x128xf32> to vector<1x1000x128xf32>
    tpu.vector_store %arg5[%swap3A_20, %swap3A_21, %swap3A_22], %swap3A_25 {strides = array<i32>} : memref<2x1000x128xf32, #tpu.memory_space<vmem>>, vector<1x1000x128xf32>,
    return
  }
  func.func @transform_0(%arg0: i32) -> (i32, i32) {
    %c0_i32 = arith.constant 0 : i32
    %c0_i32_0 = arith.constant 0 : i32
    return %arg0, %c0_i32 : i32, i32
  }
  func.func @transform_1(%arg0: i32) -> (i32, i32) {
    %c0_i32 = arith.constant 0 : i32
    %c0_i32_0 = arith.constant 0 : i32
    %c0_i32_1 = arith.constant 0 : i32
    return %c0_i32, %c0_i32_0 : i32, i32
  }
  func.func @transform_2(%arg0: i32) -> (i32, i32) {
    %c0_i32 = arith.constant 0 : i32
    %c0_i32_0 = arith.constant 0 : i32
    %c0_i32_1 = arith.constant 0 : i32
    return %c0_i32, %c0_i32_0 : i32, i32
  }
  func.func @transform_3(%arg0: i32) -> (i32, i32) {
    %c0_i32 = arith.constant 0 : i32
    %c0_i32_0 = arith.constant 0 : i32
    %c0_i32_1 = arith.constant 0 : i32
    return %c0_i32, %c0_i32_0 : i32, i32
  }
  func.func @transform_4(%arg0: i32) -> (i32, i32, i32) {
    %c0_i32 = arith.constant 0 : i32
    %c0_i32_0 = arith.constant 0 : i32
    %c0_i32_1 = arith.constant 0 : i32
    return %c0_i32, %arg0, %c0_i32_0 : i32, i32, i32
  }
}

module attributes {stable_mosaic.version = 14 : i64} {
  func.func @_tc_finalize(%arg0: i32, %arg1: memref<1000x128xf32, #tpu.memory_space<vmem>>, %arg2: memref<1000x128xf32, #tpu.memory_space<vmem>>, %arg3: memref<1000x128xf32, #tpu.memory_space<vmem>>, %arg4: memref<1000x128xf32, #tpu.memory_space<vmem>>) attributes {dimension_semantics = [#tpu.dimension_semantics<arbitrary>], iteration_bounds = array<i64: 10>, scalar_prefetch = 0 : i64, scratch_operands = 0 : i64, tpu.core_type = #tpu.core_type<tc>, window_params = [{transform_indices = @transform_0, window_bounds = array<i64: 1000, 128>}, {transform_indices = @transform_1, window_bounds = array<i64: 1000, 128>}, {transform_indices = @transform_2, window_bounds = array<i64: 1000, 128>}, {transform_indices = @transform_3, window_bounds = array<i64: 1000, 128>}]} {
    %get3A = arith.constant 0 : index
    %get3A_0 = arith.constant 0 : index
    %get3A_1 = vector.load %arg2[%get3A, %get3A_0] : memref<1000x128xf32, #tpu.memory_space<vmem>>, vector<1000x128xf32>
    %get3A_2 = arith.constant 0 : index
    %get3A_3 = arith.constant 0 : index
    %get3A_4 = vector.load %arg3[%get3A_2, %get3A_3] : memref<1000x128xf32, #tpu.memory_space<vmem>>, vector<1000x128xf32>
    %gt3A = arith.constant 0.000000e+00 : f32
    %gt3A_5 = vector.broadcast %gt3A : f32 to vector<1000x128xf32>
    %gt3A_6 = arith.cmpf ogt, %get3A_1, %gt3A_5 : vector<1000x128xf32>
    %gt3A_7 = arith.constant 0.000000e+00 : f32
    %gt3A_8 = vector.broadcast %gt3A_7 : f32 to vector<1000x128xf32>
    %gt3A_9 = arith.cmpf ogt, %get3A_1, %gt3A_8 : vector<1000x128xf32>
    %jit3A = arith.constant 1.000000e+00 : f32
    %broadcast_in_dim3A = vector.broadcast %jit3A : f32 to vector<1000x128xf32>
    %select_n3A = arith.select %gt3A_9, %get3A_1, %broadcast_in_dim3A : vector<1000x128xi1>, vector<1000x128xf32>
    %div3A = arith.divf %get3A_4, %select_n3A : vector<1000x128xf32>
    %jit3A_10 = arith.constant 0.000000e+00 : f32
    %broadcast_in_dim3A_11 = vector.broadcast %jit3A_10 : f32 to vector<1000x128xf32>
    %select_n3A_12 = arith.select %gt3A_6, %div3A, %broadcast_in_dim3A_11 : vector<1000x128xi1>, vector<1000x128xf32>
    %get3A_13 = arith.constant 0 : index
    %get3A_14 = arith.constant 0 : index
    %get3A_15 = vector.load %arg1[%get3A_13, %get3A_14] : memref<1000x128xf32, #tpu.memory_space<vmem>>, vector<1000x128xf32>
    %max3A = arith.constant 0.000000e+00 : f32
    %max3A_16 = vector.broadcast %max3A : f32 to vector<1000x128xf32>
    %max3A_17 = arith.maximumf %select_n3A_12, %max3A_16 : vector<1000x128xf32>
    %add3A = arith.addf %get3A_15, %max3A_17 : vector<1000x128xf32>
    %swap3A = arith.constant 0 : index
    %swap3A_18 = arith.constant 0 : index
    %swap3A_19 = vector.load %arg4[%swap3A, %swap3A_18] : memref<1000x128xf32, #tpu.memory_space<vmem>>, vector<1000x128xf32>
    tpu.vector_store %arg4[%swap3A, %swap3A_18], %add3A {strides = array<i32>} : memref<1000x128xf32, #tpu.memory_space<vmem>>, vector<1000x128xf32>,
    return
  }
  func.func @transform_0(%arg0: i32) -> (i32, i32) {
    %c0_i32 = arith.constant 0 : i32
    %c0_i32_0 = arith.constant 0 : i32
    return %arg0, %c0_i32 : i32, i32
  }
  func.func @transform_1(%arg0: i32) -> (i32, i32) {
    %c0_i32 = arith.constant 0 : i32
    %c0_i32_0 = arith.constant 0 : i32
    return %arg0, %c0_i32 : i32, i32
  }
  func.func @transform_2(%arg0: i32) -> (i32, i32) {
    %c0_i32 = arith.constant 0 : i32
    %c0_i32_0 = arith.constant 0 : i32
    return %arg0, %c0_i32 : i32, i32
  }
  func.func @transform_3(%arg0: i32) -> (i32, i32) {
    %c0_i32 = arith.constant 0 : i32
    %c0_i32_0 = arith.constant 0 : i32
    return %arg0, %c0_i32 : i32, i32
  }
}

</mosaic_0001>

<sc_bundles>
// kernel: kernel.5.cloned.1.call-start
scs
__scs_entry_jumppad:
0x0: {  	(pc) =	sbr.rel $0x88, $3  }
0x1: {  	(tag) =	ssettag $0x0;
	lr =	simm.s32 $0x1  }
0x2: {  	[smem:$0x3F9C] =	sst lr;
	_ =	strace $0xD0000000  }
0x3: {  	_ = 	snop  }
0x4: {  	_ = 	snop  }
0x5: {  	_ = 	snop  }
0x6: {  	_ = 	snop  }
0x7: {  	_ = 	snop  }
__scs_overlays_trampoline_lowered:
0x8: {  	[smem:$0x3FAB] =	sst s0  }
0x9: {  	[smem:$0x3FAC] =	sst s1  }
0xa: {  	[smem:$0x3FAD] =	sst s2  }
0xb: {  	[smem:$0x3FAE] =	sst s3  }
0xc: {  	[smem:$0x3FAF] =	sst s4  }
0xd: {  	[smem:$0x3FB0] =	sst s5  }
0xe: {  	[smem:$0x3FB1] =	sst s6  }
0xf: {  	[smem:$0x3FB2] =	sst s7  }
0x10: {  	[smem:$0x3FB3] =	sst s8  }
0x11: {  	[smem:$0x3FB4] =	sst s9;
	s0 =	simm.s32 @!p0 $0x0  }
0x12: {  	s1 =	sld [smem:$0x3F9A];
	s0 =	simm.s32 @p0 $0x1  }
0x13: {  	[smem:$0x3FB5] =	sst s0;
	s0 =	simm.s32 @!p1 $0x0  }
0x14: {  	s2 =	sld [smem:$0x3F99];
	s0 =	simm.s32 @p1 $0x1  }
0x15: {  	[smem:$0x3FB6] =	sst s0;
	s0 =	simm.s32 @!p2 $0x0  }
0x16: {  	s3 =	sld [smem:$0x3FDB];
	s0 =	simm.s32 @p2 $0x1  }
0x17: {  	s4 =	simm.s32 $0x1BF5;
	[smem:$0x3FB8] =	sst s0  }
0x18: {  	s0 =	sld [smem:$0x3F9B];
	_ =	swait.ge [sflag:s4], $0x0  }
0x19: {  	s7 =	sld [smem:$0x3F9C]  }
0x1a: {  	s8 =	sadd.s32 $0xFFFFE003, lr  }
0x1b: {  	s9 =	sadd.s32 $0xFFFFFEF7, lr;
	s5 =	simm.s32 $0xFFFFFFFF;
	p2 =	slt.u32 s8, $0xFFFFF086  }
0x1c: {  	p1 =	slt.u32 s9, $0xF7A;
	s5 =	simm.s32 @!p2 $0x0  }
0x1d: {  	s5 =	simm.s32 @p1 $0x1;
	p0 =	seq.s32 s7, s2  }
0x1e: {  	s7 =	smul.u32 @!p0 $0xF7A, s2;
	p2 =	seq.s32 @!p0 s5, $0x0  }
0x1f: {  	s9 =	smul.u32 $0xF7A, s1;
	s8 =	simm.s32 @!p0 $0x1BF5;
	p2 =	por !p2, p0  }
0x20: {  	[sflag:s8] =	ssyncset.s32 @!p0 $0xFFFFF086;
	s6 =	sadd.s32 @!p0 s3, s7;
	s7 =	simm.s32 @!p0 $0x108  }
0x21: {  	s3 =	sadd.s32 s3, s9;
	s6 =	sadd.s32 @!p0 $0x88, s6;
	s7 =	simm.s32 @p2 $0x1082  }
0x22: {  	[simem:s7], [sflag:s8] =	dma.local @!p0 [hbm:s6], $0xF7A  }
0x23: {  	s9 =	sor.u32 $0xD0000000, s2;
	s6 =	simm.s32 $0x108;
	_ =	swait.ge @!p0 [sflag:s8], $0x0  }
0x24: {  	s3 =	sadd.s32 $0x88, s3;
	s6 =	simm.s32 @!p1 $0x1082;
	[sflag:s4] =	ssyncset.s32 $0xFFFFF086  }
0x25: {  	[simem:s6], [sflag:s4] =	dma.local [hbm:s3], $0xF7A  }
0x26: {  	[smem:$0x3F9C] =	sst s1;
	(tag) =	ssettag s2;
	_ =	strace s9  }
0x27: {  	s1 =	sld [smem:$0x3FAC]  }
0x28: {  	s2 =	sld [smem:$0x3FAD]  }
0x29: {  	s4 =	sld [smem:$0x3FAF]  }
0x2a: {  	p0 =	seq.s32 s5, $0x0;
	s5 =	sld [smem:$0x3FB0]  }
0x2b: {  	s6 =	sld [smem:$0x3FB1]  }
0x2c: {  	s7 =	sld [smem:$0x3FB2]  }
0x2d: {  	s3 =	simm.s32 $0x108;
	s8 =	sld [smem:$0x3FB3]  }
0x2e: {  	s3 =	simm.s32 @!p0 $0x1082;
	s9 =	sld [smem:$0x3FB4]  }
0x2f: {  	lr =	sadd.s32 s0, s3;
	s0 =	sld [smem:$0x3FAB]  }
0x30: {  	s3 =	sld [smem:$0x3FAE]  }
0x31: {  	[smem:$0x3FB7] =	sst s10  }
0x32: {  	s10 =	sld [smem:$0x3FB5];
	_ =	sdelay $0x3  }
0x33: {  	p0 =	seq.s32 s10, $0x1;
	s10 =	sld [smem:$0x3FB7];
	_ =	sdelay $0x3  }
0x34: {  	[smem:$0x3FB7] =	sst s10  }
0x35: {  	s10 =	sld [smem:$0x3FB6];
	_ =	sdelay $0x3  }
0x36: {  	p1 =	seq.s32 s10, $0x1;
	s10 =	sld [smem:$0x3FB7];
	_ =	sdelay $0x3  }
0x37: {  	[smem:$0x3FB7] =	sst s10  }
0x38: {  	s10 =	sld [smem:$0x3FB8]  }
0x39: {  	_ = 	snop;
	(pc) =	sbr.ind lr, $3  }
0x3a: {  	_ = 	snop  }
0x3b: {  	_ = 	snop  }
0x3c: {  	p2 =	seq.s32 s10, $0x1;
	s10 =	sld [smem:$0x3FB7]  }
0x3d: {  	_ =	shalt  }
0x3e: {  	_ =	shalt  }
0x3f: {  	_ =	shalt  }
0x40: {  	_ =	shalt  }
0x41: {  	_ =	shalt  }
0x42: {  	_ =	shalt  }
0x43: {  	_ =	shalt  }
0x44: {  	_ =	shalt  }
0x45: {  	_ =	shalt  }
0x46: {  	_ =	shalt  }
0x47: {  	_ =	shalt  }
0x48: {  	_ =	shalt  }
0x49: {  	_ =	shalt  }
0x4a: {  	_ =	shalt  }
0x4b: {  	_ =	shalt  }
0x4c: {  	_ =	shalt  }
0x4d: {  	_ =	shalt  }
0x4e: {  	_ =	shalt  }
0x4f: {  	_ =	shalt  }
0x50: {  	_ =	shalt  }
0x51: {  	_ =	shalt  }
0x52: {  	_ =	shalt  }
0x53: {  	_ =	shalt  }
0x54: {  	_ =	shalt  }
0x55: {  	_ =	shalt  }
0x56: {  	_ =	shalt  }
0x57: {  	_ =	shalt  }
0x58: {  	_ =	shalt  }
0x59: {  	_ =	shalt  }
0x5a: {  	_ =	shalt  }
0x5b: {  	_ =	shalt  }
0x5c: {  	_ =	shalt  }
0x5d: {  	_ =	shalt  }
0x5e: {  	_ =	shalt  }
0x5f: {  	_ =	shalt  }
0x60: {  	_ =	shalt  }
0x61: {  	_ =	shalt  }
0x62: {  	_ =	shalt  }
0x63: {  	_ =	shalt  }
0x64: {  	_ =	shalt  }
0x65: {  	_ =	shalt  }
0x66: {  	_ =	shalt  }
0x67: {  	_ =	shalt  }
0x68: {  	_ =	shalt  }
0x69: {  	_ =	shalt  }
0x6a: {  	_ =	shalt  }
0x6b: {  	_ =	shalt  }
0x6c: {  	_ =	shalt  }
0x6d: {  	_ =	shalt  }
0x6e: {  	_ =	shalt  }
0x6f: {  	_ =	shalt  }
0x70: {  	_ =	shalt  }
0x71: {  	_ =	shalt  }
0x72: {  	_ =	shalt  }
0x73: {  	_ =	shalt  }
0x74: {  	_ =	shalt  }
0x75: {  	_ =	shalt  }
0x76: {  	_ =	shalt  }
0x77: {  	_ =	shalt  }
0x78: {  	_ =	shalt  }
0x79: {  	_ =	shalt  }
0x7a: {  	_ =	shalt  }
0x7b: {  	_ =	shalt  }
0x7c: {  	_ =	shalt  }
0x7d: {  	_ =	shalt  }
0x7e: {  	_ =	shalt  }
0x7f: {  	_ =	shalt  }
0x80: {  	_ =	shalt  }
0x81: {  	_ =	shalt  }
0x82: {  	_ =	shalt  }
0x83: {  	_ =	shalt  }
0x84: {  	_ =	shalt  }
0x85: {  	_ =	shalt  }
0x86: {  	_ =	shalt  }
0x87: {  	_ =	shalt  }
.Lfunc_end0:
.L_simem_size_0:
called_computation_lowered:
.L_overlay_start_0:
0x88: {  	s2 =	sld [smem:$0x3FD9]  }
0x89: {  	s3 =	sld [smem:$0x3FFE];
	_ =	sdelay $0x1  }
0x8a: {  	s1 =	srdreg.scid  }
0x8b: {  	s0 =	sand.u32 $0x1, s1  }
0x8c: {  	s17 =	sshll.u32 s0, $0xA;
	s2 =	sadd.s32 s3, s2  }
0x8d: {  	s2 =	sadd.s32 s2, s17  }
0x8e: {  	[smem:$0x3FC3] =	sst s2  }
0x8f: {  	_ = 	snop  }
0x90: {  	s2 =	sld [smem:$0x3FD0];
	(tm) =	ssettm $0x1  }
0x91: {  	s18 =	sld [smem:$0x3FFB];
	_ =	sdelay $0x3  }
0x92: {  	_ =	strace s18  }
0x93: {  	s3 =	sld [smem:$0x3FFC];
	_ =	sdelay $0x3  }
0x94: {  	_ =	strace s3  }
0x95: {  	s3 =	sld [smem:$0x3FFD];
	_ =	sdelay $0x3  }
0x96: {  	_ =	strace s3  }
0x97: {  	_ =	strace $0x8FFFFFFF  }
0x98: {  	s19 =	sld [smem:$0x3FDB];
	_ =	sdelay $0x1  }
0x99: {  	s4 =	simm.s32 $_scs_section_size  }
0x9a: {  	s5 =	simm.s32 $_size__tile_overlayer_lowered;
	s6 =	simm.s32 $_tile_overlayer_lowered  }
0x9b: {  	s22 =	simm.s32 $0x1BFF;
	s21 =	sshll.u32 s6, $0x1;
	s3 =	sadd.s32 s4, s19  }
0x9c: {  	s7 =	simm.s32 $0x0;
	s20 =	sshll.u32 s5, $0x1;
	s5 =	sadd.s32 s21, s3  }
0x9d: {  	[timem:s7], [sflag:s22] =	dma.local [hbm:s5], s20  }
0x9e: {  	_ =	swait.ge [sflag:s22], s20  }
0x9f: {  	s4 =	ssub.s32 $0x0, s20;
	[sflag:s22] =	ssyncset.done $0x0  }
0xa0: {  	[sflag:s22] =	ssyncadd.s32 s4;
	_ =	sdelay $0x1  }
0xa1: {  	s23 =	simm.s32 $0x1B8B  }
0xa2: {  	_ =	swait.ge [sflag:s23], $0x1  }
0xa3: {  	[sflag:s23] =	ssyncset.done $0x0  }
0xa4: {  	s25 =	simm.s32 $0x1B8E;
	s24 =	sld [smem:$0x3FFE];
	[sflag:s23] =	ssyncadd.s32 $0xFFFFFFFF  }
0xa5: {  	s26 =	simm.s32 $execute0_lowered;
	[smem:$0x3FD2] =	sst s25  }
0xa6: {  	s5 =	sshll.u32 s26, $0x1;
	_ =	strace $0x80000046;
	[dreg:$0x1] =	wrdreg $0xFFFFFFFF  }
0xa7: {  	s28 =	simm.s32 $_size_execute0_lowered;
	s3 =	sadd.s32 s3, s5;
	[dreg:$0x0] =	wrdreg $0x0  }
0xa8: {  	s5 =	sshll.u32 s28, $0x1;
	[dreg:$0x2] =	wrdreg s3  }
0xa9: {  	[dreg:$0x3] =	wrdreg s5  }
0xaa: {  	[dreg:$0x4] =	wrdreg $0xC0  }
0xab: {  	_ =	task [dreg:s7], $0x5FFFF  }
0xac: {  	[dreg:$0x1] =	wrdreg $0xFFFFFFFF  }
0xad: {  	[dreg:$0x0] =	wrdreg $0x60  }
0xae: {  	[dreg:$0x2] =	wrdreg s24  }
0xaf: {  	[dreg:$0x3] =	wrdreg s2  }
0xb0: {  	[dreg:$0x4] =	wrdreg $0x0  }
0xb1: {  	[dreg:$0x5] =	wrdreg $0x9  }
0xb2: {  	_ =	task.clear_ibuf [dreg:s7], $0x6FFFF;
	_ =	strace $0x90000046  }
0xb3: {  	s29 =	simm.s32 $0x9;
	_ =	strace $0x80000048  }
0xb4: {  	_ =	swait.ge [sflag:s29], $0x1  }
0xb5: {  	[sflag:s29] =	ssyncadd.s32 $0xFFFFFFFF  }
0xb6: {  	_ =	strace $0x90000048  }
0xb7: {  	_ =	sfence  }
0xb8: {  	s30 =	sld [smem:$0x0];
	_ =	sdelay $0x2  }
0xb9: {  	s31 =	sshll.u32 s1, $0xD;
	s1 =	sshrl.u32 s1, $0x2  }
0xba: {  	s3 =	sand.u32 $0x4000, s31;
	s1 =	sadd.s32 s1, s30  }
0xbb: {  	s0 =	sor.u32 s3, s0;
	s1 =	sshll.u32 s1, $0x11  }
0xbc: {  	s0 =	sor.u32 s1, s0  }
0xbd: {  	s0 =	sadd.s32 $0x8F2B, s0  }
0xbe: {  	[sflag:s0] =	ssyncadd.remote.s32 $0x1  }
0xbf: {  	_ =	sfence.sel $0xFFFF  }
0xc0: {  	[dreg:$0x0] =	wrdreg $0xFFFFFFFF;
	(pc) =	sbr.abs _section_cstart, $3  }
0xc1: {  	[dreg:$0x1] =	wrdreg $0xFFFFFFFF  }
0xc2: {  	_ =	task.clear_ibuf [dreg:s7], $0x2FFFF;
	_ =	strace $0x9FFFFFFF  }
0xc3: {  	(tm) =	ssettm $0x7FFFFFFF  }
tec
execute0_lowered:
.L_overlay_start_1:
0x0: {  	(tag) =	ssettag $0x1  }
0x1: {  	s0 =	rddreg [dreg:$0x0]  }
0x2: {  	s4 =	rddreg [dreg:$0x1]  }
0x3: {  	s2 =	rddreg [dreg:$0x2];
	s3 =	simm.s32 $0x0  }
0x4: {  	s26 =	simm.s32 $0x14080;
	[smem:$0x7FF] =	sst s3  }
0x5: {  	s7 =	simm.s32 $0x14180;
	_ =	strace $0x80000047;
	[dreg:$0x6] =	wrdreg s26  }
0x6: {  	s8 =	simm.s32 $0x15100;
	[dreg:$0x9] =	wrdreg s7  }
0x7: {  	s10 =	simm.s32 $0x14200;
	[dreg:$0xa] =	wrdreg s8  }
0x8: {  	s11 =	simm.s32 $0x15180;
	[dreg:$0xb] =	wrdreg s10  }
0x9: {  	s12 =	simm.s32 $0x14280;
	[dreg:$0xc] =	wrdreg s11  }
0xa: {  	s13 =	simm.s32 $0x15200;
	[dreg:$0xd] =	wrdreg s12  }
0xb: {  	s14 =	simm.s32 $0x14300;
	[dreg:$0xe] =	wrdreg s13  }
0xc: {  	s15 =	simm.s32 $0x15280;
	[dreg:$0xf] =	wrdreg s14  }
0xd: {  	s16 =	simm.s32 $0x14380;
	[dreg:$0x10] =	wrdreg s15  }
0xe: {  	s17 =	simm.s32 $0x15300;
	[dreg:$0x11] =	wrdreg s16  }
0xf: {  	s18 =	simm.s32 $0x14400;
	[dreg:$0x12] =	wrdreg s17  }
0x10: {  	s19 =	simm.s32 $0x15380;
	[dreg:$0x13] =	wrdreg s18  }
0x11: {  	s1 =	srdreg.scid;
	s20 =	simm.s32 $0x14480;
	[dreg:$0x14] =	wrdreg s19  }
0x12: {  	s9 =	stileid.u32;
	s21 =	simm.s32 $0x15400;
	[dreg:$0x15] =	wrdreg s20  }
0x13: {  	s22 =	simm.s32 $0x14500;
	s28 =	simm.s32 $0x15D80;
	[dreg:$0x16] =	wrdreg s21  }
0x14: {  	s29 =	simm.s32 $0x14E80;
	[dreg:$0x17] =	wrdreg s22;
	s26 =	simm.s32 $0x15500  }
0x15: {  	s30 =	simm.s32 $0x15E00;
	s10 =	simm.s32 $0x14600;
	[dreg:$0x1a] =	wrdreg s26  }
0x16: {  	s31 =	simm.s32 $0x14F00;
	s11 =	simm.s32 $0x15580;
	[dreg:$0x1b] =	wrdreg s10  }
0x17: {  	s1 =	sand.u32 $0x1, s1;
	s12 =	simm.s32 $0x14680;
	[dreg:$0x1c] =	wrdreg s11  }
0x18: {  	s5 =	smul.u32 $0xA000, s9;
	s13 =	simm.s32 $0x15600;
	[dreg:$0x1d] =	wrdreg s12  }
0x19: {  	s24 =	smul.u32 $0x1400, s9;
	s14 =	simm.s32 $0x14700;
	[dreg:$0x1e] =	wrdreg s13  }
0x1a: {  	s23 =	smul.u32 $0x14000, s9;
	s15 =	simm.s32 $0x15680;
	[dreg:$0x1f] =	wrdreg s14  }
0x1b: {  	s6 =	smul.u32 $0xA0000, s1;
	s17 =	simm.s32 $0x14780;
	[smem:$0x7DE] =	sst s15  }
0x1c: {  	s8 =	smul.u32 $0x140000, s1;
	s19 =	simm.s32 $0x15700;
	[smem:$0x7DF] =	sst s17  }
0x1d: {  	s1 =	ssub.s32 $0x2, s1;
	s20 =	simm.s32 $0x14800;
	[smem:$0x7E0] =	sst s19  }
0x1e: {  	s18 =	smul.u32 $0x50000, s9;
	s22 =	simm.s32 $0x15780;
	[smem:$0x7E1] =	sst s20  }
0x1f: {  	s4 =	sadd.s32 s24, s4;
	s24 =	simm.s32 $0x15480;
	[smem:$0x7E2] =	sst s22  }
0x20: {  	s7 =	sshrl.u32 s23, $0x3;
	s16 =	sshrl.u32 s1, $0x1;
	[dreg:$0x4] =	wrdreg s4  }
0x21: {  	s26 =	simm.s32 $0x14900;
	s10 =	simm.s32 $0x15900;
	[dreg:$0x18] =	wrdreg s24  }
0x22: {  	s11 =	simm.s32 $0x14A00;
	s12 =	simm.s32 $0x15980;
	[smem:$0x7E6] =	sst s26  }
0x23: {  	s13 =	simm.s32 $0x14A80;
	s14 =	simm.s32 $0x15A00;
	[smem:$0x7EB] =	sst s10  }
0x24: {  	s15 =	simm.s32 $0x14B00;
	s17 =	simm.s32 $0x14B80;
	[smem:$0x7EC] =	sst s11  }
0x25: {  	s19 =	simm.s32 $0x14C00;
	s20 =	simm.s32 $0x15B80;
	[smem:$0x7ED] =	sst s12  }
0x26: {  	s22 =	simm.s32 $0x15C00;
	s5 =	sadd.s32 s5, s6;
	[smem:$0x7EE] =	sst s13  }
0x27: {  	s6 =	simm.s32 $0x15080;
	s4 =	sadd.s32 $0x28A00, s0;
	[smem:$0x7EF] =	sst s14  }
0x28: {  	s7 =	sadd.s32 s7, s0;
	s1 =	ssub.s32 s1, s16;
	[smem:$0x7F0] =	sst s15  }
0x29: {  	s21 =	sshrl.u32 s18, $0x2;
	s24 =	simm.s32 $0x15800;
	[smem:$0x7F2] =	sst s17  }
0x2a: {  	s10 =	simm.s32 $0x9;
	s11 =	simm.s32 $0x14000;
	[smem:$0x7F4] =	sst s19  }
0x2b: {  	s12 =	simm.s32 $0x15000;
	s13 =	simm.s32 $0x1;
	[smem:$0x7F5] =	sst s20  }
0x2c: {  	s14 =	simm.s32 $0x40;
	s16 =	simm.s32 $0x15A80;
	[smem:$0x7F7] =	sst s22  }
0x2d: {  	s15 =	simm.s32 $0x16000;
	s18 =	simm.s32 $0x15B00;
	[dreg:$0x8] =	wrdreg s6  }
0x2e: {  	s17 =	simm.s32 $0x2;
	s19 =	simm.s32 $0x1C000;
	[smem:$0x7E5] =	sst s24  }
0x2f: {  	s20 =	simm.s32 $0x3;
	s22 =	simm.s32 $0x4;
	[smem:$0x7F1] =	sst s16  }
0x30: {  	s26 =	simm.s32 $0x15D00;
	s5 =	sshrl.u32 s5, $0x3;
	[smem:$0x7F3] =	sst s18  }
0x31: {  	s6 =	sadd.s32 s21, s2;
	s7 =	sadd.s32 $0x76C00, s7;
	[smem:$0x7FB] =	sst s26  }
0x32: {  	s1 =	smax.u32 s1, $0x1;
	s16 =	simm.s32 $0x18000;
	[smem:$0x7E3] =	sst s7  }
0x33: {  	s18 =	simm.s32 $0x1A000;
	s21 =	simm.s32 $0x14C80;
	[smem:$0x7E9] =	sst s1  }
0x34: {  	s24 =	simm.s32 $0x15C80;
	s26 =	simm.s32 $0x0;
	[smem:$0x7F6] =	sst s21  }
0x35: {  	s5 =	sadd.s32 s5, s0;
	s7 =	simm.s32 $0x15880;
	[smem:$0x7F9] =	sst s24  }
0x36: {  	s21 =	simm.s32 $0x5;
	s25 =	sadd.s32 $0xA00, s5;
	[smem:$0x7E8] =	sst s7  }
0x37: {  	s24 =	simm.s32 $0x7;
	s5 =	simm.s32 $0x14100;
	[dreg:$0x5] =	wrdreg s25  }
0x38: {  	s1 =	simm.s32 $0x15E80;
	[dreg:$0x7] =	wrdreg s5;
	s25 =	simm.s32 $0x14580  }
0x39: {  	s5 =	sadd.s32 s23, s8;
	s23 =	simm.s32 $0x14880;
	[dreg:$0x19] =	wrdreg s25  }
0x3a: {  	[smem:$0x7E4] =	sst s23;
	s25 =	sshll.u32 s9, $0x6;
	s9 =	simm.s32 $0x14980  }
0x3b: {  	s5 =	sshrl.u32 s5, $0x3;
	s23 =	simm.s32 $0x14D00;
	[smem:$0x7EA] =	sst s9  }
0x3c: {  	s8 =	sor.u32 $0x1C09, s25;
	[smem:$0x7F8] =	sst s23;
	s25 =	simm.s32 $0x14D80  }
0x3d: {  	s7 =	simm.s32 $0x15F80;
	s0 =	sadd.s32 s5, s0;
	[smem:$0x7FA] =	sst s25  }
0x3e: {  	s9 =	sshrl.u32 s6, $0x3;
	s23 =	simm.s32 $0x6;
	[smem:$0x7FC] =	sst s8  }
0x3f: {  	s5 =	simm.s32 $0x15F00;
	s0 =	sadd.s32 $0x9EC00, s0;
	[smem:$0x7FD] =	sst s9  }
0x40: {  	s25 =	simm.s32 $0x8;
	[smem:$0x7E7] =	sst s0;
	s0 =	simm.s32 $0x14F80  }
.LBB2_1:
0x41: {  	s6 =	sld [smem:$0x7E3];
	_ =	sdelay $0x1  }
0x42: {  	[smem:$0x7DD] =	sst s26  }
0x43: {  	[spmem:s9], [sflag:s8] =	dma.local [hbm:s6], $0x2800  }
0x44: {  	_ =	swait.ge [sflag:s10], $0x2800  }
0x45: {  	[sflag:s10] =	ssyncset.done $0x0  }
0x46: {  	[sflag:s10] =	ssyncadd.s32 $0xFFFFD800  }
0x47: {  	[bflag:$0x0] =	sbarrier.arrive $0xFFFF  }
0x48: {  	s10 =	rddreg [dreg:$0x5]  }
0x49: {  	s26 =	rddreg [dreg:$0x4];
	s6 =	sadd.s32 $0x0, s10  }
0x4a: {  	[tilespmem:s11], [sflag:$0x1] =	stream.linear.gather [hbm4b:s6+s3], $0x1000, $0x38;
	[tilespmem:$0x1E000] =	vst v63  }
0x4b: {  	s8 =	sadd.s32 $0x0, s26  }
0x4c: {  	[tilespmem:s12], [sflag:$0x2] =	stream.linear.gather [hbm4b:s8+s3], $0x1000, $0x38;
	[tilespmem:$0x1E000] =	vst v63  }
0x4d: {  	_ =	swait.ge [sflag:s13], $0x1000  }
0x4e: {  	[sflag:s13] =	ssyncset.done $0x0  }
0x4f: {  	[sflag:s13] =	ssyncadd.s32 $0xFFFFF000  }
0x50: {  	[tilespmem:s15], [sflag:$0x1] =	stream.indirect.gather [hbm4b:s4+s14], $0x80, s11, s14, $0xb8;
	[tilespmem:$0x1E000] =	vst v63  }
0x51: {  	s9 =	rddreg [dreg:$0x6]  }
0x52: {  	[tilespmem:s16], [sflag:$0x2] =	stream.indirect.gather [hbm4b:s4+s14], $0x80, s9, s14, $0xb8;
	[tilespmem:$0x1E000] =	vst v63  }
0x53: {  	_ =	swait.ge [sflag:s17], $0x1000  }
0x54: {  	[sflag:s17] =	ssyncset.done $0x0  }
0x55: {  	[sflag:s17] =	ssyncadd.s32 $0xFFFFF000  }
0x56: {  	_ =	swait.ge [sflag:s13], $0x2000  }
0x57: {  	[sflag:s13] =	ssyncset.done $0x0  }
0x58: {  	[sflag:s13] =	ssyncadd.s32 $0xFFFFE000  }
0x59: {  	[spmem:s2] =	stream.indirect.scatter.add.f32 [tilespmem:s15], [sflag:$0x5], $0x80, s12, s14, $0xb8;
	[tilespmem:$0x1E000] =	vst v63  }
0x5a: {  	s10 =	rddreg [dreg:$0x7]  }
0x5b: {  	[tilespmem:s18], [sflag:$0x3] =	stream.indirect.gather [hbm4b:s4+s14], $0x80, s10, s14, $0xb8;
	[tilespmem:$0x1E000] =	vst v63  }
0x5c: {  	_ =	swait.ge [sflag:s17], $0x2000  }
0x5d: {  	[sflag:s17] =	ssyncset.done $0x0  }
0x5e: {  	s26 =	rddreg [dreg:$0x8];
	[sflag:s17] =	ssyncadd.s32 $0xFFFFE000  }
0x5f: {  	[spmem:s2] =	stream.indirect.scatter.add.f32 [tilespmem:s16], [sflag:$0x6], $0x80, s26, s14, $0xb8;
	[tilespmem:$0x1E000] =	vst v63  }
0x60: {  	s8 =	rddreg [dreg:$0x9]  }
0x61: {  	[tilespmem:s19], [sflag:$0x4] =	stream.indirect.gather [hbm4b:s4+s14], $0x80, s8, s14, $0xb8;
	[tilespmem:$0x1E000] =	vst v63  }
0x62: {  	_ =	swait.ge [sflag:s20], $0x2000  }
0x63: {  	[sflag:s20] =	ssyncset.done $0x0  }
0x64: {  	s10 =	rddreg [dreg:$0xa];
	[sflag:s20] =	ssyncadd.s32 $0xFFFFE000  }
0x65: {  	[spmem:s2] =	stream.indirect.scatter.add.f32 [tilespmem:s18], [sflag:$0x7], $0x80, s10, s14, $0xb8;
	[tilespmem:$0x1E000] =	vst v63  }
0x66: {  	_ =	swait.ge [sflag:s21], $0x2000  }
0x67: {  	[sflag:s21] =	ssyncset.done $0x0  }
0x68: {  	s26 =	rddreg [dreg:$0xb];
	[sflag:s21] =	ssyncadd.s32 $0xFFFFE000  }
0x69: {  	[tilespmem:s15], [sflag:$0x1] =	stream.indirect.gather [hbm4b:s4+s14], $0x80, s26, s14, $0xb8;
	[tilespmem:$0x1E000] =	vst v63  }
0x6a: {  	_ =	swait.ge [sflag:s22], $0x2000  }
0x6b: {  	[sflag:s22] =	ssyncset.done $0x0  }
0x6c: {  	s8 =	rddreg [dreg:$0xc];
	[sflag:s22] =	ssyncadd.s32 $0xFFFFE000  }
0x6d: {  	[spmem:s2] =	stream.indirect.scatter.add.f32 [tilespmem:s19], [sflag:$0x8], $0x80, s8, s14, $0xb8;
	[tilespmem:$0x1E000] =	vst v63  }
0x6e: {  	_ =	swait.ge [sflag:s23], $0x2000  }
0x6f: {  	[sflag:s23] =	ssyncset.done $0x0  }
0x70: {  	s9 =	rddreg [dreg:$0xd];
	[sflag:s23] =	ssyncadd.s32 $0xFFFFE000  }
0x71: {  	[tilespmem:s16], [sflag:$0x2] =	stream.indirect.gather [hbm4b:s4+s14], $0x80, s9, s14, $0xb8;
	[tilespmem:$0x1E000] =	vst v63  }
0x72: {  	_ =	swait.ge [sflag:s13], $0x2000  }
0x73: {  	[sflag:s13] =	ssyncset.done $0x0  }
0x74: {  	s10 =	rddreg [dreg:$0xe];
	[sflag:s13] =	ssyncadd.s32 $0xFFFFE000  }
0x75: {  	[spmem:s2] =	stream.indirect.scatter.add.f32 [tilespmem:s15], [sflag:$0x5], $0x80, s10, s14, $0xb8;
	[tilespmem:$0x1E000] =	vst v63  }
0x76: {  	_ =	swait.ge [sflag:s24], $0x2000  }
0x77: {  	[sflag:s24] =	ssyncset.done $0x0  }
0x78: {  	s26 =	rddreg [dreg:$0xf];
	[sflag:s24] =	ssyncadd.s32 $0xFFFFE000  }
0x79: {  	[tilespmem:s18], [sflag:$0x3] =	stream.indirect.gather [hbm4b:s4+s14], $0x80, s26, s14, $0xb8;
	[tilespmem:$0x1E000] =	vst v63  }
0x7a: {  	_ =	swait.ge [sflag:s17], $0x2000  }
0x7b: {  	[sflag:s17] =	ssyncset.done $0x0  }
0x7c: {  	s8 =	rddreg [dreg:$0x10];
	[sflag:s17] =	ssyncadd.s32 $0xFFFFE000  }
0x7d: {  	[spmem:s2] =	stream.indirect.scatter.add.f32 [tilespmem:s16], [sflag:$0x6], $0x80, s8, s14, $0xb8;
	[tilespmem:$0x1E000] =	vst v63  }
0x7e: {  	_ =	swait.ge [sflag:s25], $0x2000  }
0x7f: {  	[sflag:s25] =	ssyncset.done $0x0  }
0x80: {  	s9 =	rddreg [dreg:$0x11];
	[sflag:s25] =	ssyncadd.s32 $0xFFFFE000  }
0x81: {  	[tilespmem:s19], [sflag:$0x4] =	stream.indirect.gather [hbm4b:s4+s14], $0x80, s9, s14, $0xb8;
	[tilespmem:$0x1E000] =	vst v63  }
0x82: {  	_ =	swait.ge [sflag:s20], $0x2000  }
0x83: {  	[sflag:s20] =	ssyncset.done $0x0  }
0x84: {  	s10 =	rddreg [dreg:$0x12];
	[sflag:s20] =	ssyncadd.s32 $0xFFFFE000  }
0x85: {  	[spmem:s2] =	stream.indirect.scatter.add.f32 [tilespmem:s18], [sflag:$0x7], $0x80, s10, s14, $0xb8;
	[tilespmem:$0x1E000] =	vst v63  }
0x86: {  	_ =	swait.ge [sflag:s21], $0x2000  }
0x87: {  	[sflag:s21] =	ssyncset.done $0x0  }
0x88: {  	s26 =	rddreg [dreg:$0x13];
	[sflag:s21] =	ssyncadd.s32 $0xFFFFE000  }
0x89: {  	[tilespmem:s15], [sflag:$0x1] =	stream.indirect.gather [hbm4b:s4+s14], $0x80, s26, s14, $0xb8;
	[tilespmem:$0x1E000] =	vst v63  }
0x8a: {  	_ =	swait.ge [sflag:s22], $0x2000  }
0x8b: {  	[sflag:s22] =	ssyncset.done $0x0  }
0x8c: {  	s8 =	rddreg [dreg:$0x14];
	[sflag:s22] =	ssyncadd.s32 $0xFFFFE000  }
0x8d: {  	[spmem:s2] =	stream.indirect.scatter.add.f32 [tilespmem:s19], [sflag:$0x8], $0x80, s8, s14, $0xb8;
	[tilespmem:$0x1E000] =	vst v63  }
0x8e: {  	_ =	swait.ge [sflag:s23], $0x2000  }
0x8f: {  	[sflag:s23] =	ssyncset.done $0x0  }
0x90: {  	s9 =	rddreg [dreg:$0x15];
	[sflag:s23] =	ssyncadd.s32 $0xFFFFE000  }
0x91: {  	[tilespmem:s16], [sflag:$0x2] =	stream.indirect.gather [hbm4b:s4+s14], $0x80, s9, s14, $0xb8;
	[tilespmem:$0x1E000] =	vst v63  }
0x92: {  	_ =	swait.ge [sflag:s13], $0x2000  }
0x93: {  	[sflag:s13] =	ssyncset.done $0x0  }
0x94: {  	s10 =	rddreg [dreg:$0x16];
	[sflag:s13] =	ssyncadd.s32 $0xFFFFE000  }
0x95: {  	[spmem:s2] =	stream.indirect.scatter.add.f32 [tilespmem:s15], [sflag:$0x5], $0x80, s10, s14, $0xb8;
	[tilespmem:$0x1E000] =	vst v63  }
0x96: {  	_ =	swait.ge [sflag:s24], $0x2000  }
0x97: {  	[sflag:s24] =	ssyncset.done $0x0  }
0x98: {  	s26 =	rddreg [dreg:$0x17];
	[sflag:s24] =	ssyncadd.s32 $0xFFFFE000  }
0x99: {  	[tilespmem:s18], [sflag:$0x3] =	stream.indirect.gather [hbm4b:s4+s14], $0x80, s26, s14, $0xb8;
	[tilespmem:$0x1E000] =	vst v63  }
0x9a: {  	_ =	swait.ge [sflag:s17], $0x2000  }
0x9b: {  	[sflag:s17] =	ssyncset.done $0x0  }
0x9c: {  	s8 =	rddreg [dreg:$0x18];
	[sflag:s17] =	ssyncadd.s32 $0xFFFFE000  }
0x9d: {  	[spmem:s2] =	stream.indirect.scatter.add.f32 [tilespmem:s16], [sflag:$0x6], $0x80, s8, s14, $0xb8;
	[tilespmem:$0x1E000] =	vst v63  }
0x9e: {  	_ =	swait.ge [sflag:s25], $0x2000  }
0x9f: {  	[sflag:s25] =	ssyncset.done $0x0  }
0xa0: {  	s9 =	rddreg [dreg:$0x19];
	[sflag:s25] =	ssyncadd.s32 $0xFFFFE000  }
0xa1: {  	[tilespmem:s19], [sflag:$0x4] =	stream.indirect.gather [hbm4b:s4+s14], $0x80, s9, s14, $0xb8;
	[tilespmem:$0x1E000] =	vst v63  }
0xa2: {  	_ =	swait.ge [sflag:s20], $0x2000  }
0xa3: {  	[sflag:s20] =	ssyncset.done $0x0  }
0xa4: {  	s10 =	rddreg [dreg:$0x1a];
	[sflag:s20] =	ssyncadd.s32 $0xFFFFE000  }
0xa5: {  	[spmem:s2] =	stream.indirect.scatter.add.f32 [tilespmem:s18], [sflag:$0x7], $0x80, s10, s14, $0xb8;
	[tilespmem:$0x1E000] =	vst v63  }
0xa6: {  	_ =	swait.ge [sflag:s21], $0x2000  }
0xa7: {  	[sflag:s21] =	ssyncset.done $0x0  }
0xa8: {  	s26 =	rddreg [dreg:$0x1b];
	[sflag:s21] =	ssyncadd.s32 $0xFFFFE000  }
0xa9: {  	[tilespmem:s15], [sflag:$0x1] =	stream.indirect.gather [hbm4b:s4+s14], $0x80, s26, s14, $0xb8;
	[tilespmem:$0x1E000] =	vst v63  }
0xaa: {  	_ =	swait.ge [sflag:s22], $0x2000  }
0xab: {  	[sflag:s22] =	ssyncset.done $0x0  }
0xac: {  	s8 =	rddreg [dreg:$0x1c];
	[sflag:s22] =	ssyncadd.s32 $0xFFFFE000  }
0xad: {  	[spmem:s2] =	stream.indirect.scatter.add.f32 [tilespmem:s19], [sflag:$0x8], $0x80, s8, s14, $0xb8;
	[tilespmem:$0x1E000] =	vst v63  }
0xae: {  	_ =	swait.ge [sflag:s23], $0x2000  }
0xaf: {  	[sflag:s23] =	ssyncset.done $0x0  }
0xb0: {  	s9 =	rddreg [dreg:$0x1d];
	[sflag:s23] =	ssyncadd.s32 $0xFFFFE000  }
0xb1: {  	[tilespmem:s16], [sflag:$0x2] =	stream.indirect.gather [hbm4b:s4+s14], $0x80, s9, s14, $0xb8;
	[tilespmem:$0x1E000] =	vst v63  }
0xb2: {  	_ =	swait.ge [sflag:s13], $0x2000  }
0xb3: {  	[sflag:s13] =	ssyncset.done $0x0  }
0xb4: {  	s10 =	rddreg [dreg:$0x1e];
	[sflag:s13] =	ssyncadd.s32 $0xFFFFE000  }
0xb5: {  	[spmem:s2] =	stream.indirect.scatter.add.f32 [tilespmem:s15], [sflag:$0x5], $0x80, s10, s14, $0xb8;
	[tilespmem:$0x1E000] =	vst v63  }
0xb6: {  	_ =	swait.ge [sflag:s24], $0x2000  }
0xb7: {  	[sflag:s24] =	ssyncset.done $0x0  }
0xb8: {  	s26 =	rddreg [dreg:$0x1f];
	[sflag:s24] =	ssyncadd.s32 $0xFFFFE000  }
0xb9: {  	[tilespmem:s18], [sflag:$0x3] =	stream.indirect.gather [hbm4b:s4+s14], $0x80, s26, s14, $0xb8;
	[tilespmem:$0x1E000] =	vst v63  }
0xba: {  	_ =	swait.ge [sflag:s17], $0x2000  }
0xbb: {  	s8 =	sld [smem:$0x7DE]  }
0xbc: {  	[sflag:s17] =	ssyncset.done $0x0  }
0xbd: {  	[sflag:s17] =	ssyncadd.s32 $0xFFFFE000  }
0xbe: {  	[spmem:s2] =	stream.indirect.scatter.add.f32 [tilespmem:s16], [sflag:$0x6], $0x80, s8, s14, $0xb8;
	[tilespmem:$0x1E000] =	vst v63  }
0xbf: {  	_ =	swait.ge [sflag:s25], $0x2000  }
0xc0: {  	s9 =	sld [smem:$0x7DF]  }
0xc1: {  	[sflag:s25] =	ssyncset.done $0x0  }
0xc2: {  	[sflag:s25] =	ssyncadd.s32 $0xFFFFE000  }
0xc3: {  	[tilespmem:s19], [sflag:$0x4] =	stream.indirect.gather [hbm4b:s4+s14], $0x80, s9, s14, $0xb8;
	[tilespmem:$0x1E000] =	vst v63  }
0xc4: {  	_ =	swait.ge [sflag:s20], $0x2000  }
0xc5: {  	s10 =	sld [smem:$0x7E0]  }
0xc6: {  	[sflag:s20] =	ssyncset.done $0x0  }
0xc7: {  	[sflag:s20] =	ssyncadd.s32 $0xFFFFE000  }
0xc8: {  	[spmem:s2] =	stream.indirect.scatter.add.f32 [tilespmem:s18], [sflag:$0x7], $0x80, s10, s14, $0xb8;
	[tilespmem:$0x1E000] =	vst v63  }
0xc9: {  	_ =	swait.ge [sflag:s21], $0x2000  }
0xca: {  	s26 =	sld [smem:$0x7E1]  }
0xcb: {  	[sflag:s21] =	ssyncset.done $0x0  }
0xcc: {  	[sflag:s21] =	ssyncadd.s32 $0xFFFFE000  }
0xcd: {  	[tilespmem:s15], [sflag:$0x1] =	stream.indirect.gather [hbm4b:s4+s14], $0x80, s26, s14, $0xb8;
	[tilespmem:$0x1E000] =	vst v63  }
0xce: {  	_ =	swait.ge [sflag:s22], $0x2000  }
0xcf: {  	s8 =	sld [smem:$0x7E2]  }
0xd0: {  	[sflag:s22] =	ssyncset.done $0x0  }
0xd1: {  	[sflag:s22] =	ssyncadd.s32 $0xFFFFE000  }
0xd2: {  	[spmem:s2] =	stream.indirect.scatter.add.f32 [tilespmem:s19], [sflag:$0x8], $0x80, s8, s14, $0xb8;
	[tilespmem:$0x1E000] =	vst v63  }
0xd3: {  	_ =	swait.ge [sflag:s23], $0x2000  }
0xd4: {  	s9 =	sld [smem:$0x7E4]  }
0xd5: {  	[sflag:s23] =	ssyncset.done $0x0  }
0xd6: {  	[sflag:s23] =	ssyncadd.s32 $0xFFFFE000  }
0xd7: {  	[tilespmem:s16], [sflag:$0x2] =	stream.indirect.gather [hbm4b:s4+s14], $0x80, s9, s14, $0xb8;
	[tilespmem:$0x1E000] =	vst v63  }
0xd8: {  	_ =	swait.ge [sflag:s13], $0x2000  }
0xd9: {  	s10 =	sld [smem:$0x7E5]  }
0xda: {  	[sflag:s13] =	ssyncset.done $0x0  }
0xdb: {  	[sflag:s13] =	ssyncadd.s32 $0xFFFFE000  }
0xdc: {  	[spmem:s2] =	stream.indirect.scatter.add.f32 [tilespmem:s15], [sflag:$0x5], $0x80, s10, s14, $0xb8;
	[tilespmem:$0x1E000] =	vst v63  }
0xdd: {  	_ =	swait.ge [sflag:s24], $0x2000  }
0xde: {  	s26 =	sld [smem:$0x7E6]  }
0xdf: {  	[sflag:s24] =	ssyncset.done $0x0  }
0xe0: {  	[sflag:s24] =	ssyncadd.s32 $0xFFFFE000  }
0xe1: {  	[tilespmem:s18], [sflag:$0x3] =	stream.indirect.gather [hbm4b:s4+s14], $0x80, s26, s14, $0xb8;
	[tilespmem:$0x1E000] =	vst v63  }
0xe2: {  	_ =	swait.ge [sflag:s17], $0x2000  }
0xe3: {  	s8 =	sld [smem:$0x7E8]  }
0xe4: {  	[sflag:s17] =	ssyncset.done $0x0  }
0xe5: {  	[sflag:s17] =	ssyncadd.s32 $0xFFFFE000  }
0xe6: {  	[spmem:s2] =	stream.indirect.scatter.add.f32 [tilespmem:s16], [sflag:$0x6], $0x80, s8, s14, $0xb8;
	[tilespmem:$0x1E000] =	vst v63  }
0xe7: {  	_ =	swait.ge [sflag:s25], $0x2000  }
0xe8: {  	s9 =	sld [smem:$0x7EA]  }
0xe9: {  	[sflag:s25] =	ssyncset.done $0x0  }
0xea: {  	[sflag:s25] =	ssyncadd.s32 $0xFFFFE000  }
0xeb: {  	[tilespmem:s19], [sflag:$0x4] =	stream.indirect.gather [hbm4b:s4+s14], $0x80, s9, s14, $0xb8;
	[tilespmem:$0x1E000] =	vst v63  }
0xec: {  	_ =	swait.ge [sflag:s20], $0x2000  }
0xed: {  	s10 =	sld [smem:$0x7EB]  }
0xee: {  	[sflag:s20] =	ssyncset.done $0x0  }
0xef: {  	[sflag:s20] =	ssyncadd.s32 $0xFFFFE000  }
0xf0: {  	[spmem:s2] =	stream.indirect.scatter.add.f32 [tilespmem:s18], [sflag:$0x7], $0x80, s10, s14, $0xb8;
	[tilespmem:$0x1E000] =	vst v63  }
0xf1: {  	_ =	swait.ge [sflag:s21], $0x2000  }
0xf2: {  	s26 =	sld [smem:$0x7EC]  }
0xf3: {  	[sflag:s21] =	ssyncset.done $0x0  }
0xf4: {  	[sflag:s21] =	ssyncadd.s32 $0xFFFFE000  }
0xf5: {  	[tilespmem:s15], [sflag:$0x1] =	stream.indirect.gather [hbm4b:s4+s14], $0x80, s26, s14, $0xb8;
	[tilespmem:$0x1E000] =	vst v63  }
0xf6: {  	_ =	swait.ge [sflag:s22], $0x2000  }
0xf7: {  	s8 =	sld [smem:$0x7ED]  }
0xf8: {  	[sflag:s22] =	ssyncset.done $0x0  }
0xf9: {  	[sflag:s22] =	ssyncadd.s32 $0xFFFFE000  }
0xfa: {  	[spmem:s2] =	stream.indirect.scatter.add.f32 [tilespmem:s19], [sflag:$0x8], $0x80, s8, s14, $0xb8;
	[tilespmem:$0x1E000] =	vst v63  }
0xfb: {  	_ =	swait.ge [sflag:s23], $0x2000  }
0xfc: {  	s9 =	sld [smem:$0x7EE]  }
0xfd: {  	[sflag:s23] =	ssyncset.done $0x0  }
0xfe: {  	[sflag:s23] =	ssyncadd.s32 $0xFFFFE000  }
0xff: {  	[tilespmem:s16], [sflag:$0x2] =	stream.indirect.gather [hbm4b:s4+s14], $0x80, s9, s14, $0xb8;
	[tilespmem:$0x1E000] =	vst v63  }
0x100: {  	_ =	swait.ge [sflag:s13], $0x2000  }
0x101: {  	s10 =	sld [smem:$0x7EF]  }
0x102: {  	[sflag:s13] =	ssyncset.done $0x0  }
0x103: {  	[sflag:s13] =	ssyncadd.s32 $0xFFFFE000  }
0x104: {  	[spmem:s2] =	stream.indirect.scatter.add.f32 [tilespmem:s15], [sflag:$0x5], $0x80, s10, s14, $0xb8;
	[tilespmem:$0x1E000] =	vst v63  }
0x105: {  	_ =	swait.ge [sflag:s24], $0x2000  }
0x106: {  	s26 =	sld [smem:$0x7F0]  }
0x107: {  	[sflag:s24] =	ssyncset.done $0x0  }
0x108: {  	[sflag:s24] =	ssyncadd.s32 $0xFFFFE000  }
0x109: {  	[tilespmem:s18], [sflag:$0x3] =	stream.indirect.gather [hbm4b:s4+s14], $0x80, s26, s14, $0xb8;
	[tilespmem:$0x1E000] =	vst v63  }
0x10a: {  	_ =	swait.ge [sflag:s17], $0x2000  }
0x10b: {  	s8 =	sld [smem:$0x7F1]  }
0x10c: {  	[sflag:s17] =	ssyncset.done $0x0  }
0x10d: {  	[sflag:s17] =	ssyncadd.s32 $0xFFFFE000  }
0x10e: {  	[spmem:s2] =	stream.indirect.scatter.add.f32 [tilespmem:s16], [sflag:$0x6], $0x80, s8, s14, $0xb8;
	[tilespmem:$0x1E000] =	vst v63  }
0x10f: {  	_ =	swait.ge [sflag:s25], $0x2000  }
0x110: {  	s9 =	sld [smem:$0x7F2]  }
0x111: {  	[sflag:s25] =	ssyncset.done $0x0  }
0x112: {  	[sflag:s25] =	ssyncadd.s32 $0xFFFFE000  }
0x113: {  	[tilespmem:s19], [sflag:$0x4] =	stream.indirect.gather [hbm4b:s4+s14], $0x80, s9, s14, $0xb8;
	[tilespmem:$0x1E000] =	vst v63  }
0x114: {  	_ =	swait.ge [sflag:s20], $0x2000  }
0x115: {  	s10 =	sld [smem:$0x7F3]  }
0x116: {  	[sflag:s20] =	ssyncset.done $0x0  }
0x117: {  	[sflag:s20] =	ssyncadd.s32 $0xFFFFE000  }
0x118: {  	[spmem:s2] =	stream.indirect.scatter.add.f32 [tilespmem:s18], [sflag:$0x7], $0x80, s10, s14, $0xb8;
	[tilespmem:$0x1E000] =	vst v63  }
0x119: {  	_ =	swait.ge [sflag:s21], $0x2000  }
0x11a: {  	s26 =	sld [smem:$0x7F4]  }
0x11b: {  	[sflag:s21] =	ssyncset.done $0x0  }
0x11c: {  	[sflag:s21] =	ssyncadd.s32 $0xFFFFE000  }
0x11d: {  	[tilespmem:s15], [sflag:$0x1] =	stream.indirect.gather [hbm4b:s4+s14], $0x80, s26, s14, $0xb8;
	[tilespmem:$0x1E000] =	vst v63  }
0x11e: {  	_ =	swait.ge [sflag:s22], $0x2000  }
0x11f: {  	s8 =	sld [smem:$0x7F5]  }
0x120: {  	[sflag:s22] =	ssyncset.done $0x0  }
0x121: {  	[sflag:s22] =	ssyncadd.s32 $0xFFFFE000  }
0x122: {  	[spmem:s2] =	stream.indirect.scatter.add.f32 [tilespmem:s19], [sflag:$0x8], $0x80, s8, s14, $0xb8;
	[tilespmem:$0x1E000] =	vst v63  }
0x123: {  	_ =	swait.ge [sflag:s23], $0x2000  }
0x124: {  	s9 =	sld [smem:$0x7F6]  }
0x125: {  	[sflag:s23] =	ssyncset.done $0x0  }
0x126: {  	[sflag:s23] =	ssyncadd.s32 $0xFFFFE000  }
0x127: {  	[tilespmem:s16], [sflag:$0x2] =	stream.indirect.gather [hbm4b:s4+s14], $0x80, s9, s14, $0xb8;
	[tilespmem:$0x1E000] =	vst v63  }
0x128: {  	_ =	swait.ge [sflag:s13], $0x2000  }
0x129: {  	s10 =	sld [smem:$0x7F7]  }
0x12a: {  	[sflag:s13] =	ssyncset.done $0x0  }
0x12b: {  	[sflag:s13] =	ssyncadd.s32 $0xFFFFE000  }
0x12c: {  	[spmem:s2] =	stream.indirect.scatter.add.f32 [tilespmem:s15], [sflag:$0x5], $0x80, s10, s14, $0xb8;
	[tilespmem:$0x1E000] =	vst v63  }
0x12d: {  	_ =	swait.ge [sflag:s24], $0x2000  }
0x12e: {  	s26 =	sld [smem:$0x7F8]  }
0x12f: {  	[sflag:s24] =	ssyncset.done $0x0  }
0x130: {  	[sflag:s24] =	ssyncadd.s32 $0xFFFFE000  }
0x131: {  	[tilespmem:s18], [sflag:$0x3] =	stream.indirect.gather [hbm4b:s4+s14], $0x80, s26, s14, $0xb8;
	[tilespmem:$0x1E000] =	vst v63  }
0x132: {  	_ =	swait.ge [sflag:s17], $0x2000  }
0x133: {  	s8 =	sld [smem:$0x7F9]  }
0x134: {  	[sflag:s17] =	ssyncset.done $0x0  }
0x135: {  	[sflag:s17] =	ssyncadd.s32 $0xFFFFE000  }
0x136: {  	[spmem:s2] =	stream.indirect.scatter.add.f32 [tilespmem:s16], [sflag:$0x6], $0x80, s8, s14, $0xb8;
	[tilespmem:$0x1E000] =	vst v63  }
0x137: {  	_ =	swait.ge [sflag:s25], $0x2000  }
0x138: {  	s9 =	sld [smem:$0x7FA]  }
0x139: {  	[sflag:s25] =	ssyncset.done $0x0  }
0x13a: {  	[sflag:s25] =	ssyncadd.s32 $0xFFFFE000  }
0x13b: {  	[tilespmem:s19], [sflag:$0x4] =	stream.indirect.gather [hbm4b:s4+s14], $0x80, s9, s14, $0xb8;
	[tilespmem:$0x1E000] =	vst v63  }
0x13c: {  	_ =	swait.ge [sflag:s20], $0x2000  }
0x13d: {  	s10 =	sld [smem:$0x7FB]  }
0x13e: {  	[sflag:s20] =	ssyncset.done $0x0  }
0x13f: {  	[sflag:s20] =	ssyncadd.s32 $0xFFFFE000  }
0x140: {  	[spmem:s2] =	stream.indirect.scatter.add.f32 [tilespmem:s18], [sflag:$0x7], $0x80, s10, s14, $0xb8;
	[tilespmem:$0x1E000] =	vst v63  }
0x141: {  	_ =	swait.ge [sflag:s21], $0x2000  }
0x142: {  	[sflag:s21] =	ssyncset.done $0x0  }
0x143: {  	s26 =	simm.s32 $0x14E00;
	[sflag:s21] =	ssyncadd.s32 $0xFFFFE000  }
0x144: {  	[tilespmem:s15], [sflag:$0x1] =	stream.indirect.gather [hbm4b:s4+s14], $0x80, s26, s14, $0xb8;
	[tilespmem:$0x1E000] =	vst v63  }
0x145: {  	_ =	swait.ge [sflag:s22], $0x2000  }
0x146: {  	[sflag:s22] =	ssyncset.done $0x0  }
0x147: {  	[sflag:s22] =	ssyncadd.s32 $0xFFFFE000  }
0x148: {  	[spmem:s2] =	stream.indirect.scatter.add.f32 [tilespmem:s19], [sflag:$0x8], $0x80, s28, s14, $0xb8;
	[tilespmem:$0x1E000] =	vst v63  }
0x149: {  	_ =	swait.ge [sflag:s23], $0x2000  }
0x14a: {  	[sflag:s23] =	ssyncset.done $0x0  }
0x14b: {  	[sflag:s23] =	ssyncadd.s32 $0xFFFFE000  }
0x14c: {  	[tilespmem:s16], [sflag:$0x2] =	stream.indirect.gather [hbm4b:s4+s14], $0x80, s29, s14, $0xb8;
	[tilespmem:$0x1E000] =	vst v63  }
0x14d: {  	_ =	swait.ge [sflag:s13], $0x2000  }
0x14e: {  	[sflag:s13] =	ssyncset.done $0x0  }
0x14f: {  	[sflag:s13] =	ssyncadd.s32 $0xFFFFE000  }
0x150: {  	[spmem:s2] =	stream.indirect.scatter.add.f32 [tilespmem:s15], [sflag:$0x5], $0x80, s30, s14, $0xb8;
	[tilespmem:$0x1E000] =	vst v63  }
0x151: {  	_ =	swait.ge [sflag:s24], $0x2000  }
0x152: {  	[sflag:s24] =	ssyncset.done $0x0  }
0x153: {  	[sflag:s24] =	ssyncadd.s32 $0xFFFFE000  }
0x154: {  	[tilespmem:s18], [sflag:$0x3] =	stream.indirect.gather [hbm4b:s4+s14], $0x80, s31, s14, $0xb8;
	[tilespmem:$0x1E000] =	vst v63  }
0x155: {  	_ =	swait.ge [sflag:s17], $0x2000  }
0x156: {  	[sflag:s17] =	ssyncset.done $0x0  }
0x157: {  	[sflag:s17] =	ssyncadd.s32 $0xFFFFE000  }
0x158: {  	[spmem:s2] =	stream.indirect.scatter.add.f32 [tilespmem:s16], [sflag:$0x6], $0x80, s1, s14, $0xb8;
	[tilespmem:$0x1E000] =	vst v63  }
0x159: {  	_ =	swait.ge [sflag:s25], $0x2000  }
0x15a: {  	[sflag:s25] =	ssyncset.done $0x0  }
0x15b: {  	[sflag:s25] =	ssyncadd.s32 $0xFFFFE000  }
0x15c: {  	[tilespmem:s19], [sflag:$0x4] =	stream.indirect.gather [hbm4b:s4+s14], $0x80, s0, s14, $0xb8;
	[tilespmem:$0x1E000] =	vst v63  }
0x15d: {  	_ =	swait.ge [sflag:s20], $0x2000  }
0x15e: {  	[sflag:s20] =	ssyncset.done $0x0  }
0x15f: {  	[sflag:s20] =	ssyncadd.s32 $0xFFFFE000  }
0x160: {  	[spmem:s2] =	stream.indirect.scatter.add.f32 [tilespmem:s18], [sflag:$0x7], $0x80, s5, s14, $0xb8;
	[tilespmem:$0x1E000] =	vst v63  }
0x161: {  	_ =	swait.ge [sflag:s22], $0x2000  }
0x162: {  	[sflag:s22] =	ssyncset.done $0x0  }
0x163: {  	[sflag:s22] =	ssyncadd.s32 $0xFFFFE000  }
0x164: {  	[spmem:s2] =	stream.indirect.scatter.add.f32 [tilespmem:s19], [sflag:$0x8], $0x80, s7, s14, $0xb8;
	[tilespmem:$0x1E000] =	vst v63  }
0x165: {  	_ =	swait.ge [sflag:s21], $0x2000  }
0x166: {  	[sflag:s21] =	ssyncset.done $0x0  }
0x167: {  	[sflag:s21] =	ssyncadd.s32 $0xFFFFE000  }
0x168: {  	_ =	swait.ge [sflag:s23], $0x2000  }
0x169: {  	[sflag:s23] =	ssyncset.done $0x0  }
0x16a: {  	[sflag:s23] =	ssyncadd.s32 $0xFFFFE000  }
0x16b: {  	_ =	swait.ge [sflag:s24], $0x2000  }
0x16c: {  	[sflag:s24] =	ssyncset.done $0x0  }
0x16d: {  	[sflag:s24] =	ssyncadd.s32 $0xFFFFE000  }
0x16e: {  	s6 =	simm.s32 $0x200;
	_ =	swait.ge [sflag:s25], $0x2000  }
0x16f: {  	s9 =	simm.s32 $0x400;
	s10 =	rddreg [dreg:$0x5];
	[sflag:s25] =	ssyncset.done $0x0  }
.LBB2_2:
0x170: {  	[sflag:s25] =	ssyncadd.s32 $0xFFFFE000;
	s26 =	rddreg [dreg:$0x4];
	s10 =	sadd.s32 s6, s10  }
0x171: {  	[tilespmem:s11], [sflag:$0x1] =	stream.linear.gather [hbm4b:s10+s3], $0x1000, $0x38;
	[tilespmem:$0x1E000] =	vst v63  }
0x172: {  	s26 =	sadd.s32 s6, s26  }
0x173: {  	[tilespmem:s12], [sflag:$0x2] =	stream.linear.gather [hbm4b:s26+s3], $0x1000, $0x38;
	[tilespmem:$0x1E000] =	vst v63  }
0x174: {  	_ =	swait.ge [sflag:s13], $0x1000  }
0x175: {  	[sflag:s13] =	ssyncset.done $0x0  }
0x176: {  	[sflag:s13] =	ssyncadd.s32 $0xFFFFF000  }
0x177: {  	[tilespmem:s15], [sflag:$0x1] =	stream.indirect.gather [hbm4b:s4+s14], $0x80, s11, s14, $0xb8;
	[tilespmem:$0x1E000] =	vst v63  }
0x178: {  	s10 =	rddreg [dreg:$0x6]  }
0x179: {  	[tilespmem:s16], [sflag:$0x2] =	stream.indirect.gather [hbm4b:s4+s14], $0x80, s10, s14, $0xb8;
	[tilespmem:$0x1E000] =	vst v63  }
0x17a: {  	_ =	swait.ge [sflag:s17], $0x1000  }
0x17b: {  	[sflag:s17] =	ssyncset.done $0x0  }
0x17c: {  	[sflag:s17] =	ssyncadd.s32 $0xFFFFF000  }
0x17d: {  	_ =	swait.ge [sflag:s13], $0x2000  }
0x17e: {  	[sflag:s13] =	ssyncset.done $0x0  }
0x17f: {  	[sflag:s13] =	ssyncadd.s32 $0xFFFFE000  }
0x180: {  	[spmem:s2] =	stream.indirect.scatter.add.f32 [tilespmem:s15], [sflag:$0x5], $0x80, s12, s14, $0xb8;
	[tilespmem:$0x1E000] =	vst v63  }
0x181: {  	s26 =	rddreg [dreg:$0x7]  }
0x182: {  	[tilespmem:s18], [sflag:$0x3] =	stream.indirect.gather [hbm4b:s4+s14], $0x80, s26, s14, $0xb8;
	[tilespmem:$0x1E000] =	vst v63  }
0x183: {  	_ =	swait.ge [sflag:s17], $0x2000  }
0x184: {  	[sflag:s17] =	ssyncset.done $0x0  }
0x185: {  	s10 =	rddreg [dreg:$0x8];
	[sflag:s17] =	ssyncadd.s32 $0xFFFFE000  }
0x186: {  	[spmem:s2] =	stream.indirect.scatter.add.f32 [tilespmem:s16], [sflag:$0x6], $0x80, s10, s14, $0xb8;
	[tilespmem:$0x1E000] =	vst v63  }
0x187: {  	s26 =	rddreg [dreg:$0x9]  }
0x188: {  	[tilespmem:s19], [sflag:$0x4] =	stream.indirect.gather [hbm4b:s4+s14], $0x80, s26, s14, $0xb8;
	[tilespmem:$0x1E000] =	vst v63  }
0x189: {  	_ =	swait.ge [sflag:s20], $0x2000  }
0x18a: {  	[sflag:s20] =	ssyncset.done $0x0  }
0x18b: {  	s10 =	rddreg [dreg:$0xa];
	[sflag:s20] =	ssyncadd.s32 $0xFFFFE000  }
0x18c: {  	[spmem:s2] =	stream.indirect.scatter.add.f32 [tilespmem:s18], [sflag:$0x7], $0x80, s10, s14, $0xb8;
	[tilespmem:$0x1E000] =	vst v63  }
0x18d: {  	_ =	swait.ge [sflag:s21], $0x2000  }
0x18e: {  	[sflag:s21] =	ssyncset.done $0x0  }
0x18f: {  	s26 =	rddreg [dreg:$0xb];
	[sflag:s21] =	ssyncadd.s32 $0xFFFFE000  }
0x190: {  	[tilespmem:s15], [sflag:$0x1] =	stream.indirect.gather [hbm4b:s4+s14], $0x80, s26, s14, $0xb8;
	[tilespmem:$0x1E000] =	vst v63  }
0x191: {  	_ =	swait.ge [sflag:s22], $0x2000  }
0x192: {  	[sflag:s22] =	ssyncset.done $0x0  }
0x193: {  	s10 =	rddreg [dreg:$0xc];
	[sflag:s22] =	ssyncadd.s32 $0xFFFFE000  }
0x194: {  	[spmem:s2] =	stream.indirect.scatter.add.f32 [tilespmem:s19], [sflag:$0x8], $0x80, s10, s14, $0xb8;
	[tilespmem:$0x1E000] =	vst v63  }
0x195: {  	_ =	swait.ge [sflag:s23], $0x2000  }
0x196: {  	[sflag:s23] =	ssyncset.done $0x0  }
0x197: {  	s26 =	rddreg [dreg:$0xd];
	[sflag:s23] =	ssyncadd.s32 $0xFFFFE000  }
0x198: {  	[tilespmem:s16], [sflag:$0x2] =	stream.indirect.gather [hbm4b:s4+s14], $0x80, s26, s14, $0xb8;
	[tilespmem:$0x1E000] =	vst v63  }
0x199: {  	_ =	swait.ge [sflag:s13], $0x2000  }
0x19a: {  	[sflag:s13] =	ssyncset.done $0x0  }
0x19b: {  	s10 =	rddreg [dreg:$0xe];
	[sflag:s13] =	ssyncadd.s32 $0xFFFFE000  }
0x19c: {  	[spmem:s2] =	stream.indirect.scatter.add.f32 [tilespmem:s15], [sflag:$0x5], $0x80, s10, s14, $0xb8;
	[tilespmem:$0x1E000] =	vst v63  }
0x19d: {  	_ =	swait.ge [sflag:s24], $0x2000  }
0x19e: {  	[sflag:s24] =	ssyncset.done $0x0  }
0x19f: {  	s26 =	rddreg [dreg:$0xf];
	[sflag:s24] =	ssyncadd.s32 $0xFFFFE000  }
0x1a0: {  	[tilespmem:s18], [sflag:$0x3] =	stream.indirect.gather [hbm4b:s4+s14], $0x80, s26, s14, $0xb8;
	[tilespmem:$0x1E000] =	vst v63  }
0x1a1: {  	_ =	swait.ge [sflag:s17], $0x2000  }
0x1a2: {  	[sflag:s17] =	ssyncset.done $0x0  }
0x1a3: {  	s10 =	rddreg [dreg:$0x10];
	[sflag:s17] =	ssyncadd.s32 $0xFFFFE000  }
0x1a4: {  	[spmem:s2] =	stream.indirect.scatter.add.f32 [tilespmem:s16], [sflag:$0x6], $0x80, s10, s14, $0xb8;
	[tilespmem:$0x1E000] =	vst v63  }
0x1a5: {  	_ =	swait.ge [sflag:s25], $0x2000  }
0x1a6: {  	[sflag:s25] =	ssyncset.done $0x0  }
0x1a7: {  	s26 =	rddreg [dreg:$0x11];
	[sflag:s25] =	ssyncadd.s32 $0xFFFFE000  }
0x1a8: {  	[tilespmem:s19], [sflag:$0x4] =	stream.indirect.gather [hbm4b:s4+s14], $0x80, s26, s14, $0xb8;
	[tilespmem:$0x1E000] =	vst v63  }
0x1a9: {  	_ =	swait.ge [sflag:s20], $0x2000  }
0x1aa: {  	[sflag:s20] =	ssyncset.done $0x0  }
0x1ab: {  	s10 =	rddreg [dreg:$0x12];
	[sflag:s20] =	ssyncadd.s32 $0xFFFFE000  }
0x1ac: {  	[spmem:s2] =	stream.indirect.scatter.add.f32 [tilespmem:s18], [sflag:$0x7], $0x80, s10, s14, $0xb8;
	[tilespmem:$0x1E000] =	vst v63  }
0x1ad: {  	_ =	swait.ge [sflag:s21], $0x2000  }
0x1ae: {  	[sflag:s21] =	ssyncset.done $0x0  }
0x1af: {  	s26 =	rddreg [dreg:$0x13];
	[sflag:s21] =	ssyncadd.s32 $0xFFFFE000  }
0x1b0: {  	[tilespmem:s15], [sflag:$0x1] =	stream.indirect.gather [hbm4b:s4+s14], $0x80, s26, s14, $0xb8;
	[tilespmem:$0x1E000] =	vst v63  }
0x1b1: {  	_ =	swait.ge [sflag:s22], $0x2000  }
0x1b2: {  	[sflag:s22] =	ssyncset.done $0x0  }
0x1b3: {  	s10 =	rddreg [dreg:$0x14];
	[sflag:s22] =	ssyncadd.s32 $0xFFFFE000  }
0x1b4: {  	[spmem:s2] =	stream.indirect.scatter.add.f32 [tilespmem:s19], [sflag:$0x8], $0x80, s10, s14, $0xb8;
	[tilespmem:$0x1E000] =	vst v63  }
0x1b5: {  	_ =	swait.ge [sflag:s23], $0x2000  }
0x1b6: {  	[sflag:s23] =	ssyncset.done $0x0  }
0x1b7: {  	s26 =	rddreg [dreg:$0x15];
	[sflag:s23] =	ssyncadd.s32 $0xFFFFE000  }
0x1b8: {  	[tilespmem:s16], [sflag:$0x2] =	stream.indirect.gather [hbm4b:s4+s14], $0x80, s26, s14, $0xb8;
	[tilespmem:$0x1E000] =	vst v63  }
0x1b9: {  	_ =	swait.ge [sflag:s13], $0x2000  }
0x1ba: {  	[sflag:s13] =	ssyncset.done $0x0  }
0x1bb: {  	s10 =	rddreg [dreg:$0x16];
	[sflag:s13] =	ssyncadd.s32 $0xFFFFE000  }
0x1bc: {  	[spmem:s2] =	stream.indirect.scatter.add.f32 [tilespmem:s15], [sflag:$0x5], $0x80, s10, s14, $0xb8;
	[tilespmem:$0x1E000] =	vst v63  }
0x1bd: {  	_ =	swait.ge [sflag:s24], $0x2000  }
0x1be: {  	[sflag:s24] =	ssyncset.done $0x0  }
0x1bf: {  	s26 =	rddreg [dreg:$0x17];
	[sflag:s24] =	ssyncadd.s32 $0xFFFFE000  }
0x1c0: {  	[tilespmem:s18], [sflag:$0x3] =	stream.indirect.gather [hbm4b:s4+s14], $0x80, s26, s14, $0xb8;
	[tilespmem:$0x1E000] =	vst v63  }
0x1c1: {  	_ =	swait.ge [sflag:s17], $0x2000  }
0x1c2: {  	[sflag:s17] =	ssyncset.done $0x0  }
0x1c3: {  	s10 =	rddreg [dreg:$0x18];
	[sflag:s17] =	ssyncadd.s32 $0xFFFFE000  }
0x1c4: {  	[spmem:s2] =	stream.indirect.scatter.add.f32 [tilespmem:s16], [sflag:$0x6], $0x80, s10, s14, $0xb8;
	[tilespmem:$0x1E000] =	vst v63  }
0x1c5: {  	_ =	swait.ge [sflag:s25], $0x2000  }
0x1c6: {  	[sflag:s25] =	ssyncset.done $0x0  }
0x1c7: {  	s26 =	rddreg [dreg:$0x19];
	[sflag:s25] =	ssyncadd.s32 $0xFFFFE000  }
0x1c8: {  	[tilespmem:s19], [sflag:$0x4] =	stream.indirect.gather [hbm4b:s4+s14], $0x80, s26, s14, $0xb8;
	[tilespmem:$0x1E000] =	vst v63  }
0x1c9: {  	_ =	swait.ge [sflag:s20], $0x2000  }
0x1ca: {  	[sflag:s20] =	ssyncset.done $0x0  }
0x1cb: {  	s10 =	rddreg [dreg:$0x1a];
	[sflag:s20] =	ssyncadd.s32 $0xFFFFE000  }
0x1cc: {  	[spmem:s2] =	stream.indirect.scatter.add.f32 [tilespmem:s18], [sflag:$0x7], $0x80, s10, s14, $0xb8;
	[tilespmem:$0x1E000] =	vst v63  }
0x1cd: {  	_ =	swait.ge [sflag:s21], $0x2000  }
0x1ce: {  	[sflag:s21] =	ssyncset.done $0x0  }
0x1cf: {  	s26 =	rddreg [dreg:$0x1b];
	[sflag:s21] =	ssyncadd.s32 $0xFFFFE000  }
0x1d0: {  	[tilespmem:s15], [sflag:$0x1] =	stream.indirect.gather [hbm4b:s4+s14], $0x80, s26, s14, $0xb8;
	[tilespmem:$0x1E000] =	vst v63  }
0x1d1: {  	_ =	swait.ge [sflag:s22], $0x2000  }
0x1d2: {  	[sflag:s22] =	ssyncset.done $0x0  }
0x1d3: {  	s10 =	rddreg [dreg:$0x1c];
	[sflag:s22] =	ssyncadd.s32 $0xFFFFE000  }
0x1d4: {  	[spmem:s2] =	stream.indirect.scatter.add.f32 [tilespmem:s19], [sflag:$0x8], $0x80, s10, s14, $0xb8;
	[tilespmem:$0x1E000] =	vst v63  }
0x1d5: {  	_ =	swait.ge [sflag:s23], $0x2000  }
0x1d6: {  	[sflag:s23] =	ssyncset.done $0x0  }
0x1d7: {  	s26 =	rddreg [dreg:$0x1d];
	[sflag:s23] =	ssyncadd.s32 $0xFFFFE000  }
0x1d8: {  	[tilespmem:s16], [sflag:$0x2] =	stream.indirect.gather [hbm4b:s4+s14], $0x80, s26, s14, $0xb8;
	[tilespmem:$0x1E000] =	vst v63  }
0x1d9: {  	_ =	swait.ge [sflag:s13], $0x2000  }
0x1da: {  	[sflag:s13] =	ssyncset.done $0x0  }
0x1db: {  	s10 =	rddreg [dreg:$0x1e];
	[sflag:s13] =	ssyncadd.s32 $0xFFFFE000  }
0x1dc: {  	[spmem:s2] =	stream.indirect.scatter.add.f32 [tilespmem:s15], [sflag:$0x5], $0x80, s10, s14, $0xb8;
	[tilespmem:$0x1E000] =	vst v63  }
0x1dd: {  	_ =	swait.ge [sflag:s24], $0x2000  }
0x1de: {  	[sflag:s24] =	ssyncset.done $0x0  }
0x1df: {  	s26 =	rddreg [dreg:$0x1f];
	[sflag:s24] =	ssyncadd.s32 $0xFFFFE000  }
0x1e0: {  	[tilespmem:s18], [sflag:$0x3] =	stream.indirect.gather [hbm4b:s4+s14], $0x80, s26, s14, $0xb8;
	[tilespmem:$0x1E000] =	vst v63  }
0x1e1: {  	_ =	swait.ge [sflag:s17], $0x2000  }
0x1e2: {  	s10 =	sld [smem:$0x7DE]  }
0x1e3: {  	[sflag:s17] =	ssyncset.done $0x0  }
0x1e4: {  	[sflag:s17] =	ssyncadd.s32 $0xFFFFE000  }
0x1e5: {  	[spmem:s2] =	stream.indirect.scatter.add.f32 [tilespmem:s16], [sflag:$0x6], $0x80, s10, s14, $0xb8;
	[tilespmem:$0x1E000] =	vst v63  }
0x1e6: {  	_ =	swait.ge [sflag:s25], $0x2000  }
0x1e7: {  	s26 =	sld [smem:$0x7DF]  }
0x1e8: {  	[sflag:s25] =	ssyncset.done $0x0  }
0x1e9: {  	[sflag:s25] =	ssyncadd.s32 $0xFFFFE000  }
0x1ea: {  	[tilespmem:s19], [sflag:$0x4] =	stream.indirect.gather [hbm4b:s4+s14], $0x80, s26, s14, $0xb8;
	[tilespmem:$0x1E000] =	vst v63  }
0x1eb: {  	_ =	swait.ge [sflag:s20], $0x2000  }
0x1ec: {  	s10 =	sld [smem:$0x7E0]  }
0x1ed: {  	[sflag:s20] =	ssyncset.done $0x0  }
0x1ee: {  	[sflag:s20] =	ssyncadd.s32 $0xFFFFE000  }
0x1ef: {  	[spmem:s2] =	stream.indirect.scatter.add.f32 [tilespmem:s18], [sflag:$0x7], $0x80, s10, s14, $0xb8;
	[tilespmem:$0x1E000] =	vst v63  }
0x1f0: {  	_ =	swait.ge [sflag:s21], $0x2000  }
0x1f1: {  	s26 =	sld [smem:$0x7E1]  }
0x1f2: {  	[sflag:s21] =	ssyncset.done $0x0  }
0x1f3: {  	[sflag:s21] =	ssyncadd.s32 $0xFFFFE000  }
0x1f4: {  	[tilespmem:s15], [sflag:$0x1] =	stream.indirect.gather [hbm4b:s4+s14], $0x80, s26, s14, $0xb8;
	[tilespmem:$0x1E000] =	vst v63  }
0x1f5: {  	_ =	swait.ge [sflag:s22], $0x2000  }
0x1f6: {  	s10 =	sld [smem:$0x7E2]  }
0x1f7: {  	[sflag:s22] =	ssyncset.done $0x0  }
0x1f8: {  	[sflag:s22] =	ssyncadd.s32 $0xFFFFE000  }
0x1f9: {  	[spmem:s2] =	stream.indirect.scatter.add.f32 [tilespmem:s19], [sflag:$0x8], $0x80, s10, s14, $0xb8;
	[tilespmem:$0x1E000] =	vst v63  }
0x1fa: {  	_ =	swait.ge [sflag:s23], $0x2000  }
0x1fb: {  	s26 =	sld [smem:$0x7E4]  }
0x1fc: {  	[sflag:s23] =	ssyncset.done $0x0  }
0x1fd: {  	[sflag:s23] =	ssyncadd.s32 $0xFFFFE000  }
0x1fe: {  	[tilespmem:s16], [sflag:$0x2] =	stream.indirect.gather [hbm4b:s4+s14], $0x80, s26, s14, $0xb8;
	[tilespmem:$0x1E000] =	vst v63  }
0x1ff: {  	_ =	swait.ge [sflag:s13], $0x2000  }
0x200: {  	s10 =	sld [smem:$0x7E5]  }
0x201: {  	[sflag:s13] =	ssyncset.done $0x0  }
0x202: {  	[sflag:s13] =	ssyncadd.s32 $0xFFFFE000  }
0x203: {  	[spmem:s2] =	stream.indirect.scatter.add.f32 [tilespmem:s15], [sflag:$0x5], $0x80, s10, s14, $0xb8;
	[tilespmem:$0x1E000] =	vst v63  }
0x204: {  	_ =	swait.ge [sflag:s24], $0x2000  }
0x205: {  	s26 =	sld [smem:$0x7E6]  }
0x206: {  	[sflag:s24] =	ssyncset.done $0x0  }
0x207: {  	[sflag:s24] =	ssyncadd.s32 $0xFFFFE000  }
0x208: {  	[tilespmem:s18], [sflag:$0x3] =	stream.indirect.gather [hbm4b:s4+s14], $0x80, s26, s14, $0xb8;
	[tilespmem:$0x1E000] =	vst v63  }
0x209: {  	_ =	swait.ge [sflag:s17], $0x2000  }
0x20a: {  	s10 =	sld [smem:$0x7E8]  }
0x20b: {  	[sflag:s17] =	ssyncset.done $0x0  }
0x20c: {  	[sflag:s17] =	ssyncadd.s32 $0xFFFFE000  }
0x20d: {  	[spmem:s2] =	stream.indirect.scatter.add.f32 [tilespmem:s16], [sflag:$0x6], $0x80, s10, s14, $0xb8;
	[tilespmem:$0x1E000] =	vst v63  }
0x20e: {  	_ =	swait.ge [sflag:s25], $0x2000  }
0x20f: {  	s26 =	sld [smem:$0x7EA]  }
0x210: {  	[sflag:s25] =	ssyncset.done $0x0  }
0x211: {  	[sflag:s25] =	ssyncadd.s32 $0xFFFFE000  }
0x212: {  	[tilespmem:s19], [sflag:$0x4] =	stream.indirect.gather [hbm4b:s4+s14], $0x80, s26, s14, $0xb8;
	[tilespmem:$0x1E000] =	vst v63  }
0x213: {  	_ =	swait.ge [sflag:s20], $0x2000  }
0x214: {  	s10 =	sld [smem:$0x7EB]  }
0x215: {  	[sflag:s20] =	ssyncset.done $0x0  }
0x216: {  	[sflag:s20] =	ssyncadd.s32 $0xFFFFE000  }
0x217: {  	[spmem:s2] =	stream.indirect.scatter.add.f32 [tilespmem:s18], [sflag:$0x7], $0x80, s10, s14, $0xb8;
	[tilespmem:$0x1E000] =	vst v63  }
0x218: {  	_ =	swait.ge [sflag:s21], $0x2000  }
0x219: {  	s26 =	sld [smem:$0x7EC]  }
0x21a: {  	[sflag:s21] =	ssyncset.done $0x0  }
0x21b: {  	[sflag:s21] =	ssyncadd.s32 $0xFFFFE000  }
0x21c: {  	[tilespmem:s15], [sflag:$0x1] =	stream.indirect.gather [hbm4b:s4+s14], $0x80, s26, s14, $0xb8;
	[tilespmem:$0x1E000] =	vst v63  }
0x21d: {  	_ =	swait.ge [sflag:s22], $0x2000  }
0x21e: {  	s10 =	sld [smem:$0x7ED]  }
0x21f: {  	[sflag:s22] =	ssyncset.done $0x0  }
0x220: {  	[sflag:s22] =	ssyncadd.s32 $0xFFFFE000  }
0x221: {  	[spmem:s2] =	stream.indirect.scatter.add.f32 [tilespmem:s19], [sflag:$0x8], $0x80, s10, s14, $0xb8;
	[tilespmem:$0x1E000] =	vst v63  }
0x222: {  	_ =	swait.ge [sflag:s23], $0x2000  }
0x223: {  	s26 =	sld [smem:$0x7EE]  }
0x224: {  	[sflag:s23] =	ssyncset.done $0x0  }
0x225: {  	[sflag:s23] =	ssyncadd.s32 $0xFFFFE000  }
0x226: {  	[tilespmem:s16], [sflag:$0x2] =	stream.indirect.gather [hbm4b:s4+s14], $0x80, s26, s14, $0xb8;
	[tilespmem:$0x1E000] =	vst v63  }
0x227: {  	_ =	swait.ge [sflag:s13], $0x2000  }
0x228: {  	s10 =	sld [smem:$0x7EF]  }
0x229: {  	[sflag:s13] =	ssyncset.done $0x0  }
0x22a: {  	[sflag:s13] =	ssyncadd.s32 $0xFFFFE000  }
0x22b: {  	[spmem:s2] =	stream.indirect.scatter.add.f32 [tilespmem:s15], [sflag:$0x5], $0x80, s10, s14, $0xb8;
	[tilespmem:$0x1E000] =	vst v63  }
0x22c: {  	_ =	swait.ge [sflag:s24], $0x2000  }
0x22d: {  	s26 =	sld [smem:$0x7F0]  }
0x22e: {  	[sflag:s24] =	ssyncset.done $0x0  }
0x22f: {  	[sflag:s24] =	ssyncadd.s32 $0xFFFFE000  }
0x230: {  	[tilespmem:s18], [sflag:$0x3] =	stream.indirect.gather [hbm4b:s4+s14], $0x80, s26, s14, $0xb8;
	[tilespmem:$0x1E000] =	vst v63  }
0x231: {  	_ =	swait.ge [sflag:s17], $0x2000  }
0x232: {  	s10 =	sld [smem:$0x7F1]  }
0x233: {  	[sflag:s17] =	ssyncset.done $0x0  }
0x234: {  	[sflag:s17] =	ssyncadd.s32 $0xFFFFE000  }
0x235: {  	[spmem:s2] =	stream.indirect.scatter.add.f32 [tilespmem:s16], [sflag:$0x6], $0x80, s10, s14, $0xb8;
	[tilespmem:$0x1E000] =	vst v63  }
0x236: {  	_ =	swait.ge [sflag:s25], $0x2000  }
0x237: {  	s26 =	sld [smem:$0x7F2]  }
0x238: {  	[sflag:s25] =	ssyncset.done $0x0  }
0x239: {  	[sflag:s25] =	ssyncadd.s32 $0xFFFFE000  }
0x23a: {  	[tilespmem:s19], [sflag:$0x4] =	stream.indirect.gather [hbm4b:s4+s14], $0x80, s26, s14, $0xb8;
	[tilespmem:$0x1E000] =	vst v63  }
0x23b: {  	_ =	swait.ge [sflag:s20], $0x2000  }
0x23c: {  	s10 =	sld [smem:$0x7F3]  }
0x23d: {  	[sflag:s20] =	ssyncset.done $0x0  }
0x23e: {  	[sflag:s20] =	ssyncadd.s32 $0xFFFFE000  }
0x23f: {  	[spmem:s2] =	stream.indirect.scatter.add.f32 [tilespmem:s18], [sflag:$0x7], $0x80, s10, s14, $0xb8;
	[tilespmem:$0x1E000] =	vst v63  }
0x240: {  	_ =	swait.ge [sflag:s21], $0x2000  }
0x241: {  	s26 =	sld [smem:$0x7F4]  }
0x242: {  	[sflag:s21] =	ssyncset.done $0x0  }
0x243: {  	[sflag:s21] =	ssyncadd.s32 $0xFFFFE000  }
0x244: {  	[tilespmem:s15], [sflag:$0x1] =	stream.indirect.gather [hbm4b:s4+s14], $0x80, s26, s14, $0xb8;
	[tilespmem:$0x1E000] =	vst v63  }
0x245: {  	_ =	swait.ge [sflag:s22], $0x2000  }
0x246: {  	s10 =	sld [smem:$0x7F5]  }
0x247: {  	[sflag:s22] =	ssyncset.done $0x0  }
0x248: {  	[sflag:s22] =	ssyncadd.s32 $0xFFFFE000  }
0x249: {  	[spmem:s2] =	stream.indirect.scatter.add.f32 [tilespmem:s19], [sflag:$0x8], $0x80, s10, s14, $0xb8;
	[tilespmem:$0x1E000] =	vst v63  }
0x24a: {  	_ =	swait.ge [sflag:s23], $0x2000  }
0x24b: {  	s26 =	sld [smem:$0x7F6]  }
0x24c: {  	[sflag:s23] =	ssyncset.done $0x0  }
0x24d: {  	[sflag:s23] =	ssyncadd.s32 $0xFFFFE000  }
0x24e: {  	[tilespmem:s16], [sflag:$0x2] =	stream.indirect.gather [hbm4b:s4+s14], $0x80, s26, s14, $0xb8;
	[tilespmem:$0x1E000] =	vst v63  }
0x24f: {  	_ =	swait.ge [sflag:s13], $0x2000  }
0x250: {  	s10 =	sld [smem:$0x7F7]  }
0x251: {  	[sflag:s13] =	ssyncset.done $0x0  }
0x252: {  	[sflag:s13] =	ssyncadd.s32 $0xFFFFE000  }
0x253: {  	[spmem:s2] =	stream.indirect.scatter.add.f32 [tilespmem:s15], [sflag:$0x5], $0x80, s10, s14, $0xb8;
	[tilespmem:$0x1E000] =	vst v63  }
0x254: {  	_ =	swait.ge [sflag:s24], $0x2000  }
0x255: {  	s26 =	sld [smem:$0x7F8]  }
0x256: {  	[sflag:s24] =	ssyncset.done $0x0  }
0x257: {  	[sflag:s24] =	ssyncadd.s32 $0xFFFFE000  }
0x258: {  	[tilespmem:s18], [sflag:$0x3] =	stream.indirect.gather [hbm4b:s4+s14], $0x80, s26, s14, $0xb8;
	[tilespmem:$0x1E000] =	vst v63  }
0x259: {  	_ =	swait.ge [sflag:s17], $0x2000  }
0x25a: {  	s10 =	sld [smem:$0x7F9]  }
0x25b: {  	[sflag:s17] =	ssyncset.done $0x0  }
0x25c: {  	[sflag:s17] =	ssyncadd.s32 $0xFFFFE000  }
0x25d: {  	[spmem:s2] =	stream.indirect.scatter.add.f32 [tilespmem:s16], [sflag:$0x6], $0x80, s10, s14, $0xb8;
	[tilespmem:$0x1E000] =	vst v63  }
0x25e: {  	_ =	swait.ge [sflag:s25], $0x2000  }
0x25f: {  	s26 =	sld [smem:$0x7FA]  }
0x260: {  	[sflag:s25] =	ssyncset.done $0x0  }
0x261: {  	[sflag:s25] =	ssyncadd.s32 $0xFFFFE000  }
0x262: {  	[tilespmem:s19], [sflag:$0x4] =	stream.indirect.gather [hbm4b:s4+s14], $0x80, s26, s14, $0xb8;
	[tilespmem:$0x1E000] =	vst v63  }
0x263: {  	_ =	swait.ge [sflag:s20], $0x2000  }
0x264: {  	s10 =	sld [smem:$0x7FB]  }
0x265: {  	[sflag:s20] =	ssyncset.done $0x0  }
0x266: {  	[sflag:s20] =	ssyncadd.s32 $0xFFFFE000  }
0x267: {  	[spmem:s2] =	stream.indirect.scatter.add.f32 [tilespmem:s18], [sflag:$0x7], $0x80, s10, s14, $0xb8;
	[tilespmem:$0x1E000] =	vst v63  }
0x268: {  	_ =	swait.ge [sflag:s21], $0x2000  }
0x269: {  	[sflag:s21] =	ssyncset.done $0x0  }
0x26a: {  	s26 =	simm.s32 $0x14E00;
	[sflag:s21] =	ssyncadd.s32 $0xFFFFE000  }
0x26b: {  	[tilespmem:s15], [sflag:$0x1] =	stream.indirect.gather [hbm4b:s4+s14], $0x80, s26, s14, $0xb8;
	[tilespmem:$0x1E000] =	vst v63  }
0x26c: {  	_ =	swait.ge [sflag:s22], $0x2000  }
0x26d: {  	[sflag:s22] =	ssyncset.done $0x0  }
0x26e: {  	[sflag:s22] =	ssyncadd.s32 $0xFFFFE000  }
0x26f: {  	[spmem:s2] =	stream.indirect.scatter.add.f32 [tilespmem:s19], [sflag:$0x8], $0x80, s28, s14, $0xb8;
	[tilespmem:$0x1E000] =	vst v63  }
0x270: {  	_ =	swait.ge [sflag:s23], $0x2000  }
0x271: {  	[sflag:s23] =	ssyncset.done $0x0  }
0x272: {  	[sflag:s23] =	ssyncadd.s32 $0xFFFFE000  }
0x273: {  	[tilespmem:s16], [sflag:$0x2] =	stream.indirect.gather [hbm4b:s4+s14], $0x80, s29, s14, $0xb8;
	[tilespmem:$0x1E000] =	vst v63  }
0x274: {  	_ =	swait.ge [sflag:s13], $0x2000  }
0x275: {  	[sflag:s13] =	ssyncset.done $0x0  }
0x276: {  	[sflag:s13] =	ssyncadd.s32 $0xFFFFE000  }
0x277: {  	[spmem:s2] =	stream.indirect.scatter.add.f32 [tilespmem:s15], [sflag:$0x5], $0x80, s30, s14, $0xb8;
	[tilespmem:$0x1E000] =	vst v63  }
0x278: {  	_ =	swait.ge [sflag:s24], $0x2000  }
0x279: {  	[sflag:s24] =	ssyncset.done $0x0  }
0x27a: {  	[sflag:s24] =	ssyncadd.s32 $0xFFFFE000  }
0x27b: {  	[tilespmem:s18], [sflag:$0x3] =	stream.indirect.gather [hbm4b:s4+s14], $0x80, s31, s14, $0xb8;
	[tilespmem:$0x1E000] =	vst v63  }
0x27c: {  	_ =	swait.ge [sflag:s17], $0x2000  }
0x27d: {  	[sflag:s17] =	ssyncset.done $0x0  }
0x27e: {  	[sflag:s17] =	ssyncadd.s32 $0xFFFFE000  }
0x27f: {  	[spmem:s2] =	stream.indirect.scatter.add.f32 [tilespmem:s16], [sflag:$0x6], $0x80, s1, s14, $0xb8;
	[tilespmem:$0x1E000] =	vst v63  }
0x280: {  	_ =	swait.ge [sflag:s25], $0x2000  }
0x281: {  	[sflag:s25] =	ssyncset.done $0x0  }
0x282: {  	[sflag:s25] =	ssyncadd.s32 $0xFFFFE000  }
0x283: {  	[tilespmem:s19], [sflag:$0x4] =	stream.indirect.gather [hbm4b:s4+s14], $0x80, s0, s14, $0xb8;
	[tilespmem:$0x1E000] =	vst v63  }
0x284: {  	_ =	swait.ge [sflag:s20], $0x2000  }
0x285: {  	[sflag:s20] =	ssyncset.done $0x0  }
0x286: {  	[sflag:s20] =	ssyncadd.s32 $0xFFFFE000  }
0x287: {  	[spmem:s2] =	stream.indirect.scatter.add.f32 [tilespmem:s18], [sflag:$0x7], $0x80, s5, s14, $0xb8;
	[tilespmem:$0x1E000] =	vst v63  }
0x288: {  	_ =	swait.ge [sflag:s22], $0x2000  }
0x289: {  	[sflag:s22] =	ssyncset.done $0x0  }
0x28a: {  	[sflag:s22] =	ssyncadd.s32 $0xFFFFE000  }
0x28b: {  	[spmem:s2] =	stream.indirect.scatter.add.f32 [tilespmem:s19], [sflag:$0x8], $0x80, s7, s14, $0xb8;
	[tilespmem:$0x1E000] =	vst v63  }
0x28c: {  	_ =	swait.ge [sflag:s21], $0x2000  }
0x28d: {  	[sflag:s21] =	ssyncset.done $0x0  }
0x28e: {  	[sflag:s21] =	ssyncadd.s32 $0xFFFFE000  }
0x28f: {  	_ =	swait.ge [sflag:s23], $0x2000  }
0x290: {  	[sflag:s23] =	ssyncset.done $0x0  }
0x291: {  	p0 =	sne.s32 s9, $0x1200;
	[sflag:s23] =	ssyncadd.s32 $0xFFFFE000  }
.Ltmp0:
0x292: {  	_ =	swait.ge [sflag:s24], $0x2000;
	(pc) =	sbr.rel @p0 .LBB2_2-.Ltmp0, $4  }
0x293: {  	[sflag:s24] =	ssyncset.done $0x0  }
0x294: {  	[sflag:s24] =	ssyncadd.s32 $0xFFFFE000  }
0x295: {  	s8 =	smov.u32 s9;
	s9 =	sadd.s32 $0x200, s9;
	_ =	swait.ge [sflag:s25], $0x2000  }
0x296: {  	s6 =	smov.u32 s8;
	s10 =	rddreg [dreg:$0x5];
	[sflag:s25] =	ssyncset.done $0x0  }
0x297: {  	s8 =	rddreg [dreg:$0x4];
	[sflag:s25] =	ssyncadd.s32 $0xFFFFE000;
	s9 =	sadd.s32 s6, s10  }
0x298: {  	[tilespmem:s11], [sflag:$0x1] =	stream.linear.gather [hbm4b:s9+s3], $0x1000, $0x38;
	[tilespmem:$0x1E000] =	vst v63  }
0x299: {  	s26 =	sadd.s32 s6, s8  }
0x29a: {  	[tilespmem:s12], [sflag:$0x2] =	stream.linear.gather [hbm4b:s26+s3], $0x1000, $0x38;
	[tilespmem:$0x1E000] =	vst v63  }
0x29b: {  	_ =	swait.ge [sflag:s13], $0x1000  }
0x29c: {  	[sflag:s13] =	ssyncset.done $0x0  }
0x29d: {  	[sflag:s13] =	ssyncadd.s32 $0xFFFFF000  }
0x29e: {  	[tilespmem:s15], [sflag:$0x1] =	stream.indirect.gather [hbm4b:s4+s14], $0x80, s11, s14, $0xb8;
	[tilespmem:$0x1E000] =	vst v63  }
0x29f: {  	s8 =	rddreg [dreg:$0x6]  }
0x2a0: {  	[tilespmem:s16], [sflag:$0x2] =	stream.indirect.gather [hbm4b:s4+s14], $0x80, s8, s14, $0xb8;
	[tilespmem:$0x1E000] =	vst v63  }
0x2a1: {  	_ =	swait.ge [sflag:s17], $0x1000  }
0x2a2: {  	[sflag:s17] =	ssyncset.done $0x0  }
0x2a3: {  	[sflag:s17] =	ssyncadd.s32 $0xFFFFF000  }
0x2a4: {  	_ =	swait.ge [sflag:s13], $0x2000  }
0x2a5: {  	[sflag:s13] =	ssyncset.done $0x0  }
0x2a6: {  	[sflag:s13] =	ssyncadd.s32 $0xFFFFE000  }
0x2a7: {  	[spmem:s2] =	stream.indirect.scatter.add.f32 [tilespmem:s15], [sflag:$0x5], $0x80, s12, s14, $0xb8;
	[tilespmem:$0x1E000] =	vst v63  }
0x2a8: {  	s9 =	rddreg [dreg:$0x7]  }
0x2a9: {  	[tilespmem:s18], [sflag:$0x3] =	stream.indirect.gather [hbm4b:s4+s14], $0x80, s9, s14, $0xb8;
	[tilespmem:$0x1E000] =	vst v63  }
0x2aa: {  	_ =	swait.ge [sflag:s17], $0x2000  }
0x2ab: {  	[sflag:s17] =	ssyncset.done $0x0  }
0x2ac: {  	s10 =	rddreg [dreg:$0x8];
	[sflag:s17] =	ssyncadd.s32 $0xFFFFE000  }
0x2ad: {  	[spmem:s2] =	stream.indirect.scatter.add.f32 [tilespmem:s16], [sflag:$0x6], $0x80, s10, s14, $0xb8;
	[tilespmem:$0x1E000] =	vst v63  }
0x2ae: {  	s26 =	rddreg [dreg:$0x9]  }
0x2af: {  	[tilespmem:s19], [sflag:$0x4] =	stream.indirect.gather [hbm4b:s4+s14], $0x80, s26, s14, $0xb8;
	[tilespmem:$0x1E000] =	vst v63  }
0x2b0: {  	_ =	swait.ge [sflag:s20], $0x2000  }
0x2b1: {  	[sflag:s20] =	ssyncset.done $0x0  }
0x2b2: {  	s9 =	rddreg [dreg:$0xa];
	[sflag:s20] =	ssyncadd.s32 $0xFFFFE000  }
0x2b3: {  	[spmem:s2] =	stream.indirect.scatter.add.f32 [tilespmem:s18], [sflag:$0x7], $0x80, s9, s14, $0xb8;
	[tilespmem:$0x1E000] =	vst v63  }
0x2b4: {  	_ =	swait.ge [sflag:s21], $0x2000  }
0x2b5: {  	[sflag:s21] =	ssyncset.done $0x0  }
0x2b6: {  	s10 =	rddreg [dreg:$0xb];
	[sflag:s21] =	ssyncadd.s32 $0xFFFFE000  }
0x2b7: {  	[tilespmem:s15], [sflag:$0x1] =	stream.indirect.gather [hbm4b:s4+s14], $0x80, s10, s14, $0xb8;
	[tilespmem:$0x1E000] =	vst v63  }
0x2b8: {  	_ =	swait.ge [sflag:s22], $0x2000  }
0x2b9: {  	[sflag:s22] =	ssyncset.done $0x0  }
0x2ba: {  	s26 =	rddreg [dreg:$0xc];
	[sflag:s22] =	ssyncadd.s32 $0xFFFFE000  }
0x2bb: {  	[spmem:s2] =	stream.indirect.scatter.add.f32 [tilespmem:s19], [sflag:$0x8], $0x80, s26, s14, $0xb8;
	[tilespmem:$0x1E000] =	vst v63  }
0x2bc: {  	_ =	swait.ge [sflag:s23], $0x2000  }
0x2bd: {  	[sflag:s23] =	ssyncset.done $0x0  }
0x2be: {  	s8 =	rddreg [dreg:$0xd];
	[sflag:s23] =	ssyncadd.s32 $0xFFFFE000  }
0x2bf: {  	[tilespmem:s16], [sflag:$0x2] =	stream.indirect.gather [hbm4b:s4+s14], $0x80, s8, s14, $0xb8;
	[tilespmem:$0x1E000] =	vst v63  }
0x2c0: {  	_ =	swait.ge [sflag:s13], $0x2000  }
0x2c1: {  	[sflag:s13] =	ssyncset.done $0x0  }
0x2c2: {  	s9 =	rddreg [dreg:$0xe];
	[sflag:s13] =	ssyncadd.s32 $0xFFFFE000  }
0x2c3: {  	[spmem:s2] =	stream.indirect.scatter.add.f32 [tilespmem:s15], [sflag:$0x5], $0x80, s9, s14, $0xb8;
	[tilespmem:$0x1E000] =	vst v63  }
0x2c4: {  	_ =	swait.ge [sflag:s24], $0x2000  }
0x2c5: {  	[sflag:s24] =	ssyncset.done $0x0  }
0x2c6: {  	s10 =	rddreg [dreg:$0xf];
	[sflag:s24] =	ssyncadd.s32 $0xFFFFE000  }
0x2c7: {  	[tilespmem:s18], [sflag:$0x3] =	stream.indirect.gather [hbm4b:s4+s14], $0x80, s10, s14, $0xb8;
	[tilespmem:$0x1E000] =	vst v63  }
0x2c8: {  	_ =	swait.ge [sflag:s17], $0x2000  }
0x2c9: {  	[sflag:s17] =	ssyncset.done $0x0  }
0x2ca: {  	s26 =	rddreg [dreg:$0x10];
	[sflag:s17] =	ssyncadd.s32 $0xFFFFE000  }
0x2cb: {  	[spmem:s2] =	stream.indirect.scatter.add.f32 [tilespmem:s16], [sflag:$0x6], $0x80, s26, s14, $0xb8;
	[tilespmem:$0x1E000] =	vst v63  }
0x2cc: {  	_ =	swait.ge [sflag:s25], $0x2000  }
0x2cd: {  	[sflag:s25] =	ssyncset.done $0x0  }
0x2ce: {  	s8 =	rddreg [dreg:$0x11];
	[sflag:s25] =	ssyncadd.s32 $0xFFFFE000  }
0x2cf: {  	[tilespmem:s19], [sflag:$0x4] =	stream.indirect.gather [hbm4b:s4+s14], $0x80, s8, s14, $0xb8;
	[tilespmem:$0x1E000] =	vst v63  }
0x2d0: {  	_ =	swait.ge [sflag:s20], $0x2000  }
0x2d1: {  	[sflag:s20] =	ssyncset.done $0x0  }
0x2d2: {  	s9 =	rddreg [dreg:$0x12];
	[sflag:s20] =	ssyncadd.s32 $0xFFFFE000  }
0x2d3: {  	[spmem:s2] =	stream.indirect.scatter.add.f32 [tilespmem:s18], [sflag:$0x7], $0x80, s9, s14, $0xb8;
	[tilespmem:$0x1E000] =	vst v63  }
0x2d4: {  	_ =	swait.ge [sflag:s21], $0x2000  }
0x2d5: {  	[sflag:s21] =	ssyncset.done $0x0  }
0x2d6: {  	s10 =	rddreg [dreg:$0x13];
	[sflag:s21] =	ssyncadd.s32 $0xFFFFE000  }
0x2d7: {  	[tilespmem:s15], [sflag:$0x1] =	stream.indirect.gather [hbm4b:s4+s14], $0x80, s10, s14, $0xb8;
	[tilespmem:$0x1E000] =	vst v63  }
0x2d8: {  	_ =	swait.ge [sflag:s22], $0x2000  }
0x2d9: {  	[sflag:s22] =	ssyncset.done $0x0  }
0x2da: {  	s26 =	rddreg [dreg:$0x14];
	[sflag:s22] =	ssyncadd.s32 $0xFFFFE000  }
0x2db: {  	[spmem:s2] =	stream.indirect.scatter.add.f32 [tilespmem:s19], [sflag:$0x8], $0x80, s26, s14, $0xb8;
	[tilespmem:$0x1E000] =	vst v63  }
0x2dc: {  	_ =	swait.ge [sflag:s23], $0x2000  }
0x2dd: {  	[sflag:s23] =	ssyncset.done $0x0  }
0x2de: {  	s8 =	rddreg [dreg:$0x15];
	[sflag:s23] =	ssyncadd.s32 $0xFFFFE000  }
0x2df: {  	[tilespmem:s16], [sflag:$0x2] =	stream.indirect.gather [hbm4b:s4+s14], $0x80, s8, s14, $0xb8;
	[tilespmem:$0x1E000] =	vst v63  }
0x2e0: {  	_ =	swait.ge [sflag:s13], $0x2000  }
0x2e1: {  	[sflag:s13] =	ssyncset.done $0x0  }
0x2e2: {  	s9 =	rddreg [dreg:$0x16];
	[sflag:s13] =	ssyncadd.s32 $0xFFFFE000  }
0x2e3: {  	[spmem:s2] =	stream.indirect.scatter.add.f32 [tilespmem:s15], [sflag:$0x5], $0x80, s9, s14, $0xb8;
	[tilespmem:$0x1E000] =	vst v63  }
0x2e4: {  	_ =	swait.ge [sflag:s24], $0x2000  }
0x2e5: {  	[sflag:s24] =	ssyncset.done $0x0  }
0x2e6: {  	s10 =	rddreg [dreg:$0x17];
	[sflag:s24] =	ssyncadd.s32 $0xFFFFE000  }
0x2e7: {  	[tilespmem:s18], [sflag:$0x3] =	stream.indirect.gather [hbm4b:s4+s14], $0x80, s10, s14, $0xb8;
	[tilespmem:$0x1E000] =	vst v63  }
0x2e8: {  	_ =	swait.ge [sflag:s17], $0x2000  }
0x2e9: {  	[sflag:s17] =	ssyncset.done $0x0  }
0x2ea: {  	s26 =	rddreg [dreg:$0x18];
	[sflag:s17] =	ssyncadd.s32 $0xFFFFE000  }
0x2eb: {  	[spmem:s2] =	stream.indirect.scatter.add.f32 [tilespmem:s16], [sflag:$0x6], $0x80, s26, s14, $0xb8;
	[tilespmem:$0x1E000] =	vst v63  }
0x2ec: {  	_ =	swait.ge [sflag:s25], $0x2000  }
0x2ed: {  	[sflag:s25] =	ssyncset.done $0x0  }
0x2ee: {  	s8 =	rddreg [dreg:$0x19];
	[sflag:s25] =	ssyncadd.s32 $0xFFFFE000  }
0x2ef: {  	[tilespmem:s19], [sflag:$0x4] =	stream.indirect.gather [hbm4b:s4+s14], $0x80, s8, s14, $0xb8;
	[tilespmem:$0x1E000] =	vst v63  }
0x2f0: {  	_ =	swait.ge [sflag:s20], $0x2000  }
0x2f1: {  	[sflag:s20] =	ssyncset.done $0x0  }
0x2f2: {  	s9 =	rddreg [dreg:$0x1a];
	[sflag:s20] =	ssyncadd.s32 $0xFFFFE000  }
0x2f3: {  	[spmem:s2] =	stream.indirect.scatter.add.f32 [tilespmem:s18], [sflag:$0x7], $0x80, s9, s14, $0xb8;
	[tilespmem:$0x1E000] =	vst v63  }
0x2f4: {  	_ =	swait.ge [sflag:s21], $0x2000  }
0x2f5: {  	[sflag:s21] =	ssyncset.done $0x0  }
0x2f6: {  	s10 =	rddreg [dreg:$0x1b];
	[sflag:s21] =	ssyncadd.s32 $0xFFFFE000  }
0x2f7: {  	[tilespmem:s15], [sflag:$0x1] =	stream.indirect.gather [hbm4b:s4+s14], $0x80, s10, s14, $0xb8;
	[tilespmem:$0x1E000] =	vst v63  }
0x2f8: {  	_ =	swait.ge [sflag:s22], $0x2000  }
0x2f9: {  	[sflag:s22] =	ssyncset.done $0x0  }
0x2fa: {  	s26 =	rddreg [dreg:$0x1c];
	[sflag:s22] =	ssyncadd.s32 $0xFFFFE000  }
0x2fb: {  	[spmem:s2] =	stream.indirect.scatter.add.f32 [tilespmem:s19], [sflag:$0x8], $0x80, s26, s14, $0xb8;
	[tilespmem:$0x1E000] =	vst v63  }
0x2fc: {  	_ =	swait.ge [sflag:s23], $0x2000  }
0x2fd: {  	[sflag:s23] =	ssyncset.done $0x0  }
0x2fe: {  	s8 =	rddreg [dreg:$0x1d];
	[sflag:s23] =	ssyncadd.s32 $0xFFFFE000  }
0x2ff: {  	[tilespmem:s16], [sflag:$0x2] =	stream.indirect.gather [hbm4b:s4+s14], $0x80, s8, s14, $0xb8;
	[tilespmem:$0x1E000] =	vst v63  }
0x300: {  	_ =	swait.ge [sflag:s13], $0x2000  }
0x301: {  	[sflag:s13] =	ssyncset.done $0x0  }
0x302: {  	s9 =	rddreg [dreg:$0x1e];
	[sflag:s13] =	ssyncadd.s32 $0xFFFFE000  }
0x303: {  	[spmem:s2] =	stream.indirect.scatter.add.f32 [tilespmem:s15], [sflag:$0x5], $0x80, s9, s14, $0xb8;
	[tilespmem:$0x1E000] =	vst v63  }
0x304: {  	_ =	swait.ge [sflag:s24], $0x2000  }
0x305: {  	[sflag:s24] =	ssyncset.done $0x0  }
0x306: {  	s10 =	rddreg [dreg:$0x1f];
	[sflag:s24] =	ssyncadd.s32 $0xFFFFE000  }
0x307: {  	[tilespmem:s18], [sflag:$0x3] =	stream.indirect.gather [hbm4b:s4+s14], $0x80, s10, s14, $0xb8;
	[tilespmem:$0x1E000] =	vst v63  }
0x308: {  	_ =	swait.ge [sflag:s17], $0x2000  }
0x309: {  	s26 =	sld [smem:$0x7DE]  }
0x30a: {  	[sflag:s17] =	ssyncset.done $0x0  }
0x30b: {  	[sflag:s17] =	ssyncadd.s32 $0xFFFFE000  }
0x30c: {  	[spmem:s2] =	stream.indirect.scatter.add.f32 [tilespmem:s16], [sflag:$0x6], $0x80, s26, s14, $0xb8;
	[tilespmem:$0x1E000] =	vst v63  }
0x30d: {  	_ =	swait.ge [sflag:s25], $0x2000  }
0x30e: {  	s8 =	sld [smem:$0x7DF]  }
0x30f: {  	[sflag:s25] =	ssyncset.done $0x0  }
0x310: {  	[sflag:s25] =	ssyncadd.s32 $0xFFFFE000  }
0x311: {  	[tilespmem:s19], [sflag:$0x4] =	stream.indirect.gather [hbm4b:s4+s14], $0x80, s8, s14, $0xb8;
	[tilespmem:$0x1E000] =	vst v63  }
0x312: {  	_ =	swait.ge [sflag:s20], $0x2000  }
0x313: {  	s9 =	sld [smem:$0x7E0]  }
0x314: {  	[sflag:s20] =	ssyncset.done $0x0  }
0x315: {  	[sflag:s20] =	ssyncadd.s32 $0xFFFFE000  }
0x316: {  	[spmem:s2] =	stream.indirect.scatter.add.f32 [tilespmem:s18], [sflag:$0x7], $0x80, s9, s14, $0xb8;
	[tilespmem:$0x1E000] =	vst v63  }
0x317: {  	_ =	swait.ge [sflag:s21], $0x2000  }
0x318: {  	s10 =	sld [smem:$0x7E1]  }
0x319: {  	[sflag:s21] =	ssyncset.done $0x0  }
0x31a: {  	[sflag:s21] =	ssyncadd.s32 $0xFFFFE000  }
0x31b: {  	[tilespmem:s15], [sflag:$0x1] =	stream.indirect.gather [hbm4b:s4+s14], $0x80, s10, s14, $0xb8;
	[tilespmem:$0x1E000] =	vst v63  }
0x31c: {  	_ =	swait.ge [sflag:s22], $0x2000  }
0x31d: {  	s26 =	sld [smem:$0x7E2]  }
0x31e: {  	[sflag:s22] =	ssyncset.done $0x0  }
0x31f: {  	[sflag:s22] =	ssyncadd.s32 $0xFFFFE000  }
0x320: {  	[spmem:s2] =	stream.indirect.scatter.add.f32 [tilespmem:s19], [sflag:$0x8], $0x80, s26, s14, $0xb8;
	[tilespmem:$0x1E000] =	vst v63  }
0x321: {  	_ =	swait.ge [sflag:s23], $0x2000  }
0x322: {  	s8 =	sld [smem:$0x7E4]  }
0x323: {  	[sflag:s23] =	ssyncset.done $0x0  }
0x324: {  	[sflag:s23] =	ssyncadd.s32 $0xFFFFE000  }
0x325: {  	[tilespmem:s16], [sflag:$0x2] =	stream.indirect.gather [hbm4b:s4+s14], $0x80, s8, s14, $0xb8;
	[tilespmem:$0x1E000] =	vst v63  }
0x326: {  	_ =	swait.ge [sflag:s13], $0x2000  }
0x327: {  	s9 =	sld [smem:$0x7E5]  }
0x328: {  	[sflag:s13] =	ssyncset.done $0x0  }
0x329: {  	[sflag:s13] =	ssyncadd.s32 $0xFFFFE000  }
0x32a: {  	[spmem:s2] =	stream.indirect.scatter.add.f32 [tilespmem:s15], [sflag:$0x5], $0x80, s9, s14, $0xb8;
	[tilespmem:$0x1E000] =	vst v63  }
0x32b: {  	_ =	swait.ge [sflag:s24], $0x2000  }
0x32c: {  	s10 =	sld [smem:$0x7E6]  }
0x32d: {  	[sflag:s24] =	ssyncset.done $0x0  }
0x32e: {  	[sflag:s24] =	ssyncadd.s32 $0xFFFFE000  }
0x32f: {  	[tilespmem:s18], [sflag:$0x3] =	stream.indirect.gather [hbm4b:s4+s14], $0x80, s10, s14, $0xb8;
	[tilespmem:$0x1E000] =	vst v63  }
0x330: {  	_ =	swait.ge [sflag:s17], $0x2000  }
0x331: {  	s26 =	sld [smem:$0x7E8]  }
0x332: {  	[sflag:s17] =	ssyncset.done $0x0  }
0x333: {  	[sflag:s17] =	ssyncadd.s32 $0xFFFFE000  }
0x334: {  	[spmem:s2] =	stream.indirect.scatter.add.f32 [tilespmem:s16], [sflag:$0x6], $0x80, s26, s14, $0xb8;
	[tilespmem:$0x1E000] =	vst v63  }
0x335: {  	_ =	swait.ge [sflag:s25], $0x2000  }
0x336: {  	s8 =	sld [smem:$0x7EA]  }
0x337: {  	[sflag:s25] =	ssyncset.done $0x0  }
0x338: {  	[sflag:s25] =	ssyncadd.s32 $0xFFFFE000  }
0x339: {  	[tilespmem:s19], [sflag:$0x4] =	stream.indirect.gather [hbm4b:s4+s14], $0x80, s8, s14, $0xb8;
	[tilespmem:$0x1E000] =	vst v63  }
0x33a: {  	_ =	swait.ge [sflag:s20], $0x2000  }
0x33b: {  	s9 =	sld [smem:$0x7EB]  }
0x33c: {  	[sflag:s20] =	ssyncset.done $0x0  }
0x33d: {  	[sflag:s20] =	ssyncadd.s32 $0xFFFFE000  }
0x33e: {  	[spmem:s2] =	stream.indirect.scatter.add.f32 [tilespmem:s18], [sflag:$0x7], $0x80, s9, s14, $0xb8;
	[tilespmem:$0x1E000] =	vst v63  }
0x33f: {  	_ =	swait.ge [sflag:s21], $0x2000  }
0x340: {  	s10 =	sld [smem:$0x7EC]  }
0x341: {  	[sflag:s21] =	ssyncset.done $0x0  }
0x342: {  	[sflag:s21] =	ssyncadd.s32 $0xFFFFE000  }
0x343: {  	[tilespmem:s15], [sflag:$0x1] =	stream.indirect.gather [hbm4b:s4+s14], $0x80, s10, s14, $0xb8;
	[tilespmem:$0x1E000] =	vst v63  }
0x344: {  	_ =	swait.ge [sflag:s22], $0x2000  }
0x345: {  	s26 =	sld [smem:$0x7ED]  }
0x346: {  	[sflag:s22] =	ssyncset.done $0x0  }
0x347: {  	[sflag:s22] =	ssyncadd.s32 $0xFFFFE000  }
0x348: {  	[spmem:s2] =	stream.indirect.scatter.add.f32 [tilespmem:s19], [sflag:$0x8], $0x80, s26, s14, $0xb8;
	[tilespmem:$0x1E000] =	vst v63  }
0x349: {  	_ =	swait.ge [sflag:s23], $0x2000  }
0x34a: {  	s8 =	sld [smem:$0x7EE]  }
0x34b: {  	[sflag:s23] =	ssyncset.done $0x0  }
0x34c: {  	[sflag:s23] =	ssyncadd.s32 $0xFFFFE000  }
0x34d: {  	[tilespmem:s16], [sflag:$0x2] =	stream.indirect.gather [hbm4b:s4+s14], $0x80, s8, s14, $0xb8;
	[tilespmem:$0x1E000] =	vst v63  }
0x34e: {  	_ =	swait.ge [sflag:s13], $0x2000  }
0x34f: {  	s9 =	sld [smem:$0x7EF]  }
0x350: {  	[sflag:s13] =	ssyncset.done $0x0  }
0x351: {  	[sflag:s13] =	ssyncadd.s32 $0xFFFFE000  }
0x352: {  	[spmem:s2] =	stream.indirect.scatter.add.f32 [tilespmem:s15], [sflag:$0x5], $0x80, s9, s14, $0xb8;
	[tilespmem:$0x1E000] =	vst v63  }
0x353: {  	_ =	swait.ge [sflag:s24], $0x2000  }
0x354: {  	s10 =	sld [smem:$0x7F0]  }
0x355: {  	[sflag:s24] =	ssyncset.done $0x0  }
0x356: {  	[sflag:s24] =	ssyncadd.s32 $0xFFFFE000  }
0x357: {  	[tilespmem:s18], [sflag:$0x3] =	stream.indirect.gather [hbm4b:s4+s14], $0x80, s10, s14, $0xb8;
	[tilespmem:$0x1E000] =	vst v63  }
0x358: {  	_ =	swait.ge [sflag:s17], $0x2000  }
0x359: {  	s26 =	sld [smem:$0x7F1]  }
0x35a: {  	[sflag:s17] =	ssyncset.done $0x0  }
0x35b: {  	[sflag:s17] =	ssyncadd.s32 $0xFFFFE000  }
0x35c: {  	[spmem:s2] =	stream.indirect.scatter.add.f32 [tilespmem:s16], [sflag:$0x6], $0x80, s26, s14, $0xb8;
	[tilespmem:$0x1E000] =	vst v63  }
0x35d: {  	_ =	swait.ge [sflag:s25], $0x2000  }
0x35e: {  	s8 =	sld [smem:$0x7F2]  }
0x35f: {  	[sflag:s25] =	ssyncset.done $0x0  }
0x360: {  	[sflag:s25] =	ssyncadd.s32 $0xFFFFE000  }
0x361: {  	[tilespmem:s19], [sflag:$0x4] =	stream.indirect.gather [hbm4b:s4+s14], $0x80, s8, s14, $0xb8;
	[tilespmem:$0x1E000] =	vst v63  }
0x362: {  	_ =	swait.ge [sflag:s20], $0x2000  }
0x363: {  	s9 =	sld [smem:$0x7F3]  }
0x364: {  	[sflag:s20] =	ssyncset.done $0x0  }
0x365: {  	[sflag:s20] =	ssyncadd.s32 $0xFFFFE000  }
0x366: {  	[spmem:s2] =	stream.indirect.scatter.add.f32 [tilespmem:s18], [sflag:$0x7], $0x80, s9, s14, $0xb8;
	[tilespmem:$0x1E000] =	vst v63  }
0x367: {  	_ =	swait.ge [sflag:s21], $0x2000  }
0x368: {  	s10 =	sld [smem:$0x7F4]  }
0x369: {  	[sflag:s21] =	ssyncset.done $0x0  }
0x36a: {  	[sflag:s21] =	ssyncadd.s32 $0xFFFFE000  }
0x36b: {  	[tilespmem:s15], [sflag:$0x1] =	stream.indirect.gather [hbm4b:s4+s14], $0x80, s10, s14, $0xb8;
	[tilespmem:$0x1E000] =	vst v63  }
0x36c: {  	_ =	swait.ge [sflag:s22], $0x2000  }
0x36d: {  	s26 =	sld [smem:$0x7F5]  }
0x36e: {  	[sflag:s22] =	ssyncset.done $0x0  }
0x36f: {  	[sflag:s22] =	ssyncadd.s32 $0xFFFFE000  }
0x370: {  	[spmem:s2] =	stream.indirect.scatter.add.f32 [tilespmem:s19], [sflag:$0x8], $0x80, s26, s14, $0xb8;
	[tilespmem:$0x1E000] =	vst v63  }
0x371: {  	_ =	swait.ge [sflag:s23], $0x2000  }
0x372: {  	s8 =	sld [smem:$0x7F6]  }
0x373: {  	[sflag:s23] =	ssyncset.done $0x0  }
0x374: {  	[sflag:s23] =	ssyncadd.s32 $0xFFFFE000  }
0x375: {  	[tilespmem:s16], [sflag:$0x2] =	stream.indirect.gather [hbm4b:s4+s14], $0x80, s8, s14, $0xb8;
	[tilespmem:$0x1E000] =	vst v63  }
0x376: {  	_ =	swait.ge [sflag:s13], $0x2000  }
0x377: {  	s9 =	sld [smem:$0x7F7]  }
0x378: {  	[sflag:s13] =	ssyncset.done $0x0  }
0x379: {  	[sflag:s13] =	ssyncadd.s32 $0xFFFFE000  }
0x37a: {  	[spmem:s2] =	stream.indirect.scatter.add.f32 [tilespmem:s15], [sflag:$0x5], $0x80, s9, s14, $0xb8;
	[tilespmem:$0x1E000] =	vst v63  }
0x37b: {  	_ =	swait.ge [sflag:s24], $0x2000  }
0x37c: {  	s10 =	sld [smem:$0x7F8]  }
0x37d: {  	[sflag:s24] =	ssyncset.done $0x0  }
0x37e: {  	[sflag:s24] =	ssyncadd.s32 $0xFFFFE000  }
0x37f: {  	[tilespmem:s18], [sflag:$0x3] =	stream.indirect.gather [hbm4b:s4+s14], $0x80, s10, s14, $0xb8;
	[tilespmem:$0x1E000] =	vst v63  }
0x380: {  	_ =	swait.ge [sflag:s17], $0x2000  }
0x381: {  	s26 =	sld [smem:$0x7F9]  }
0x382: {  	[sflag:s17] =	ssyncset.done $0x0  }
0x383: {  	[sflag:s17] =	ssyncadd.s32 $0xFFFFE000  }
0x384: {  	[spmem:s2] =	stream.indirect.scatter.add.f32 [tilespmem:s16], [sflag:$0x6], $0x80, s26, s14, $0xb8;
	[tilespmem:$0x1E000] =	vst v63  }
0x385: {  	_ =	swait.ge [sflag:s25], $0x2000  }
0x386: {  	s8 =	sld [smem:$0x7FA]  }
0x387: {  	[sflag:s25] =	ssyncset.done $0x0  }
0x388: {  	[sflag:s25] =	ssyncadd.s32 $0xFFFFE000  }
0x389: {  	[tilespmem:s19], [sflag:$0x4] =	stream.indirect.gather [hbm4b:s4+s14], $0x80, s8, s14, $0xb8;
	[tilespmem:$0x1E000] =	vst v63  }
0x38a: {  	_ =	swait.ge [sflag:s20], $0x2000  }
0x38b: {  	s9 =	sld [smem:$0x7FB]  }
0x38c: {  	[sflag:s20] =	ssyncset.done $0x0  }
0x38d: {  	[sflag:s20] =	ssyncadd.s32 $0xFFFFE000  }
0x38e: {  	[spmem:s2] =	stream.indirect.scatter.add.f32 [tilespmem:s18], [sflag:$0x7], $0x80, s9, s14, $0xb8;
	[tilespmem:$0x1E000] =	vst v63  }
0x38f: {  	_ =	swait.ge [sflag:s21], $0x2000  }
0x390: {  	[sflag:s21] =	ssyncset.done $0x0  }
0x391: {  	s10 =	simm.s32 $0x14E00;
	[sflag:s21] =	ssyncadd.s32 $0xFFFFE000  }
0x392: {  	[tilespmem:s15], [sflag:$0x1] =	stream.indirect.gather [hbm4b:s4+s14], $0x80, s10, s14, $0xb8;
	[tilespmem:$0x1E000] =	vst v63  }
0x393: {  	_ =	swait.ge [sflag:s22], $0x2000  }
0x394: {  	[sflag:s22] =	ssyncset.done $0x0  }
0x395: {  	[sflag:s22] =	ssyncadd.s32 $0xFFFFE000  }
0x396: {  	[spmem:s2] =	stream.indirect.scatter.add.f32 [tilespmem:s19], [sflag:$0x8], $0x80, s28, s14, $0xb8;
	[tilespmem:$0x1E000] =	vst v63  }
0x397: {  	_ =	swait.ge [sflag:s23], $0x2000  }
0x398: {  	[sflag:s23] =	ssyncset.done $0x0  }
0x399: {  	[sflag:s23] =	ssyncadd.s32 $0xFFFFE000  }
0x39a: {  	[tilespmem:s16], [sflag:$0x2] =	stream.indirect.gather [hbm4b:s4+s14], $0x80, s29, s14, $0xb8;
	[tilespmem:$0x1E000] =	vst v63  }
0x39b: {  	_ =	swait.ge [sflag:s13], $0x2000  }
0x39c: {  	[sflag:s13] =	ssyncset.done $0x0  }
0x39d: {  	[sflag:s13] =	ssyncadd.s32 $0xFFFFE000  }
0x39e: {  	[spmem:s2] =	stream.indirect.scatter.add.f32 [tilespmem:s15], [sflag:$0x5], $0x80, s30, s14, $0xb8;
	[tilespmem:$0x1E000] =	vst v63  }
0x39f: {  	_ =	swait.ge [sflag:s24], $0x2000  }
0x3a0: {  	[sflag:s24] =	ssyncset.done $0x0  }
0x3a1: {  	[sflag:s24] =	ssyncadd.s32 $0xFFFFE000  }
0x3a2: {  	[tilespmem:s18], [sflag:$0x3] =	stream.indirect.gather [hbm4b:s4+s14], $0x80, s31, s14, $0xb8;
	[tilespmem:$0x1E000] =	vst v63  }
0x3a3: {  	_ =	swait.ge [sflag:s17], $0x2000  }
0x3a4: {  	[sflag:s17] =	ssyncset.done $0x0  }
0x3a5: {  	[sflag:s17] =	ssyncadd.s32 $0xFFFFE000  }
0x3a6: {  	[spmem:s2] =	stream.indirect.scatter.add.f32 [tilespmem:s16], [sflag:$0x6], $0x80, s1, s14, $0xb8;
	[tilespmem:$0x1E000] =	vst v63  }
0x3a7: {  	_ =	swait.ge [sflag:s25], $0x2000  }
0x3a8: {  	[sflag:s25] =	ssyncset.done $0x0  }
0x3a9: {  	[sflag:s25] =	ssyncadd.s32 $0xFFFFE000  }
0x3aa: {  	[tilespmem:s19], [sflag:$0x4] =	stream.indirect.gather [hbm4b:s4+s14], $0x80, s0, s14, $0xb8;
	[tilespmem:$0x1E000] =	vst v63  }
0x3ab: {  	_ =	swait.ge [sflag:s20], $0x2000  }
0x3ac: {  	[sflag:s20] =	ssyncset.done $0x0  }
0x3ad: {  	[sflag:s20] =	ssyncadd.s32 $0xFFFFE000  }
0x3ae: {  	[spmem:s2] =	stream.indirect.scatter.add.f32 [tilespmem:s18], [sflag:$0x7], $0x80, s5, s14, $0xb8;
	[tilespmem:$0x1E000] =	vst v63  }
0x3af: {  	_ =	swait.ge [sflag:s22], $0x2000  }
0x3b0: {  	[sflag:s22] =	ssyncset.done $0x0  }
0x3b1: {  	[sflag:s22] =	ssyncadd.s32 $0xFFFFE000  }
0x3b2: {  	[spmem:s2] =	stream.indirect.scatter.add.f32 [tilespmem:s19], [sflag:$0x8], $0x80, s7, s14, $0xb8;
	[tilespmem:$0x1E000] =	vst v63  }
0x3b3: {  	_ =	swait.ge [sflag:s21], $0x2000  }
0x3b4: {  	[sflag:s21] =	ssyncset.done $0x0  }
0x3b5: {  	[sflag:s21] =	ssyncadd.s32 $0xFFFFE000  }
0x3b6: {  	_ =	swait.ge [sflag:s23], $0x2000  }
0x3b7: {  	[sflag:s23] =	ssyncset.done $0x0  }
0x3b8: {  	[sflag:s23] =	ssyncadd.s32 $0xFFFFE000  }
0x3b9: {  	_ =	swait.ge [sflag:s24], $0x2000  }
0x3ba: {  	[sflag:s24] =	ssyncset.done $0x0  }
0x3bb: {  	[sflag:s24] =	ssyncadd.s32 $0xFFFFE000  }
0x3bc: {  	_ =	swait.ge [sflag:s25], $0x2000  }
0x3bd: {  	[sflag:s25] =	ssyncset.done $0x0  }
0x3be: {  	[sflag:s25] =	ssyncadd.s32 $0xFFFFE000  }
0x3bf: {  	[bflag:$0x0] =	sbarrier.arrive $0xFFFF  }
0x3c0: {  	s8 =	sld [smem:$0x7FC]  }
0x3c1: {  	s26 =	sld [smem:$0x7E7]  }
0x3c2: {  	s9 =	sld [smem:$0x7FD];
	_ =	sdelay $0x1  }
0x3c3: {  	s10 =	simm.s32 $0x9  }
0x3c4: {  	[hbm:s26], [sflag:s8] =	dma.local [spmem:s9], $0x2800  }
0x3c5: {  	_ =	swait.ge [sflag:s10], $0x2800  }
0x3c6: {  	s26 =	sld [smem:$0x7DD]  }
0x3c7: {  	s6 =	sld [smem:$0x7E9];
	_ =	sdelay $0x1  }
0x3c8: {  	s26 =	sadd.s32 $0x1, s26  }
0x3c9: {  	p0 =	sne.s32 s26, s6  }
.Ltmp1:
0x3ca: {  	_ = 	snop;
	(pc) =	sbr.rel @p0 .LBB2_1-.Ltmp1, $3  }
0x3cb: {  	_ =	sdelay $0x1  }
0x3cc: {  	[sflag:s10] =	ssyncset.done $0x0  }
0x3cd: {  	[sflag:s10] =	ssyncadd.s32 $0xFFFFD800  }
0x3ce: {  	_ =	sfence.sel $0x180000  }
0x3cf: {  	[bflag:$0x0] =	sbarrier.arrive $0xFFFF  }
0x3d0: {  	_ =	strace $0x90000047  }
0x3d1: {  	s0 =	stileid.u32;
	[bflag:$0x2] =	sbarrier.arrive $0xFFFF  }
0x3d2: {  	p0 =	sne.s32 s0, $0x0;
	s0 =	rddreg [dreg:$0x3]  }
0x3d3: {  	s0 =	sadd.s32 @!p0 $0x100000, s0  }
0x3d4: {  	[sflag:s0] =	ssyncadd.tile.s32 @!p0 $0x1;
	_ =	shalt  }
.Lfunc_end2:
_tile_overlayer_lowered:
.L_overlay_start_2:
0x3d5: {  	(tag) =	ssettag $0x2  }
0x3d6: {  	s0 =	rddreg [dreg:$0x0];
	s2 =	stileid.u32  }
0x3d7: {  	s1 =	rddreg [dreg:$0x1];
	p0 =	sne.s32 s2, $0x0  }
0x3d8: {  	s3 =	rddreg [dreg:$0x2];
	[bflag:$0x3] =	sbarrier.arrive $0xFFFF;
	s2 =	simm.s32 @!p0 $0x1C09  }
0x3d9: {  	[timem:s3], [sflag:s2] =	dma.local @!p0 [hbm:s0], s1  }
0x3da: {  	s0 =	simm.s32 @!p0 $0x9  }
0x3db: {  	_ =	swait.ge @!p0 [sflag:s0], s1  }
0x3dc: {  	s1 =	ssub.s32 @!p0 $0x0, s1;
	[sflag:s0] =	ssyncset.done @!p0 $0x0  }
0x3dd: {  	[sflag:s0] =	ssyncadd.s32 @!p0 s1  }
0x3de: {  	[bflag:$0x3] =	sbarrier.arrive $0xFFFF  }
0x3df: {  	_ =	shalt  }

</sc_bundles>
